<compile_context>
chip_gen: v7x
topology: tpu7x:2x2x1
jax: 0.10.2.dev20260603
libtpu: 0.0.44.dev20260713+nightly
codegen_flags: <defaults>
</compile_context>

<pallas_src>
import functools

import jax
import jax.numpy as jnp
from jax import lax
from jax.experimental import pallas as pl
from jax.experimental.pallas import tpu as pltpu
from jax.experimental.pallas import tpu_sc as plsc

B = 16384
NC = 2
NS = 16
NW = NC * NS
BPW = B // NW
L = 16

NUSERS_PAD = 1000448
NQUESTIONS_PAD = 100352
QTAB_LEN = 2 * NQUESTIONS_PAD


def _tec_body(uid_hbm, qid_hbm, theta_hbm, qtab_hbm, out_hbm,
              uid_v, qid_v, th_v, be_v, al_v, out_v, sem_u, sem_q, sem):
    wid = lax.axis_index("s") * NC + lax.axis_index("c")
    base = wid * BPW

    cu = pltpu.async_copy(uid_hbm.at[pl.ds(base, BPW)], uid_v, sem_u)
    cq = pltpu.async_copy(qid_hbm.at[pl.ds(base, BPW)], qid_v, sem_q)

    cq.wait()
    ca = pltpu.async_copy(
        qtab_hbm.at[pl.ds(NQUESTIONS_PAD, NQUESTIONS_PAD)].at[qid_v], al_v, sem_q)
    cb = pltpu.async_copy(qtab_hbm.at[pl.ds(0, NQUESTIONS_PAD)].at[qid_v], be_v, sem)
    cu.wait()
    ct = pltpu.async_copy(theta_hbm.at[uid_v], th_v, sem)
    ca.wait()

    for i in range(BPW // L):
        s = pl.ds(i * L, L)
        a = al_v[s]
        v = jnp.exp(-jnp.abs(a))
        z = v / (v + 2.0)
        z2 = z * z
        p = 1.0 + z2 * (1.0 / 3.0 + z2 * (1.0 / 5.0))
        al_v[s] = jnp.maximum(a, 0.0) + 2.0 * z * p

    cb.wait()
    ct.wait()
    for i in range(BPW // L):
        s = pl.ds(i * L, L)
        d = al_v[s] * (th_v[s] - be_v[s])
        out_v[s] = 1.0 / (1.0 + jnp.exp(-d))

    pltpu.sync_copy(out_v, out_hbm.at[pl.ds(base, BPW)])


@functools.partial(
    pl.kernel,
    out_type=jax.ShapeDtypeStruct((B,), jnp.float32),
    mesh=plsc.VectorSubcoreMesh(core_axis_name="c", subcore_axis_name="s"),
    scratch_types=[
        pltpu.VMEM((BPW,), jnp.int32),
        pltpu.VMEM((BPW,), jnp.int32),
        pltpu.VMEM((BPW,), jnp.float32),
        pltpu.VMEM((BPW,), jnp.float32),
        pltpu.VMEM((BPW,), jnp.float32),
        pltpu.VMEM((BPW,), jnp.float32),
        pltpu.SemaphoreType.DMA,
        pltpu.SemaphoreType.DMA,
        pltpu.SemaphoreType.DMA,
    ],
)
def _irt_sc_kernel(uid, qid, theta, qtab, out,
                   uid_v, qid_v, th_v, be_v, al_v, out_v, sem_u, sem_q, sem):
    _tec_body(uid, qid, theta, qtab, out,
              uid_v, qid_v, th_v, be_v, al_v, out_v, sem_u, sem_q, sem)


def _linearize(table, n_pad):
    n = table.shape[0]
    return jnp.pad(table.reshape(1, n), ((0, 0), (0, n_pad - n))).reshape(n_pad)


def kernel(user_id, question_id, theta, beta, alpha):
    uid = user_id.astype(jnp.int32)
    qid = question_id.astype(jnp.int32)
    n = beta.shape[0]
    qtab = jnp.pad(
        jnp.concatenate([beta.reshape(1, n), alpha.reshape(1, n)], axis=0),
        ((0, 0), (0, NQUESTIONS_PAD - n))).reshape(QTAB_LEN)
    out = _irt_sc_kernel(uid, qid, _linearize(theta, NUSERS_PAD), qtab)
    return out.reshape(B, 1)

# --- scband reference (transcript-rebuilt; emitter-appended) ---
"""Pipeline reference for scband-irt-2-pl-model-74500502717113 (READ-ONLY COPY).

The authoritative reference and input builder live on the scoring server;
editing this copy changes nothing except your own understanding.
"""

import jax, jax.numpy as jnp
import numpy as np

NUM_USERS = 1000000
NUM_QUESTIONS = 100000
BATCH = 16384

def setup_inputs(seed: int = 0) -> dict:
    key = jax.random.key(seed)
    k1, k2, k3, k4, k5 = jax.random.split(key, 5)
    user_id = jax.random.randint(k1, (BATCH,), 0, NUM_USERS)
    question_id = jax.random.randint(k2, (BATCH,), 0, NUM_QUESTIONS)
    theta = jax.random.normal(k3, (NUM_USERS, 1), dtype=jnp.float32) * 0.1
    beta = jax.random.normal(k4, (NUM_QUESTIONS, 1), dtype=jnp.float32) * 0.1
    alpha = 1.0 + jax.random.normal(k5, (NUM_QUESTIONS, 1), dtype=jnp.float32) * 0.1
    return {"user_id": user_id, "question_id": question_id, "theta": theta, "beta": beta, "alpha": alpha}

def reference(user_id, question_id, theta, beta, alpha):
    theta_i = jnp.take(theta, user_id, axis=0)
    beta_j = jnp.take(beta, question_id, axis=0)
    alpha_j = jnp.take(alpha, question_id, axis=0)
    alpha_j_positive = jax.nn.softplus(alpha_j)
    diff = alpha_j_positive * (theta_i - beta_j)
    return jax.nn.sigmoid(diff)

if __name__ == "__main__":
    import jax
    _d = setup_inputs()
    print(jax.jit(kernel)(*tuple(_d.values())))

</pallas_src>

<mosaic_0001>
#map = affine_map<(d0, d1) -> (0)>
module attributes {stable_mosaic.version = 14 : i64} {
  func.func @_irt_sc_kernel(%arg0: i32, %arg1: i32, %arg2: memref<16384xi32, #tpu.memory_space<hbm>>, %arg3: memref<16384xi32, #tpu.memory_space<hbm>>, %arg4: memref<1000448xf32, #tpu.memory_space<hbm>>, %arg5: memref<200704xf32, #tpu.memory_space<hbm>>, %arg6: memref<16384xf32, #tpu.memory_space<hbm>>, %arg7: memref<512xi32, #tpu.memory_space<vmem>>, %arg8: memref<512xi32, #tpu.memory_space<vmem>>, %arg9: memref<512xf32, #tpu.memory_space<vmem>>, %arg10: memref<512xf32, #tpu.memory_space<vmem>>, %arg11: memref<512xf32, #tpu.memory_space<vmem>>, %arg12: memref<512xf32, #tpu.memory_space<vmem>>, %arg13: memref<!tpu.dma_semaphore, #tpu.memory_space<semaphore_mem>>, %arg14: memref<!tpu.dma_semaphore, #tpu.memory_space<semaphore_mem>>, %arg15: memref<!tpu.dma_semaphore, #tpu.memory_space<semaphore_mem>>) attributes {dimension_semantics = [#tpu.dimension_semantics<core_parallel>, #tpu.dimension_semantics<subcore_parallel>], iteration_bounds = array<i64: 2, 16>, scalar_prefetch = 0 : i64, scratch_operands = 9 : i64, tpu.core_type = #tpu.core_type<sc_vector_subcore>, window_params = [{transform_indices = #map}, {transform_indices = #map}, {transform_indices = #map}, {transform_indices = #map}, {transform_indices = #map}]} {
    %mul3A = arith.constant 2 : i32
    %mul3A_0 = arith.muli %arg1, %mul3A : i32
    %add3A = arith.addi %mul3A_0, %arg0 : i32
    %mul3A_1 = arith.constant 512 : i32
    %mul3A_2 = arith.muli %add3A, %mul3A_1 : i32
    %dma_start3A = tpu.memref_slice %arg2[%mul3A_2] : memref<16384xi32, #tpu.memory_space<hbm>> -> memref<512xi32, #tpu.memory_space<hbm>>
    %dma_start3A_3 = tpu.memref_slice %arg2[%mul3A_2] : memref<16384xi32, #tpu.memory_space<hbm>> -> memref<512xi32, #tpu.memory_space<hbm>>
    tpu.enqueue_dma source(%dma_start3A_3 : memref<512xi32, #tpu.memory_space<hbm>>) target(%arg7 : memref<512xi32, #tpu.memory_space<vmem>>) target_semaphore(%arg13 : memref<!tpu.dma_semaphore, #tpu.memory_space<semaphore_mem>>)
    %dma_start3A_4 = tpu.memref_slice %arg3[%mul3A_2] : memref<16384xi32, #tpu.memory_space<hbm>> -> memref<512xi32, #tpu.memory_space<hbm>>
    %dma_start3A_5 = tpu.memref_slice %arg3[%mul3A_2] : memref<16384xi32, #tpu.memory_space<hbm>> -> memref<512xi32, #tpu.memory_space<hbm>>
    tpu.enqueue_dma source(%dma_start3A_5 : memref<512xi32, #tpu.memory_space<hbm>>) target(%arg8 : memref<512xi32, #tpu.memory_space<vmem>>) target_semaphore(%arg14 : memref<!tpu.dma_semaphore, #tpu.memory_space<semaphore_mem>>)
    %dma_wait3A = tpu.memref_slice %arg3[%mul3A_2] : memref<16384xi32, #tpu.memory_space<hbm>> -> memref<512xi32, #tpu.memory_space<hbm>>
    %dma_wait3A_6 = tpu.memref_slice %arg3[%mul3A_2] : memref<16384xi32, #tpu.memory_space<hbm>> -> memref<512xi32, #tpu.memory_space<hbm>>
    tpu.wait_dma2 semaphore(%arg14 : memref<!tpu.dma_semaphore, #tpu.memory_space<semaphore_mem>>) src(%dma_wait3A_6 : memref<512xi32, #tpu.memory_space<hbm>>) dst(%arg8 : memref<512xi32, #tpu.memory_space<vmem>>)
    %dma_start3A_7 = arith.constant 100352 : i32
    %dma_start3A_8 = tpu.memref_slice %arg5[%dma_start3A_7] : memref<200704xf32, #tpu.memory_space<hbm>> -> memref<100352xf32, #tpu.memory_space<hbm>>
    %dma_start3A_9 = arith.constant 0 : i32
    %dma_start3A_10 = tpu.memref_slice %dma_start3A_8[%dma_start3A_9] : memref<100352xf32, #tpu.memory_space<hbm>> -> memref<100352xf32, #tpu.memory_space<hbm>>
    tpu.enqueue_indirect_dma source(%dma_start3A_10 : memref<100352xf32, #tpu.memory_space<hbm>>) target(%arg11 : memref<512xf32, #tpu.memory_space<vmem>>) offsets(%arg8 : memref<512xi32, #tpu.memory_space<vmem>>) semaphore(%arg14 : memref<!tpu.dma_semaphore, #tpu.memory_space<semaphore_mem>>)
    %dma_start3A_11 = arith.constant 0 : i32
    %dma_start3A_12 = tpu.memref_slice %arg5[%dma_start3A_11] : memref<200704xf32, #tpu.memory_space<hbm>> -> memref<100352xf32, #tpu.memory_space<hbm>>
    %dma_start3A_13 = arith.constant 0 : i32
    %dma_start3A_14 = tpu.memref_slice %dma_start3A_12[%dma_start3A_13] : memref<100352xf32, #tpu.memory_space<hbm>> -> memref<100352xf32, #tpu.memory_space<hbm>>
    tpu.enqueue_indirect_dma source(%dma_start3A_14 : memref<100352xf32, #tpu.memory_space<hbm>>) target(%arg10 : memref<512xf32, #tpu.memory_space<vmem>>) offsets(%arg8 : memref<512xi32, #tpu.memory_space<vmem>>) semaphore(%arg15 : memref<!tpu.dma_semaphore, #tpu.memory_space<semaphore_mem>>)
    %dma_wait3A_15 = tpu.memref_slice %arg2[%mul3A_2] : memref<16384xi32, #tpu.memory_space<hbm>> -> memref<512xi32, #tpu.memory_space<hbm>>
    %dma_wait3A_16 = tpu.memref_slice %arg2[%mul3A_2] : memref<16384xi32, #tpu.memory_space<hbm>> -> memref<512xi32, #tpu.memory_space<hbm>>
    tpu.wait_dma2 semaphore(%arg13 : memref<!tpu.dma_semaphore, #tpu.memory_space<semaphore_mem>>) src(%dma_wait3A_16 : memref<512xi32, #tpu.memory_space<hbm>>) dst(%arg7 : memref<512xi32, #tpu.memory_space<vmem>>)
    %dma_start3A_17 = arith.constant 0 : i32
    %dma_start3A_18 = tpu.memref_slice %arg4[%dma_start3A_17] : memref<1000448xf32, #tpu.memory_space<hbm>> -> memref<1000448xf32, #tpu.memory_space<hbm>>
    tpu.enqueue_indirect_dma source(%dma_start3A_18 : memref<1000448xf32, #tpu.memory_space<hbm>>) target(%arg9 : memref<512xf32, #tpu.memory_space<vmem>>) offsets(%arg7 : memref<512xi32, #tpu.memory_space<vmem>>) semaphore(%arg15 : memref<!tpu.dma_semaphore, #tpu.memory_space<semaphore_mem>>)
    %dma_wait3A_19 = arith.constant 100352 : i32
    %dma_wait3A_20 = tpu.memref_slice %arg5[%dma_wait3A_19] : memref<200704xf32, #tpu.memory_space<hbm>> -> memref<100352xf32, #tpu.memory_space<hbm>>
    %dma_wait3A_21 = arith.constant 0 : i32
    %dma_wait3A_22 = tpu.memref_slice %dma_wait3A_20[%dma_wait3A_21] : memref<100352xf32, #tpu.memory_space<hbm>> -> memref<100352xf32, #tpu.memory_space<hbm>>
    tpu.wait_indirect_dma semaphore(%arg14 : memref<!tpu.dma_semaphore, #tpu.memory_space<semaphore_mem>>) src(%dma_wait3A_22 : memref<100352xf32, #tpu.memory_space<hbm>>) dst(%arg11 : memref<512xf32, #tpu.memory_space<vmem>>)
    %get3A = arith.constant 0 : index
    %get3A_23 = tpu.vector_load %arg11[%get3A] {strides = array<i32>} : memref<512xf32, #tpu.memory_space<vmem>>, vector<16xf32>,
    %get3A_24 = vector.shape_cast %get3A_23 : vector<16xf32> to vector<16xf32>
    %abs3A = math.absf %get3A_24 : vector<16xf32>
    %neg3A = arith.constant 0.000000e+00 : f32
    %neg3A_25 = vector.broadcast %neg3A : f32 to vector<16xf32>
    %neg3A_26 = arith.subf %neg3A_25, %abs3A : vector<16xf32>
    %exp3A = math.exp %neg3A_26 : vector<16xf32>
    %add3A_27 = arith.constant 2.000000e+00 : f32
    %add3A_28 = vector.broadcast %add3A_27 : f32 to vector<16xf32>
    %add3A_29 = arith.addf %exp3A, %add3A_28 : vector<16xf32>
    %div3A = arith.divf %exp3A, %add3A_29 : vector<16xf32>
    %mul3A_30 = arith.mulf %div3A, %div3A : vector<16xf32>
    %mul3A_31 = arith.constant 2.000000e-01 : f32
    %mul3A_32 = vector.broadcast %mul3A_31 : f32 to vector<16xf32>
    %mul3A_33 = arith.mulf %mul3A_30, %mul3A_32 : vector<16xf32>
    %add3A_34 = arith.constant 0.333333343 : f32
    %add3A_35 = vector.broadcast %add3A_34 : f32 to vector<16xf32>
    %add3A_36 = arith.addf %add3A_35, %mul3A_33 : vector<16xf32>
    %mul3A_37 = arith.mulf %mul3A_30, %add3A_36 : vector<16xf32>
    %add3A_38 = arith.constant 1.000000e+00 : f32
    %add3A_39 = vector.broadcast %add3A_38 : f32 to vector<16xf32>
    %add3A_40 = arith.addf %add3A_39, %mul3A_37 : vector<16xf32>
    %max3A = arith.constant 0.000000e+00 : f32
    %max3A_41 = vector.broadcast %max3A : f32 to vector<16xf32>
    %max3A_42 = arith.maximumf %get3A_24, %max3A_41 : vector<16xf32>
    %mul3A_43 = arith.constant 2.000000e+00 : f32
    %mul3A_44 = vector.broadcast %mul3A_43 : f32 to vector<16xf32>
    %mul3A_45 = arith.mulf %mul3A_44, %div3A : vector<16xf32>
    %mul3A_46 = arith.mulf %mul3A_45, %add3A_40 : vector<16xf32>
    %add3A_47 = arith.addf %max3A_42, %mul3A_46 : vector<16xf32>
    %swap3A = arith.constant 0 : index
    %swap3A_48 = tpu.vector_load %arg11[%swap3A] {strides = array<i32>} : memref<512xf32, #tpu.memory_space<vmem>>, vector<16xf32>,
    %swap3A_49 = vector.shape_cast %swap3A_48 : vector<16xf32> to vector<16xf32>
    %swap3A_50 = vector.shape_cast %add3A_47 : vector<16xf32> to vector<16xf32>
    tpu.vector_store %arg11[%swap3A], %swap3A_50 {strides = array<i32>} : memref<512xf32, #tpu.memory_space<vmem>>, vector<16xf32>,
    %get3A_51 = arith.constant 16 : index
    %get3A_52 = tpu.vector_load %arg11[%get3A_51] {strides = array<i32>} : memref<512xf32, #tpu.memory_space<vmem>>, vector<16xf32>,
    %get3A_53 = vector.shape_cast %get3A_52 : vector<16xf32> to vector<16xf32>
    %abs3A_54 = math.absf %get3A_53 : vector<16xf32>
    %neg3A_55 = arith.constant 0.000000e+00 : f32
    %neg3A_56 = vector.broadcast %neg3A_55 : f32 to vector<16xf32>
    %neg3A_57 = arith.subf %neg3A_56, %abs3A_54 : vector<16xf32>
    %exp3A_58 = math.exp %neg3A_57 : vector<16xf32>
    %add3A_59 = arith.constant 2.000000e+00 : f32
    %add3A_60 = vector.broadcast %add3A_59 : f32 to vector<16xf32>
    %add3A_61 = arith.addf %exp3A_58, %add3A_60 : vector<16xf32>
    %div3A_62 = arith.divf %exp3A_58, %add3A_61 : vector<16xf32>
    %mul3A_63 = arith.mulf %div3A_62, %div3A_62 : vector<16xf32>
    %mul3A_64 = arith.constant 2.000000e-01 : f32
    %mul3A_65 = vector.broadcast %mul3A_64 : f32 to vector<16xf32>
    %mul3A_66 = arith.mulf %mul3A_63, %mul3A_65 : vector<16xf32>
    %add3A_67 = arith.constant 0.333333343 : f32
    %add3A_68 = vector.broadcast %add3A_67 : f32 to vector<16xf32>
    %add3A_69 = arith.addf %add3A_68, %mul3A_66 : vector<16xf32>
    %mul3A_70 = arith.mulf %mul3A_63, %add3A_69 : vector<16xf32>
    %add3A_71 = arith.constant 1.000000e+00 : f32
    %add3A_72 = vector.broadcast %add3A_71 : f32 to vector<16xf32>
    %add3A_73 = arith.addf %add3A_72, %mul3A_70 : vector<16xf32>
    %max3A_74 = arith.constant 0.000000e+00 : f32
    %max3A_75 = vector.broadcast %max3A_74 : f32 to vector<16xf32>
    %max3A_76 = arith.maximumf %get3A_53, %max3A_75 : vector<16xf32>
    %mul3A_77 = arith.constant 2.000000e+00 : f32
    %mul3A_78 = vector.broadcast %mul3A_77 : f32 to vector<16xf32>
    %mul3A_79 = arith.mulf %mul3A_78, %div3A_62 : vector<16xf32>
    %mul3A_80 = arith.mulf %mul3A_79, %add3A_73 : vector<16xf32>
    %add3A_81 = arith.addf %max3A_76, %mul3A_80 : vector<16xf32>
    %swap3A_82 = arith.constant 16 : index
    %swap3A_83 = tpu.vector_load %arg11[%swap3A_82] {strides = array<i32>} : memref<512xf32, #tpu.memory_space<vmem>>, vector<16xf32>,
    %swap3A_84 = vector.shape_cast %swap3A_83 : vector<16xf32> to vector<16xf32>
    %swap3A_85 = vector.shape_cast %add3A_81 : vector<16xf32> to vector<16xf32>
    tpu.vector_store %arg11[%swap3A_82], %swap3A_85 {strides = array<i32>} : memref<512xf32, #tpu.memory_space<vmem>>, vector<16xf32>,
    %get3A_86 = arith.constant 32 : index
    %get3A_87 = tpu.vector_load %arg11[%get3A_86] {strides = array<i32>} : memref<512xf32, #tpu.memory_space<vmem>>, vector<16xf32>,
    %get3A_88 = vector.shape_cast %get3A_87 : vector<16xf32> to vector<16xf32>
    %abs3A_89 = math.absf %get3A_88 : vector<16xf32>
    %neg3A_90 = arith.constant 0.000000e+00 : f32
    %neg3A_91 = vector.broadcast %neg3A_90 : f32 to vector<16xf32>
    %neg3A_92 = arith.subf %neg3A_91, %abs3A_89 : vector<16xf32>
    %exp3A_93 = math.exp %neg3A_92 : vector<16xf32>
    %add3A_94 = arith.constant 2.000000e+00 : f32
    %add3A_95 = vector.broadcast %add3A_94 : f32 to vector<16xf32>
    %add3A_96 = arith.addf %exp3A_93, %add3A_95 : vector<16xf32>
    %div3A_97 = arith.divf %exp3A_93, %add3A_96 : vector<16xf32>
    %mul3A_98 = arith.mulf %div3A_97, %div3A_97 : vector<16xf32>
    %mul3A_99 = arith.constant 2.000000e-01 : f32
    %mul3A_100 = vector.broadcast %mul3A_99 : f32 to vector<16xf32>
    %mul3A_101 = arith.mulf %mul3A_98, %mul3A_100 : vector<16xf32>
    %add3A_102 = arith.constant 0.333333343 : f32
    %add3A_103 = vector.broadcast %add3A_102 : f32 to vector<16xf32>
    %add3A_104 = arith.addf %add3A_103, %mul3A_101 : vector<16xf32>
    %mul3A_105 = arith.mulf %mul3A_98, %add3A_104 : vector<16xf32>
    %add3A_106 = arith.constant 1.000000e+00 : f32
    %add3A_107 = vector.broadcast %add3A_106 : f32 to vector<16xf32>
    %add3A_108 = arith.addf %add3A_107, %mul3A_105 : vector<16xf32>
    %max3A_109 = arith.constant 0.000000e+00 : f32
    %max3A_110 = vector.broadcast %max3A_109 : f32 to vector<16xf32>
    %max3A_111 = arith.maximumf %get3A_88, %max3A_110 : vector<16xf32>
    %mul3A_112 = arith.constant 2.000000e+00 : f32
    %mul3A_113 = vector.broadcast %mul3A_112 : f32 to vector<16xf32>
    %mul3A_114 = arith.mulf %mul3A_113, %div3A_97 : vector<16xf32>
    %mul3A_115 = arith.mulf %mul3A_114, %add3A_108 : vector<16xf32>
    %add3A_116 = arith.addf %max3A_111, %mul3A_115 : vector<16xf32>
    %swap3A_117 = arith.constant 32 : index
    %swap3A_118 = tpu.vector_load %arg11[%swap3A_117] {strides = array<i32>} : memref<512xf32, #tpu.memory_space<vmem>>, vector<16xf32>,
    %swap3A_119 = vector.shape_cast %swap3A_118 : vector<16xf32> to vector<16xf32>
    %swap3A_120 = vector.shape_cast %add3A_116 : vector<16xf32> to vector<16xf32>
    tpu.vector_store %arg11[%swap3A_117], %swap3A_120 {strides = array<i32>} : memref<512xf32, #tpu.memory_space<vmem>>, vector<16xf32>,
    %get3A_121 = arith.constant 48 : index
    %get3A_122 = tpu.vector_load %arg11[%get3A_121] {strides = array<i32>} : memref<512xf32, #tpu.memory_space<vmem>>, vector<16xf32>,
    %get3A_123 = vector.shape_cast %get3A_122 : vector<16xf32> to vector<16xf32>
    %abs3A_124 = math.absf %get3A_123 : vector<16xf32>
    %neg3A_125 = arith.constant 0.000000e+00 : f32
    %neg3A_126 = vector.broadcast %neg3A_125 : f32 to vector<16xf32>
    %neg3A_127 = arith.subf %neg3A_126, %abs3A_124 : vector<16xf32>
    %exp3A_128 = math.exp %neg3A_127 : vector<16xf32>
    %add3A_129 = arith.constant 2.000000e+00 : f32
    %add3A_130 = vector.broadcast %add3A_129 : f32 to vector<16xf32>
    %add3A_131 = arith.addf %exp3A_128, %add3A_130 : vector<16xf32>
    %div3A_132 = arith.divf %exp3A_128, %add3A_131 : vector<16xf32>
    %mul3A_133 = arith.mulf %div3A_132, %div3A_132 : vector<16xf32>
    %mul3A_134 = arith.constant 2.000000e-01 : f32
    %mul3A_135 = vector.broadcast %mul3A_134 : f32 to vector<16xf32>
    %mul3A_136 = arith.mulf %mul3A_133, %mul3A_135 : vector<16xf32>
    %add3A_137 = arith.constant 0.333333343 : f32
    %add3A_138 = vector.broadcast %add3A_137 : f32 to vector<16xf32>
    %add3A_139 = arith.addf %add3A_138, %mul3A_136 : vector<16xf32>
    %mul3A_140 = arith.mulf %mul3A_133, %add3A_139 : vector<16xf32>
    %add3A_141 = arith.constant 1.000000e+00 : f32
    %add3A_142 = vector.broadcast %add3A_141 : f32 to vector<16xf32>
    %add3A_143 = arith.addf %add3A_142, %mul3A_140 : vector<16xf32>
    %max3A_144 = arith.constant 0.000000e+00 : f32
    %max3A_145 = vector.broadcast %max3A_144 : f32 to vector<16xf32>
    %max3A_146 = arith.maximumf %get3A_123, %max3A_145 : vector<16xf32>
    %mul3A_147 = arith.constant 2.000000e+00 : f32
    %mul3A_148 = vector.broadcast %mul3A_147 : f32 to vector<16xf32>
    %mul3A_149 = arith.mulf %mul3A_148, %div3A_132 : vector<16xf32>
    %mul3A_150 = arith.mulf %mul3A_149, %add3A_143 : vector<16xf32>
    %add3A_151 = arith.addf %max3A_146, %mul3A_150 : vector<16xf32>
    %swap3A_152 = arith.constant 48 : index
    %swap3A_153 = tpu.vector_load %arg11[%swap3A_152] {strides = array<i32>} : memref<512xf32, #tpu.memory_space<vmem>>, vector<16xf32>,
    %swap3A_154 = vector.shape_cast %swap3A_153 : vector<16xf32> to vector<16xf32>
    %swap3A_155 = vector.shape_cast %add3A_151 : vector<16xf32> to vector<16xf32>
    tpu.vector_store %arg11[%swap3A_152], %swap3A_155 {strides = array<i32>} : memref<512xf32, #tpu.memory_space<vmem>>, vector<16xf32>,
    %get3A_156 = arith.constant 64 : index
    %get3A_157 = tpu.vector_load %arg11[%get3A_156] {strides = array<i32>} : memref<512xf32, #tpu.memory_space<vmem>>, vector<16xf32>,
    %get3A_158 = vector.shape_cast %get3A_157 : vector<16xf32> to vector<16xf32>
    %abs3A_159 = math.absf %get3A_158 : vector<16xf32>
    %neg3A_160 = arith.constant 0.000000e+00 : f32
    %neg3A_161 = vector.broadcast %neg3A_160 : f32 to vector<16xf32>
    %neg3A_162 = arith.subf %neg3A_161, %abs3A_159 : vector<16xf32>
    %exp3A_163 = math.exp %neg3A_162 : vector<16xf32>
    %add3A_164 = arith.constant 2.000000e+00 : f32
    %add3A_165 = vector.broadcast %add3A_164 : f32 to vector<16xf32>
    %add3A_166 = arith.addf %exp3A_163, %add3A_165 : vector<16xf32>
    %div3A_167 = arith.divf %exp3A_163, %add3A_166 : vector<16xf32>
    %mul3A_168 = arith.mulf %div3A_167, %div3A_167 : vector<16xf32>
    %mul3A_169 = arith.constant 2.000000e-01 : f32
    %mul3A_170 = vector.broadcast %mul3A_169 : f32 to vector<16xf32>
    %mul3A_171 = arith.mulf %mul3A_168, %mul3A_170 : vector<16xf32>
    %add3A_172 = arith.constant 0.333333343 : f32
    %add3A_173 = vector.broadcast %add3A_172 : f32 to vector<16xf32>
    %add3A_174 = arith.addf %add3A_173, %mul3A_171 : vector<16xf32>
    %mul3A_175 = arith.mulf %mul3A_168, %add3A_174 : vector<16xf32>
    %add3A_176 = arith.constant 1.000000e+00 : f32
    %add3A_177 = vector.broadcast %add3A_176 : f32 to vector<16xf32>
    %add3A_178 = arith.addf %add3A_177, %mul3A_175 : vector<16xf32>
    %max3A_179 = arith.constant 0.000000e+00 : f32
    %max3A_180 = vector.broadcast %max3A_179 : f32 to vector<16xf32>
    %max3A_181 = arith.maximumf %get3A_158, %max3A_180 : vector<16xf32>
    %mul3A_182 = arith.constant 2.000000e+00 : f32
    %mul3A_183 = vector.broadcast %mul3A_182 : f32 to vector<16xf32>
    %mul3A_184 = arith.mulf %mul3A_183, %div3A_167 : vector<16xf32>
    %mul3A_185 = arith.mulf %mul3A_184, %add3A_178 : vector<16xf32>
    %add3A_186 = arith.addf %max3A_181, %mul3A_185 : vector<16xf32>
    %swap3A_187 = arith.constant 64 : index
    %swap3A_188 = tpu.vector_load %arg11[%swap3A_187] {strides = array<i32>} : memref<512xf32, #tpu.memory_space<vmem>>, vector<16xf32>,
    %swap3A_189 = vector.shape_cast %swap3A_188 : vector<16xf32> to vector<16xf32>
    %swap3A_190 = vector.shape_cast %add3A_186 : vector<16xf32> to vector<16xf32>
    tpu.vector_store %arg11[%swap3A_187], %swap3A_190 {strides = array<i32>} : memref<512xf32, #tpu.memory_space<vmem>>, vector<16xf32>,
    %get3A_191 = arith.constant 80 : index
    %get3A_192 = tpu.vector_load %arg11[%get3A_191] {strides = array<i32>} : memref<512xf32, #tpu.memory_space<vmem>>, vector<16xf32>,
    %get3A_193 = vector.shape_cast %get3A_192 : vector<16xf32> to vector<16xf32>
    %abs3A_194 = math.absf %get3A_193 : vector<16xf32>
    %neg3A_195 = arith.constant 0.000000e+00 : f32
    %neg3A_196 = vector.broadcast %neg3A_195 : f32 to vector<16xf32>
    %neg3A_197 = arith.subf %neg3A_196, %abs3A_194 : vector<16xf32>
    %exp3A_198 = math.exp %neg3A_197 : vector<16xf32>
    %add3A_199 = arith.constant 2.000000e+00 : f32
    %add3A_200 = vector.broadcast %add3A_199 : f32 to vector<16xf32>
    %add3A_201 = arith.addf %exp3A_198, %add3A_200 : vector<16xf32>
    %div3A_202 = arith.divf %exp3A_198, %add3A_201 : vector<16xf32>
    %mul3A_203 = arith.mulf %div3A_202, %div3A_202 : vector<16xf32>
    %mul3A_204 = arith.constant 2.000000e-01 : f32
    %mul3A_205 = vector.broadcast %mul3A_204 : f32 to vector<16xf32>
    %mul3A_206 = arith.mulf %mul3A_203, %mul3A_205 : vector<16xf32>
    %add3A_207 = arith.constant 0.333333343 : f32
    %add3A_208 = vector.broadcast %add3A_207 : f32 to vector<16xf32>
    %add3A_209 = arith.addf %add3A_208, %mul3A_206 : vector<16xf32>
    %mul3A_210 = arith.mulf %mul3A_203, %add3A_209 : vector<16xf32>
    %add3A_211 = arith.constant 1.000000e+00 : f32
    %add3A_212 = vector.broadcast %add3A_211 : f32 to vector<16xf32>
    %add3A_213 = arith.addf %add3A_212, %mul3A_210 : vector<16xf32>
    %max3A_214 = arith.constant 0.000000e+00 : f32
    %max3A_215 = vector.broadcast %max3A_214 : f32 to vector<16xf32>
    %max3A_216 = arith.maximumf %get3A_193, %max3A_215 : vector<16xf32>
    %mul3A_217 = arith.constant 2.000000e+00 : f32
    %mul3A_218 = vector.broadcast %mul3A_217 : f32 to vector<16xf32>
    %mul3A_219 = arith.mulf %mul3A_218, %div3A_202 : vector<16xf32>
    %mul3A_220 = arith.mulf %mul3A_219, %add3A_213 : vector<16xf32>
    %add3A_221 = arith.addf %max3A_216, %mul3A_220 : vector<16xf32>
    %swap3A_222 = arith.constant 80 : index
    %swap3A_223 = tpu.vector_load %arg11[%swap3A_222] {strides = array<i32>} : memref<512xf32, #tpu.memory_space<vmem>>, vector<16xf32>,
    %swap3A_224 = vector.shape_cast %swap3A_223 : vector<16xf32> to vector<16xf32>
    %swap3A_225 = vector.shape_cast %add3A_221 : vector<16xf32> to vector<16xf32>
    tpu.vector_store %arg11[%swap3A_222], %swap3A_225 {strides = array<i32>} : memref<512xf32, #tpu.memory_space<vmem>>, vector<16xf32>,
    %get3A_226 = arith.constant 96 : index
    %get3A_227 = tpu.vector_load %arg11[%get3A_226] {strides = array<i32>} : memref<512xf32, #tpu.memory_space<vmem>>, vector<16xf32>,
    %get3A_228 = vector.shape_cast %get3A_227 : vector<16xf32> to vector<16xf32>
    %abs3A_229 = math.absf %get3A_228 : vector<16xf32>
    %neg3A_230 = arith.constant 0.000000e+00 : f32
    %neg3A_231 = vector.broadcast %neg3A_230 : f32 to vector<16xf32>
    %neg3A_232 = arith.subf %neg3A_231, %abs3A_229 : vector<16xf32>
    %exp3A_233 = math.exp %neg3A_232 : vector<16xf32>
    %add3A_234 = arith.constant 2.000000e+00 : f32
    %add3A_235 = vector.broadcast %add3A_234 : f32 to vector<16xf32>
    %add3A_236 = arith.addf %exp3A_233, %add3A_235 : vector<16xf32>
    %div3A_237 = arith.divf %exp3A_233, %add3A_236 : vector<16xf32>
    %mul3A_238 = arith.mulf %div3A_237, %div3A_237 : vector<16xf32>
    %mul3A_239 = arith.constant 2.000000e-01 : f32
    %mul3A_240 = vector.broadcast %mul3A_239 : f32 to vector<16xf32>
    %mul3A_241 = arith.mulf %mul3A_238, %mul3A_240 : vector<16xf32>
    %add3A_242 = arith.constant 0.333333343 : f32
    %add3A_243 = vector.broadcast %add3A_242 : f32 to vector<16xf32>
    %add3A_244 = arith.addf %add3A_243, %mul3A_241 : vector<16xf32>
    %mul3A_245 = arith.mulf %mul3A_238, %add3A_244 : vector<16xf32>
    %add3A_246 = arith.constant 1.000000e+00 : f32
    %add3A_247 = vector.broadcast %add3A_246 : f32 to vector<16xf32>
    %add3A_248 = arith.addf %add3A_247, %mul3A_245 : vector<16xf32>
    %max3A_249 = arith.constant 0.000000e+00 : f32
    %max3A_250 = vector.broadcast %max3A_249 : f32 to vector<16xf32>
    %max3A_251 = arith.maximumf %get3A_228, %max3A_250 : vector<16xf32>
    %mul3A_252 = arith.constant 2.000000e+00 : f32
    %mul3A_253 = vector.broadcast %mul3A_252 : f32 to vector<16xf32>
    %mul3A_254 = arith.mulf %mul3A_253, %div3A_237 : vector<16xf32>
    %mul3A_255 = arith.mulf %mul3A_254, %add3A_248 : vector<16xf32>
    %add3A_256 = arith.addf %max3A_251, %mul3A_255 : vector<16xf32>
    %swap3A_257 = arith.constant 96 : index
    %swap3A_258 = tpu.vector_load %arg11[%swap3A_257] {strides = array<i32>} : memref<512xf32, #tpu.memory_space<vmem>>, vector<16xf32>,
    %swap3A_259 = vector.shape_cast %swap3A_258 : vector<16xf32> to vector<16xf32>
    %swap3A_260 = vector.shape_cast %add3A_256 : vector<16xf32> to vector<16xf32>
    tpu.vector_store %arg11[%swap3A_257], %swap3A_260 {strides = array<i32>} : memref<512xf32, #tpu.memory_space<vmem>>, vector<16xf32>,
    %get3A_261 = arith.constant 112 : index
    %get3A_262 = tpu.vector_load %arg11[%get3A_261] {strides = array<i32>} : memref<512xf32, #tpu.memory_space<vmem>>, vector<16xf32>,
    %get3A_263 = vector.shape_cast %get3A_262 : vector<16xf32> to vector<16xf32>
    %abs3A_264 = math.absf %get3A_263 : vector<16xf32>
    %neg3A_265 = arith.constant 0.000000e+00 : f32
    %neg3A_266 = vector.broadcast %neg3A_265 : f32 to vector<16xf32>
    %neg3A_267 = arith.subf %neg3A_266, %abs3A_264 : vector<16xf32>
    %exp3A_268 = math.exp %neg3A_267 : vector<16xf32>
    %add3A_269 = arith.constant 2.000000e+00 : f32
    %add3A_270 = vector.broadcast %add3A_269 : f32 to vector<16xf32>
    %add3A_271 = arith.addf %exp3A_268, %add3A_270 : vector<16xf32>
    %div3A_272 = arith.divf %exp3A_268, %add3A_271 : vector<16xf32>
    %mul3A_273 = arith.mulf %div3A_272, %div3A_272 : vector<16xf32>
    %mul3A_274 = arith.constant 2.000000e-01 : f32
    %mul3A_275 = vector.broadcast %mul3A_274 : f32 to vector<16xf32>
    %mul3A_276 = arith.mulf %mul3A_273, %mul3A_275 : vector<16xf32>
    %add3A_277 = arith.constant 0.333333343 : f32
    %add3A_278 = vector.broadcast %add3A_277 : f32 to vector<16xf32>
    %add3A_279 = arith.addf %add3A_278, %mul3A_276 : vector<16xf32>
    %mul3A_280 = arith.mulf %mul3A_273, %add3A_279 : vector<16xf32>
    %add3A_281 = arith.constant 1.000000e+00 : f32
    %add3A_282 = vector.broadcast %add3A_281 : f32 to vector<16xf32>
    %add3A_283 = arith.addf %add3A_282, %mul3A_280 : vector<16xf32>
    %max3A_284 = arith.constant 0.000000e+00 : f32
    %max3A_285 = vector.broadcast %max3A_284 : f32 to vector<16xf32>
    %max3A_286 = arith.maximumf %get3A_263, %max3A_285 : vector<16xf32>
    %mul3A_287 = arith.constant 2.000000e+00 : f32
    %mul3A_288 = vector.broadcast %mul3A_287 : f32 to vector<16xf32>
    %mul3A_289 = arith.mulf %mul3A_288, %div3A_272 : vector<16xf32>
    %mul3A_290 = arith.mulf %mul3A_289, %add3A_283 : vector<16xf32>
    %add3A_291 = arith.addf %max3A_286, %mul3A_290 : vector<16xf32>
    %swap3A_292 = arith.constant 112 : index
    %swap3A_293 = tpu.vector_load %arg11[%swap3A_292] {strides = array<i32>} : memref<512xf32, #tpu.memory_space<vmem>>, vector<16xf32>,
    %swap3A_294 = vector.shape_cast %swap3A_293 : vector<16xf32> to vector<16xf32>
    %swap3A_295 = vector.shape_cast %add3A_291 : vector<16xf32> to vector<16xf32>
    tpu.vector_store %arg11[%swap3A_292], %swap3A_295 {strides = array<i32>} : memref<512xf32, #tpu.memory_space<vmem>>, vector<16xf32>,
    %get3A_296 = arith.constant 128 : index
    %get3A_297 = tpu.vector_load %arg11[%get3A_296] {strides = array<i32>} : memref<512xf32, #tpu.memory_space<vmem>>, vector<16xf32>,
    %get3A_298 = vector.shape_cast %get3A_297 : vector<16xf32> to vector<16xf32>
    %abs3A_299 = math.absf %get3A_298 : vector<16xf32>
    %neg3A_300 = arith.constant 0.000000e+00 : f32
    %neg3A_301 = vector.broadcast %neg3A_300 : f32 to vector<16xf32>
    %neg3A_302 = arith.subf %neg3A_301, %abs3A_299 : vector<16xf32>
    %exp3A_303 = math.exp %neg3A_302 : vector<16xf32>
    %add3A_304 = arith.constant 2.000000e+00 : f32
    %add3A_305 = vector.broadcast %add3A_304 : f32 to vector<16xf32>
    %add3A_306 = arith.addf %exp3A_303, %add3A_305 : vector<16xf32>
    %div3A_307 = arith.divf %exp3A_303, %add3A_306 : vector<16xf32>
    %mul3A_308 = arith.mulf %div3A_307, %div3A_307 : vector<16xf32>
    %mul3A_309 = arith.constant 2.000000e-01 : f32
    %mul3A_310 = vector.broadcast %mul3A_309 : f32 to vector<16xf32>
    %mul3A_311 = arith.mulf %mul3A_308, %mul3A_310 : vector<16xf32>
    %add3A_312 = arith.constant 0.333333343 : f32
    %add3A_313 = vector.broadcast %add3A_312 : f32 to vector<16xf32>
    %add3A_314 = arith.addf %add3A_313, %mul3A_311 : vector<16xf32>
    %mul3A_315 = arith.mulf %mul3A_308, %add3A_314 : vector<16xf32>
    %add3A_316 = arith.constant 1.000000e+00 : f32
    %add3A_317 = vector.broadcast %add3A_316 : f32 to vector<16xf32>
    %add3A_318 = arith.addf %add3A_317, %mul3A_315 : vector<16xf32>
    %max3A_319 = arith.constant 0.000000e+00 : f32
    %max3A_320 = vector.broadcast %max3A_319 : f32 to vector<16xf32>
    %max3A_321 = arith.maximumf %get3A_298, %max3A_320 : vector<16xf32>
    %mul3A_322 = arith.constant 2.000000e+00 : f32
    %mul3A_323 = vector.broadcast %mul3A_322 : f32 to vector<16xf32>
    %mul3A_324 = arith.mulf %mul3A_323, %div3A_307 : vector<16xf32>
    %mul3A_325 = arith.mulf %mul3A_324, %add3A_318 : vector<16xf32>
    %add3A_326 = arith.addf %max3A_321, %mul3A_325 : vector<16xf32>
    %swap3A_327 = arith.constant 128 : index
    %swap3A_328 = tpu.vector_load %arg11[%swap3A_327] {strides = array<i32>} : memref<512xf32, #tpu.memory_space<vmem>>, vector<16xf32>,
    %swap3A_329 = vector.shape_cast %swap3A_328 : vector<16xf32> to vector<16xf32>
    %swap3A_330 = vector.shape_cast %add3A_326 : vector<16xf32> to vector<16xf32>
    tpu.vector_store %arg11[%swap3A_327], %swap3A_330 {strides = array<i32>} : memref<512xf32, #tpu.memory_space<vmem>>, vector<16xf32>,
    %get3A_331 = arith.constant 144 : index
    %get3A_332 = tpu.vector_load %arg11[%get3A_331] {strides = array<i32>} : memref<512xf32, #tpu.memory_space<vmem>>, vector<16xf32>,
    %get3A_333 = vector.shape_cast %get3A_332 : vector<16xf32> to vector<16xf32>
    %abs3A_334 = math.absf %get3A_333 : vector<16xf32>
    %neg3A_335 = arith.constant 0.000000e+00 : f32
    %neg3A_336 = vector.broadcast %neg3A_335 : f32 to vector<16xf32>
    %neg3A_337 = arith.subf %neg3A_336, %abs3A_334 : vector<16xf32>
    %exp3A_338 = math.exp %neg3A_337 : vector<16xf32>
    %add3A_339 = arith.constant 2.000000e+00 : f32
    %add3A_340 = vector.broadcast %add3A_339 : f32 to vector<16xf32>
    %add3A_341 = arith.addf %exp3A_338, %add3A_340 : vector<16xf32>
    %div3A_342 = arith.divf %exp3A_338, %add3A_341 : vector<16xf32>
    %mul3A_343 = arith.mulf %div3A_342, %div3A_342 : vector<16xf32>
    %mul3A_344 = arith.constant 2.000000e-01 : f32
    %mul3A_345 = vector.broadcast %mul3A_344 : f32 to vector<16xf32>
    %mul3A_346 = arith.mulf %mul3A_343, %mul3A_345 : vector<16xf32>
    %add3A_347 = arith.constant 0.333333343 : f32
    %add3A_348 = vector.broadcast %add3A_347 : f32 to vector<16xf32>
    %add3A_349 = arith.addf %add3A_348, %mul3A_346 : vector<16xf32>
    %mul3A_350 = arith.mulf %mul3A_343, %add3A_349 : vector<16xf32>
    %add3A_351 = arith.constant 1.000000e+00 : f32
    %add3A_352 = vector.broadcast %add3A_351 : f32 to vector<16xf32>
    %add3A_353 = arith.addf %add3A_352, %mul3A_350 : vector<16xf32>
    %max3A_354 = arith.constant 0.000000e+00 : f32
    %max3A_355 = vector.broadcast %max3A_354 : f32 to vector<16xf32>
    %max3A_356 = arith.maximumf %get3A_333, %max3A_355 : vector<16xf32>
    %mul3A_357 = arith.constant 2.000000e+00 : f32
    %mul3A_358 = vector.broadcast %mul3A_357 : f32 to vector<16xf32>
    %mul3A_359 = arith.mulf %mul3A_358, %div3A_342 : vector<16xf32>
    %mul3A_360 = arith.mulf %mul3A_359, %add3A_353 : vector<16xf32>
    %add3A_361 = arith.addf %max3A_356, %mul3A_360 : vector<16xf32>
    %swap3A_362 = arith.constant 144 : index
    %swap3A_363 = tpu.vector_load %arg11[%swap3A_362] {strides = array<i32>} : memref<512xf32, #tpu.memory_space<vmem>>, vector<16xf32>,
    %swap3A_364 = vector.shape_cast %swap3A_363 : vector<16xf32> to vector<16xf32>
    %swap3A_365 = vector.shape_cast %add3A_361 : vector<16xf32> to vector<16xf32>
    tpu.vector_store %arg11[%swap3A_362], %swap3A_365 {strides = array<i32>} : memref<512xf32, #tpu.memory_space<vmem>>, vector<16xf32>,
    %get3A_366 = arith.constant 160 : index
    %get3A_367 = tpu.vector_load %arg11[%get3A_366] {strides = array<i32>} : memref<512xf32, #tpu.memory_space<vmem>>, vector<16xf32>,
    %get3A_368 = vector.shape_cast %get3A_367 : vector<16xf32> to vector<16xf32>
    %abs3A_369 = math.absf %get3A_368 : vector<16xf32>
    %neg3A_370 = arith.constant 0.000000e+00 : f32
    %neg3A_371 = vector.broadcast %neg3A_370 : f32 to vector<16xf32>
    %neg3A_372 = arith.subf %neg3A_371, %abs3A_369 : vector<16xf32>
    %exp3A_373 = math.exp %neg3A_372 : vector<16xf32>
    %add3A_374 = arith.constant 2.000000e+00 : f32
    %add3A_375 = vector.broadcast %add3A_374 : f32 to vector<16xf32>
    %add3A_376 = arith.addf %exp3A_373, %add3A_375 : vector<16xf32>
    %div3A_377 = arith.divf %exp3A_373, %add3A_376 : vector<16xf32>
    %mul3A_378 = arith.mulf %div3A_377, %div3A_377 : vector<16xf32>
    %mul3A_379 = arith.constant 2.000000e-01 : f32
    %mul3A_380 = vector.broadcast %mul3A_379 : f32 to vector<16xf32>
    %mul3A_381 = arith.mulf %mul3A_378, %mul3A_380 : vector<16xf32>
    %add3A_382 = arith.constant 0.333333343 : f32
    %add3A_383 = vector.broadcast %add3A_382 : f32 to vector<16xf32>
    %add3A_384 = arith.addf %add3A_383, %mul3A_381 : vector<16xf32>
    %mul3A_385 = arith.mulf %mul3A_378, %add3A_384 : vector<16xf32>
    %add3A_386 = arith.constant 1.000000e+00 : f32
    %add3A_387 = vector.broadcast %add3A_386 : f32 to vector<16xf32>
    %add3A_388 = arith.addf %add3A_387, %mul3A_385 : vector<16xf32>
    %max3A_389 = arith.constant 0.000000e+00 : f32
    %max3A_390 = vector.broadcast %max3A_389 : f32 to vector<16xf32>
    %max3A_391 = arith.maximumf %get3A_368, %max3A_390 : vector<16xf32>
    %mul3A_392 = arith.constant 2.000000e+00 : f32
    %mul3A_393 = vector.broadcast %mul3A_392 : f32 to vector<16xf32>
    %mul3A_394 = arith.mulf %mul3A_393, %div3A_377 : vector<16xf32>
    %mul3A_395 = arith.mulf %mul3A_394, %add3A_388 : vector<16xf32>
    %add3A_396 = arith.addf %max3A_391, %mul3A_395 : vector<16xf32>
    %swap3A_397 = arith.constant 160 : index
    %swap3A_398 = tpu.vector_load %arg11[%swap3A_397] {strides = array<i32>} : memref<512xf32, #tpu.memory_space<vmem>>, vector<16xf32>,
    %swap3A_399 = vector.shape_cast %swap3A_398 : vector<16xf32> to vector<16xf32>
    %swap3A_400 = vector.shape_cast %add3A_396 : vector<16xf32> to vector<16xf32>
    tpu.vector_store %arg11[%swap3A_397], %swap3A_400 {strides = array<i32>} : memref<512xf32, #tpu.memory_space<vmem>>, vector<16xf32>,
    %get3A_401 = arith.constant 176 : index
    %get3A_402 = tpu.vector_load %arg11[%get3A_401] {strides = array<i32>} : memref<512xf32, #tpu.memory_space<vmem>>, vector<16xf32>,
    %get3A_403 = vector.shape_cast %get3A_402 : vector<16xf32> to vector<16xf32>
    %abs3A_404 = math.absf %get3A_403 : vector<16xf32>
    %neg3A_405 = arith.constant 0.000000e+00 : f32
    %neg3A_406 = vector.broadcast %neg3A_405 : f32 to vector<16xf32>
    %neg3A_407 = arith.subf %neg3A_406, %abs3A_404 : vector<16xf32>
    %exp3A_408 = math.exp %neg3A_407 : vector<16xf32>
    %add3A_409 = arith.constant 2.000000e+00 : f32
    %add3A_410 = vector.broadcast %add3A_409 : f32 to vector<16xf32>
    %add3A_411 = arith.addf %exp3A_408, %add3A_410 : vector<16xf32>
    %div3A_412 = arith.divf %exp3A_408, %add3A_411 : vector<16xf32>
    %mul3A_413 = arith.mulf %div3A_412, %div3A_412 : vector<16xf32>
    %mul3A_414 = arith.constant 2.000000e-01 : f32
    %mul3A_415 = vector.broadcast %mul3A_414 : f32 to vector<16xf32>
    %mul3A_416 = arith.mulf %mul3A_413, %mul3A_415 : vector<16xf32>
    %add3A_417 = arith.constant 0.333333343 : f32
    %add3A_418 = vector.broadcast %add3A_417 : f32 to vector<16xf32>
    %add3A_419 = arith.addf %add3A_418, %mul3A_416 : vector<16xf32>
    %mul3A_420 = arith.mulf %mul3A_413, %add3A_419 : vector<16xf32>
    %add3A_421 = arith.constant 1.000000e+00 : f32
    %add3A_422 = vector.broadcast %add3A_421 : f32 to vector<16xf32>
    %add3A_423 = arith.addf %add3A_422, %mul3A_420 : vector<16xf32>
    %max3A_424 = arith.constant 0.000000e+00 : f32
    %max3A_425 = vector.broadcast %max3A_424 : f32 to vector<16xf32>
    %max3A_426 = arith.maximumf %get3A_403, %max3A_425 : vector<16xf32>
    %mul3A_427 = arith.constant 2.000000e+00 : f32
    %mul3A_428 = vector.broadcast %mul3A_427 : f32 to vector<16xf32>
    %mul3A_429 = arith.mulf %mul3A_428, %div3A_412 : vector<16xf32>
    %mul3A_430 = arith.mulf %mul3A_429, %add3A_423 : vector<16xf32>
    %add3A_431 = arith.addf %max3A_426, %mul3A_430 : vector<16xf32>
    %swap3A_432 = arith.constant 176 : index
    %swap3A_433 = tpu.vector_load %arg11[%swap3A_432] {strides = array<i32>} : memref<512xf32, #tpu.memory_space<vmem>>, vector<16xf32>,
    %swap3A_434 = vector.shape_cast %swap3A_433 : vector<16xf32> to vector<16xf32>
    %swap3A_435 = vector.shape_cast %add3A_431 : vector<16xf32> to vector<16xf32>
    tpu.vector_store %arg11[%swap3A_432], %swap3A_435 {strides = array<i32>} : memref<512xf32, #tpu.memory_space<vmem>>, vector<16xf32>,
    %get3A_436 = arith.constant 192 : index
    %get3A_437 = tpu.vector_load %arg11[%get3A_436] {strides = array<i32>} : memref<512xf32, #tpu.memory_space<vmem>>, vector<16xf32>,
    %get3A_438 = vector.shape_cast %get3A_437 : vector<16xf32> to vector<16xf32>
    %abs3A_439 = math.absf %get3A_438 : vector<16xf32>
    %neg3A_440 = arith.constant 0.000000e+00 : f32
    %neg3A_441 = vector.broadcast %neg3A_440 : f32 to vector<16xf32>
    %neg3A_442 = arith.subf %neg3A_441, %abs3A_439 : vector<16xf32>
    %exp3A_443 = math.exp %neg3A_442 : vector<16xf32>
    %add3A_444 = arith.constant 2.000000e+00 : f32
    %add3A_445 = vector.broadcast %add3A_444 : f32 to vector<16xf32>
    %add3A_446 = arith.addf %exp3A_443, %add3A_445 : vector<16xf32>
    %div3A_447 = arith.divf %exp3A_443, %add3A_446 : vector<16xf32>
    %mul3A_448 = arith.mulf %div3A_447, %div3A_447 : vector<16xf32>
    %mul3A_449 = arith.constant 2.000000e-01 : f32
    %mul3A_450 = vector.broadcast %mul3A_449 : f32 to vector<16xf32>
    %mul3A_451 = arith.mulf %mul3A_448, %mul3A_450 : vector<16xf32>
    %add3A_452 = arith.constant 0.333333343 : f32
    %add3A_453 = vector.broadcast %add3A_452 : f32 to vector<16xf32>
    %add3A_454 = arith.addf %add3A_453, %mul3A_451 : vector<16xf32>
    %mul3A_455 = arith.mulf %mul3A_448, %add3A_454 : vector<16xf32>
    %add3A_456 = arith.constant 1.000000e+00 : f32
    %add3A_457 = vector.broadcast %add3A_456 : f32 to vector<16xf32>
    %add3A_458 = arith.addf %add3A_457, %mul3A_455 : vector<16xf32>
    %max3A_459 = arith.constant 0.000000e+00 : f32
    %max3A_460 = vector.broadcast %max3A_459 : f32 to vector<16xf32>
    %max3A_461 = arith.maximumf %get3A_438, %max3A_460 : vector<16xf32>
    %mul3A_462 = arith.constant 2.000000e+00 : f32
    %mul3A_463 = vector.broadcast %mul3A_462 : f32 to vector<16xf32>
    %mul3A_464 = arith.mulf %mul3A_463, %div3A_447 : vector<16xf32>
    %mul3A_465 = arith.mulf %mul3A_464, %add3A_458 : vector<16xf32>
    %add3A_466 = arith.addf %max3A_461, %mul3A_465 : vector<16xf32>
    %swap3A_467 = arith.constant 192 : index
    %swap3A_468 = tpu.vector_load %arg11[%swap3A_467] {strides = array<i32>} : memref<512xf32, #tpu.memory_space<vmem>>, vector<16xf32>,
    %swap3A_469 = vector.shape_cast %swap3A_468 : vector<16xf32> to vector<16xf32>
    %swap3A_470 = vector.shape_cast %add3A_466 : vector<16xf32> to vector<16xf32>
    tpu.vector_store %arg11[%swap3A_467], %swap3A_470 {strides = array<i32>} : memref<512xf32, #tpu.memory_space<vmem>>, vector<16xf32>,
    %get3A_471 = arith.constant 208 : index
    %get3A_472 = tpu.vector_load %arg11[%get3A_471] {strides = array<i32>} : memref<512xf32, #tpu.memory_space<vmem>>, vector<16xf32>,
    %get3A_473 = vector.shape_cast %get3A_472 : vector<16xf32> to vector<16xf32>
    %abs3A_474 = math.absf %get3A_473 : vector<16xf32>
    %neg3A_475 = arith.constant 0.000000e+00 : f32
    %neg3A_476 = vector.broadcast %neg3A_475 : f32 to vector<16xf32>
    %neg3A_477 = arith.subf %neg3A_476, %abs3A_474 : vector<16xf32>
    %exp3A_478 = math.exp %neg3A_477 : vector<16xf32>
    %add3A_479 = arith.constant 2.000000e+00 : f32
    %add3A_480 = vector.broadcast %add3A_479 : f32 to vector<16xf32>
    %add3A_481 = arith.addf %exp3A_478, %add3A_480 : vector<16xf32>
    %div3A_482 = arith.divf %exp3A_478, %add3A_481 : vector<16xf32>
    %mul3A_483 = arith.mulf %div3A_482, %div3A_482 : vector<16xf32>
    %mul3A_484 = arith.constant 2.000000e-01 : f32
    %mul3A_485 = vector.broadcast %mul3A_484 : f32 to vector<16xf32>
    %mul3A_486 = arith.mulf %mul3A_483, %mul3A_485 : vector<16xf32>
    %add3A_487 = arith.constant 0.333333343 : f32
    %add3A_488 = vector.broadcast %add3A_487 : f32 to vector<16xf32>
    %add3A_489 = arith.addf %add3A_488, %mul3A_486 : vector<16xf32>
    %mul3A_490 = arith.mulf %mul3A_483, %add3A_489 : vector<16xf32>
    %add3A_491 = arith.constant 1.000000e+00 : f32
    %add3A_492 = vector.broadcast %add3A_491 : f32 to vector<16xf32>
    %add3A_493 = arith.addf %add3A_492, %mul3A_490 : vector<16xf32>
    %max3A_494 = arith.constant 0.000000e+00 : f32
    %max3A_495 = vector.broadcast %max3A_494 : f32 to vector<16xf32>
    %max3A_496 = arith.maximumf %get3A_473, %max3A_495 : vector<16xf32>
    %mul3A_497 = arith.constant 2.000000e+00 : f32
    %mul3A_498 = vector.broadcast %mul3A_497 : f32 to vector<16xf32>
    %mul3A_499 = arith.mulf %mul3A_498, %div3A_482 : vector<16xf32>
    %mul3A_500 = arith.mulf %mul3A_499, %add3A_493 : vector<16xf32>
    %add3A_501 = arith.addf %max3A_496, %mul3A_500 : vector<16xf32>
    %swap3A_502 = arith.constant 208 : index
    %swap3A_503 = tpu.vector_load %arg11[%swap3A_502] {strides = array<i32>} : memref<512xf32, #tpu.memory_space<vmem>>, vector<16xf32>,
    %swap3A_504 = vector.shape_cast %swap3A_503 : vector<16xf32> to vector<16xf32>
    %swap3A_505 = vector.shape_cast %add3A_501 : vector<16xf32> to vector<16xf32>
    tpu.vector_store %arg11[%swap3A_502], %swap3A_505 {strides = array<i32>} : memref<512xf32, #tpu.memory_space<vmem>>, vector<16xf32>,
    %get3A_506 = arith.constant 224 : index
    %get3A_507 = tpu.vector_load %arg11[%get3A_506] {strides = array<i32>} : memref<512xf32, #tpu.memory_space<vmem>>, vector<16xf32>,
    %get3A_508 = vector.shape_cast %get3A_507 : vector<16xf32> to vector<16xf32>
    %abs3A_509 = math.absf %get3A_508 : vector<16xf32>
    %neg3A_510 = arith.constant 0.000000e+00 : f32
    %neg3A_511 = vector.broadcast %neg3A_510 : f32 to vector<16xf32>
    %neg3A_512 = arith.subf %neg3A_511, %abs3A_509 : vector<16xf32>
    %exp3A_513 = math.exp %neg3A_512 : vector<16xf32>
    %add3A_514 = arith.constant 2.000000e+00 : f32
    %add3A_515 = vector.broadcast %add3A_514 : f32 to vector<16xf32>
    %add3A_516 = arith.addf %exp3A_513, %add3A_515 : vector<16xf32>
    %div3A_517 = arith.divf %exp3A_513, %add3A_516 : vector<16xf32>
    %mul3A_518 = arith.mulf %div3A_517, %div3A_517 : vector<16xf32>
    %mul3A_519 = arith.constant 2.000000e-01 : f32
    %mul3A_520 = vector.broadcast %mul3A_519 : f32 to vector<16xf32>
    %mul3A_521 = arith.mulf %mul3A_518, %mul3A_520 : vector<16xf32>
    %add3A_522 = arith.constant 0.333333343 : f32
    %add3A_523 = vector.broadcast %add3A_522 : f32 to vector<16xf32>
    %add3A_524 = arith.addf %add3A_523, %mul3A_521 : vector<16xf32>
    %mul3A_525 = arith.mulf %mul3A_518, %add3A_524 : vector<16xf32>
    %add3A_526 = arith.constant 1.000000e+00 : f32
    %add3A_527 = vector.broadcast %add3A_526 : f32 to vector<16xf32>
    %add3A_528 = arith.addf %add3A_527, %mul3A_525 : vector<16xf32>
    %max3A_529 = arith.constant 0.000000e+00 : f32
    %max3A_530 = vector.broadcast %max3A_529 : f32 to vector<16xf32>
    %max3A_531 = arith.maximumf %get3A_508, %max3A_530 : vector<16xf32>
    %mul3A_532 = arith.constant 2.000000e+00 : f32
    %mul3A_533 = vector.broadcast %mul3A_532 : f32 to vector<16xf32>
    %mul3A_534 = arith.mulf %mul3A_533, %div3A_517 : vector<16xf32>
    %mul3A_535 = arith.mulf %mul3A_534, %add3A_528 : vector<16xf32>
    %add3A_536 = arith.addf %max3A_531, %mul3A_535 : vector<16xf32>
    %swap3A_537 = arith.constant 224 : index
    %swap3A_538 = tpu.vector_load %arg11[%swap3A_537] {strides = array<i32>} : memref<512xf32, #tpu.memory_space<vmem>>, vector<16xf32>,
    %swap3A_539 = vector.shape_cast %swap3A_538 : vector<16xf32> to vector<16xf32>
    %swap3A_540 = vector.shape_cast %add3A_536 : vector<16xf32> to vector<16xf32>
    tpu.vector_store %arg11[%swap3A_537], %swap3A_540 {strides = array<i32>} : memref<512xf32, #tpu.memory_space<vmem>>, vector<16xf32>,
    %get3A_541 = arith.constant 240 : index
    %get3A_542 = tpu.vector_load %arg11[%get3A_541] {strides = array<i32>} : memref<512xf32, #tpu.memory_space<vmem>>, vector<16xf32>,
    %get3A_543 = vector.shape_cast %get3A_542 : vector<16xf32> to vector<16xf32>
    %abs3A_544 = math.absf %get3A_543 : vector<16xf32>
    %neg3A_545 = arith.constant 0.000000e+00 : f32
    %neg3A_546 = vector.broadcast %neg3A_545 : f32 to vector<16xf32>
    %neg3A_547 = arith.subf %neg3A_546, %abs3A_544 : vector<16xf32>
    %exp3A_548 = math.exp %neg3A_547 : vector<16xf32>
    %add3A_549 = arith.constant 2.000000e+00 : f32
    %add3A_550 = vector.broadcast %add3A_549 : f32 to vector<16xf32>
    %add3A_551 = arith.addf %exp3A_548, %add3A_550 : vector<16xf32>
    %div3A_552 = arith.divf %exp3A_548, %add3A_551 : vector<16xf32>
    %mul3A_553 = arith.mulf %div3A_552, %div3A_552 : vector<16xf32>
    %mul3A_554 = arith.constant 2.000000e-01 : f32
    %mul3A_555 = vector.broadcast %mul3A_554 : f32 to vector<16xf32>
    %mul3A_556 = arith.mulf %mul3A_553, %mul3A_555 : vector<16xf32>
    %add3A_557 = arith.constant 0.333333343 : f32
    %add3A_558 = vector.broadcast %add3A_557 : f32 to vector<16xf32>
    %add3A_559 = arith.addf %add3A_558, %mul3A_556 : vector<16xf32>
    %mul3A_560 = arith.mulf %mul3A_553, %add3A_559 : vector<16xf32>
    %add3A_561 = arith.constant 1.000000e+00 : f32
    %add3A_562 = vector.broadcast %add3A_561 : f32 to vector<16xf32>
    %add3A_563 = arith.addf %add3A_562, %mul3A_560 : vector<16xf32>
    %max3A_564 = arith.constant 0.000000e+00 : f32
    %max3A_565 = vector.broadcast %max3A_564 : f32 to vector<16xf32>
    %max3A_566 = arith.maximumf %get3A_543, %max3A_565 : vector<16xf32>
    %mul3A_567 = arith.constant 2.000000e+00 : f32
    %mul3A_568 = vector.broadcast %mul3A_567 : f32 to vector<16xf32>
    %mul3A_569 = arith.mulf %mul3A_568, %div3A_552 : vector<16xf32>
    %mul3A_570 = arith.mulf %mul3A_569, %add3A_563 : vector<16xf32>
    %add3A_571 = arith.addf %max3A_566, %mul3A_570 : vector<16xf32>
    %swap3A_572 = arith.constant 240 : index
    %swap3A_573 = tpu.vector_load %arg11[%swap3A_572] {strides = array<i32>} : memref<512xf32, #tpu.memory_space<vmem>>, vector<16xf32>,
    %swap3A_574 = vector.shape_cast %swap3A_573 : vector<16xf32> to vector<16xf32>
    %swap3A_575 = vector.shape_cast %add3A_571 : vector<16xf32> to vector<16xf32>
    tpu.vector_store %arg11[%swap3A_572], %swap3A_575 {strides = array<i32>} : memref<512xf32, #tpu.memory_space<vmem>>, vector<16xf32>,
    %get3A_576 = arith.constant 256 : index
    %get3A_577 = tpu.vector_load %arg11[%get3A_576] {strides = array<i32>} : memref<512xf32, #tpu.memory_space<vmem>>, vector<16xf32>,
    %get3A_578 = vector.shape_cast %get3A_577 : vector<16xf32> to vector<16xf32>
    %abs3A_579 = math.absf %get3A_578 : vector<16xf32>
    %neg3A_580 = arith.constant 0.000000e+00 : f32
    %neg3A_581 = vector.broadcast %neg3A_580 : f32 to vector<16xf32>
    %neg3A_582 = arith.subf %neg3A_581, %abs3A_579 : vector<16xf32>
    %exp3A_583 = math.exp %neg3A_582 : vector<16xf32>
    %add3A_584 = arith.constant 2.000000e+00 : f32
    %add3A_585 = vector.broadcast %add3A_584 : f32 to vector<16xf32>
    %add3A_586 = arith.addf %exp3A_583, %add3A_585 : vector<16xf32>
    %div3A_587 = arith.divf %exp3A_583, %add3A_586 : vector<16xf32>
    %mul3A_588 = arith.mulf %div3A_587, %div3A_587 : vector<16xf32>
    %mul3A_589 = arith.constant 2.000000e-01 : f32
    %mul3A_590 = vector.broadcast %mul3A_589 : f32 to vector<16xf32>
    %mul3A_591 = arith.mulf %mul3A_588, %mul3A_590 : vector<16xf32>
    %add3A_592 = arith.constant 0.333333343 : f32
    %add3A_593 = vector.broadcast %add3A_592 : f32 to vector<16xf32>
    %add3A_594 = arith.addf %add3A_593, %mul3A_591 : vector<16xf32>
    %mul3A_595 = arith.mulf %mul3A_588, %add3A_594 : vector<16xf32>
    %add3A_596 = arith.constant 1.000000e+00 : f32
    %add3A_597 = vector.broadcast %add3A_596 : f32 to vector<16xf32>
    %add3A_598 = arith.addf %add3A_597, %mul3A_595 : vector<16xf32>
    %max3A_599 = arith.constant 0.000000e+00 : f32
    %max3A_600 = vector.broadcast %max3A_599 : f32 to vector<16xf32>
    %max3A_601 = arith.maximumf %get3A_578, %max3A_600 : vector<16xf32>
    %mul3A_602 = arith.constant 2.000000e+00 : f32
    %mul3A_603 = vector.broadcast %mul3A_602 : f32 to vector<16xf32>
    %mul3A_604 = arith.mulf %mul3A_603, %div3A_587 : vector<16xf32>
    %mul3A_605 = arith.mulf %mul3A_604, %add3A_598 : vector<16xf32>
    %add3A_606 = arith.addf %max3A_601, %mul3A_605 : vector<16xf32>
    %swap3A_607 = arith.constant 256 : index
    %swap3A_608 = tpu.vector_load %arg11[%swap3A_607] {strides = array<i32>} : memref<512xf32, #tpu.memory_space<vmem>>, vector<16xf32>,
    %swap3A_609 = vector.shape_cast %swap3A_608 : vector<16xf32> to vector<16xf32>
    %swap3A_610 = vector.shape_cast %add3A_606 : vector<16xf32> to vector<16xf32>
    tpu.vector_store %arg11[%swap3A_607], %swap3A_610 {strides = array<i32>} : memref<512xf32, #tpu.memory_space<vmem>>, vector<16xf32>,
    %get3A_611 = arith.constant 272 : index
    %get3A_612 = tpu.vector_load %arg11[%get3A_611] {strides = array<i32>} : memref<512xf32, #tpu.memory_space<vmem>>, vector<16xf32>,
    %get3A_613 = vector.shape_cast %get3A_612 : vector<16xf32> to vector<16xf32>
    %abs3A_614 = math.absf %get3A_613 : vector<16xf32>
    %neg3A_615 = arith.constant 0.000000e+00 : f32
    %neg3A_616 = vector.broadcast %neg3A_615 : f32 to vector<16xf32>
    %neg3A_617 = arith.subf %neg3A_616, %abs3A_614 : vector<16xf32>
    %exp3A_618 = math.exp %neg3A_617 : vector<16xf32>
    %add3A_619 = arith.constant 2.000000e+00 : f32
    %add3A_620 = vector.broadcast %add3A_619 : f32 to vector<16xf32>
    %add3A_621 = arith.addf %exp3A_618, %add3A_620 : vector<16xf32>
    %div3A_622 = arith.divf %exp3A_618, %add3A_621 : vector<16xf32>
    %mul3A_623 = arith.mulf %div3A_622, %div3A_622 : vector<16xf32>
    %mul3A_624 = arith.constant 2.000000e-01 : f32
    %mul3A_625 = vector.broadcast %mul3A_624 : f32 to vector<16xf32>
    %mul3A_626 = arith.mulf %mul3A_623, %mul3A_625 : vector<16xf32>
    %add3A_627 = arith.constant 0.333333343 : f32
    %add3A_628 = vector.broadcast %add3A_627 : f32 to vector<16xf32>
    %add3A_629 = arith.addf %add3A_628, %mul3A_626 : vector<16xf32>
    %mul3A_630 = arith.mulf %mul3A_623, %add3A_629 : vector<16xf32>
    %add3A_631 = arith.constant 1.000000e+00 : f32
    %add3A_632 = vector.broadcast %add3A_631 : f32 to vector<16xf32>
    %add3A_633 = arith.addf %add3A_632, %mul3A_630 : vector<16xf32>
    %max3A_634 = arith.constant 0.000000e+00 : f32
    %max3A_635 = vector.broadcast %max3A_634 : f32 to vector<16xf32>
    %max3A_636 = arith.maximumf %get3A_613, %max3A_635 : vector<16xf32>
    %mul3A_637 = arith.constant 2.000000e+00 : f32
    %mul3A_638 = vector.broadcast %mul3A_637 : f32 to vector<16xf32>
    %mul3A_639 = arith.mulf %mul3A_638, %div3A_622 : vector<16xf32>
    %mul3A_640 = arith.mulf %mul3A_639, %add3A_633 : vector<16xf32>
    %add3A_641 = arith.addf %max3A_636, %mul3A_640 : vector<16xf32>
    %swap3A_642 = arith.constant 272 : index
    %swap3A_643 = tpu.vector_load %arg11[%swap3A_642] {strides = array<i32>} : memref<512xf32, #tpu.memory_space<vmem>>, vector<16xf32>,
    %swap3A_644 = vector.shape_cast %swap3A_643 : vector<16xf32> to vector<16xf32>
    %swap3A_645 = vector.shape_cast %add3A_641 : vector<16xf32> to vector<16xf32>
    tpu.vector_store %arg11[%swap3A_642], %swap3A_645 {strides = array<i32>} : memref<512xf32, #tpu.memory_space<vmem>>, vector<16xf32>,
    %get3A_646 = arith.constant 288 : index
    %get3A_647 = tpu.vector_load %arg11[%get3A_646] {strides = array<i32>} : memref<512xf32, #tpu.memory_space<vmem>>, vector<16xf32>,
    %get3A_648 = vector.shape_cast %get3A_647 : vector<16xf32> to vector<16xf32>
    %abs3A_649 = math.absf %get3A_648 : vector<16xf32>
    %neg3A_650 = arith.constant 0.000000e+00 : f32
    %neg3A_651 = vector.broadcast %neg3A_650 : f32 to vector<16xf32>
    %neg3A_652 = arith.subf %neg3A_651, %abs3A_649 : vector<16xf32>
    %exp3A_653 = math.exp %neg3A_652 : vector<16xf32>
    %add3A_654 = arith.constant 2.000000e+00 : f32
    %add3A_655 = vector.broadcast %add3A_654 : f32 to vector<16xf32>
    %add3A_656 = arith.addf %exp3A_653, %add3A_655 : vector<16xf32>
    %div3A_657 = arith.divf %exp3A_653, %add3A_656 : vector<16xf32>
    %mul3A_658 = arith.mulf %div3A_657, %div3A_657 : vector<16xf32>
    %mul3A_659 = arith.constant 2.000000e-01 : f32
    %mul3A_660 = vector.broadcast %mul3A_659 : f32 to vector<16xf32>
    %mul3A_661 = arith.mulf %mul3A_658, %mul3A_660 : vector<16xf32>
    %add3A_662 = arith.constant 0.333333343 : f32
    %add3A_663 = vector.broadcast %add3A_662 : f32 to vector<16xf32>
    %add3A_664 = arith.addf %add3A_663, %mul3A_661 : vector<16xf32>
    %mul3A_665 = arith.mulf %mul3A_658, %add3A_664 : vector<16xf32>
    %add3A_666 = arith.constant 1.000000e+00 : f32
    %add3A_667 = vector.broadcast %add3A_666 : f32 to vector<16xf32>
    %add3A_668 = arith.addf %add3A_667, %mul3A_665 : vector<16xf32>
    %max3A_669 = arith.constant 0.000000e+00 : f32
    %max3A_670 = vector.broadcast %max3A_669 : f32 to vector<16xf32>
    %max3A_671 = arith.maximumf %get3A_648, %max3A_670 : vector<16xf32>
    %mul3A_672 = arith.constant 2.000000e+00 : f32
    %mul3A_673 = vector.broadcast %mul3A_672 : f32 to vector<16xf32>
    %mul3A_674 = arith.mulf %mul3A_673, %div3A_657 : vector<16xf32>
    %mul3A_675 = arith.mulf %mul3A_674, %add3A_668 : vector<16xf32>
    %add3A_676 = arith.addf %max3A_671, %mul3A_675 : vector<16xf32>
    %swap3A_677 = arith.constant 288 : index
    %swap3A_678 = tpu.vector_load %arg11[%swap3A_677] {strides = array<i32>} : memref<512xf32, #tpu.memory_space<vmem>>, vector<16xf32>,
    %swap3A_679 = vector.shape_cast %swap3A_678 : vector<16xf32> to vector<16xf32>
    %swap3A_680 = vector.shape_cast %add3A_676 : vector<16xf32> to vector<16xf32>
    tpu.vector_store %arg11[%swap3A_677], %swap3A_680 {strides = array<i32>} : memref<512xf32, #tpu.memory_space<vmem>>, vector<16xf32>,
    %get3A_681 = arith.constant 304 : index
    %get3A_682 = tpu.vector_load %arg11[%get3A_681] {strides = array<i32>} : memref<512xf32, #tpu.memory_space<vmem>>, vector<16xf32>,
    %get3A_683 = vector.shape_cast %get3A_682 : vector<16xf32> to vector<16xf32>
    %abs3A_684 = math.absf %get3A_683 : vector<16xf32>
    %neg3A_685 = arith.constant 0.000000e+00 : f32
    %neg3A_686 = vector.broadcast %neg3A_685 : f32 to vector<16xf32>
    %neg3A_687 = arith.subf %neg3A_686, %abs3A_684 : vector<16xf32>
    %exp3A_688 = math.exp %neg3A_687 : vector<16xf32>
    %add3A_689 = arith.constant 2.000000e+00 : f32
    %add3A_690 = vector.broadcast %add3A_689 : f32 to vector<16xf32>
    %add3A_691 = arith.addf %exp3A_688, %add3A_690 : vector<16xf32>
    %div3A_692 = arith.divf %exp3A_688, %add3A_691 : vector<16xf32>
    %mul3A_693 = arith.mulf %div3A_692, %div3A_692 : vector<16xf32>
    %mul3A_694 = arith.constant 2.000000e-01 : f32
    %mul3A_695 = vector.broadcast %mul3A_694 : f32 to vector<16xf32>
    %mul3A_696 = arith.mulf %mul3A_693, %mul3A_695 : vector<16xf32>
    %add3A_697 = arith.constant 0.333333343 : f32
    %add3A_698 = vector.broadcast %add3A_697 : f32 to vector<16xf32>
    %add3A_699 = arith.addf %add3A_698, %mul3A_696 : vector<16xf32>
    %mul3A_700 = arith.mulf %mul3A_693, %add3A_699 : vector<16xf32>
    %add3A_701 = arith.constant 1.000000e+00 : f32
    %add3A_702 = vector.broadcast %add3A_701 : f32 to vector<16xf32>
    %add3A_703 = arith.addf %add3A_702, %mul3A_700 : vector<16xf32>
    %max3A_704 = arith.constant 0.000000e+00 : f32
    %max3A_705 = vector.broadcast %max3A_704 : f32 to vector<16xf32>
    %max3A_706 = arith.maximumf %get3A_683, %max3A_705 : vector<16xf32>
    %mul3A_707 = arith.constant 2.000000e+00 : f32
    %mul3A_708 = vector.broadcast %mul3A_707 : f32 to vector<16xf32>
    %mul3A_709 = arith.mulf %mul3A_708, %div3A_692 : vector<16xf32>
    %mul3A_710 = arith.mulf %mul3A_709, %add3A_703 : vector<16xf32>
    %add3A_711 = arith.addf %max3A_706, %mul3A_710 : vector<16xf32>
    %swap3A_712 = arith.constant 304 : index
    %swap3A_713 = tpu.vector_load %arg11[%swap3A_712] {strides = array<i32>} : memref<512xf32, #tpu.memory_space<vmem>>, vector<16xf32>,
    %swap3A_714 = vector.shape_cast %swap3A_713 : vector<16xf32> to vector<16xf32>
    %swap3A_715 = vector.shape_cast %add3A_711 : vector<16xf32> to vector<16xf32>
    tpu.vector_store %arg11[%swap3A_712], %swap3A_715 {strides = array<i32>} : memref<512xf32, #tpu.memory_space<vmem>>, vector<16xf32>,
    %get3A_716 = arith.constant 320 : index
    %get3A_717 = tpu.vector_load %arg11[%get3A_716] {strides = array<i32>} : memref<512xf32, #tpu.memory_space<vmem>>, vector<16xf32>,
    %get3A_718 = vector.shape_cast %get3A_717 : vector<16xf32> to vector<16xf32>
    %abs3A_719 = math.absf %get3A_718 : vector<16xf32>
    %neg3A_720 = arith.constant 0.000000e+00 : f32
    %neg3A_721 = vector.broadcast %neg3A_720 : f32 to vector<16xf32>
    %neg3A_722 = arith.subf %neg3A_721, %abs3A_719 : vector<16xf32>
    %exp3A_723 = math.exp %neg3A_722 : vector<16xf32>
    %add3A_724 = arith.constant 2.000000e+00 : f32
    %add3A_725 = vector.broadcast %add3A_724 : f32 to vector<16xf32>
    %add3A_726 = arith.addf %exp3A_723, %add3A_725 : vector<16xf32>
    %div3A_727 = arith.divf %exp3A_723, %add3A_726 : vector<16xf32>
    %mul3A_728 = arith.mulf %div3A_727, %div3A_727 : vector<16xf32>
    %mul3A_729 = arith.constant 2.000000e-01 : f32
    %mul3A_730 = vector.broadcast %mul3A_729 : f32 to vector<16xf32>
    %mul3A_731 = arith.mulf %mul3A_728, %mul3A_730 : vector<16xf32>
    %add3A_732 = arith.constant 0.333333343 : f32
    %add3A_733 = vector.broadcast %add3A_732 : f32 to vector<16xf32>
    %add3A_734 = arith.addf %add3A_733, %mul3A_731 : vector<16xf32>
    %mul3A_735 = arith.mulf %mul3A_728, %add3A_734 : vector<16xf32>
    %add3A_736 = arith.constant 1.000000e+00 : f32
    %add3A_737 = vector.broadcast %add3A_736 : f32 to vector<16xf32>
    %add3A_738 = arith.addf %add3A_737, %mul3A_735 : vector<16xf32>
    %max3A_739 = arith.constant 0.000000e+00 : f32
    %max3A_740 = vector.broadcast %max3A_739 : f32 to vector<16xf32>
    %max3A_741 = arith.maximumf %get3A_718, %max3A_740 : vector<16xf32>
    %mul3A_742 = arith.constant 2.000000e+00 : f32
    %mul3A_743 = vector.broadcast %mul3A_742 : f32 to vector<16xf32>
    %mul3A_744 = arith.mulf %mul3A_743, %div3A_727 : vector<16xf32>
    %mul3A_745 = arith.mulf %mul3A_744, %add3A_738 : vector<16xf32>
    %add3A_746 = arith.addf %max3A_741, %mul3A_745 : vector<16xf32>
    %swap3A_747 = arith.constant 320 : index
    %swap3A_748 = tpu.vector_load %arg11[%swap3A_747] {strides = array<i32>} : memref<512xf32, #tpu.memory_space<vmem>>, vector<16xf32>,
    %swap3A_749 = vector.shape_cast %swap3A_748 : vector<16xf32> to vector<16xf32>
    %swap3A_750 = vector.shape_cast %add3A_746 : vector<16xf32> to vector<16xf32>
    tpu.vector_store %arg11[%swap3A_747], %swap3A_750 {strides = array<i32>} : memref<512xf32, #tpu.memory_space<vmem>>, vector<16xf32>,
    %get3A_751 = arith.constant 336 : index
    %get3A_752 = tpu.vector_load %arg11[%get3A_751] {strides = array<i32>} : memref<512xf32, #tpu.memory_space<vmem>>, vector<16xf32>,
    %get3A_753 = vector.shape_cast %get3A_752 : vector<16xf32> to vector<16xf32>
    %abs3A_754 = math.absf %get3A_753 : vector<16xf32>
    %neg3A_755 = arith.constant 0.000000e+00 : f32
    %neg3A_756 = vector.broadcast %neg3A_755 : f32 to vector<16xf32>
    %neg3A_757 = arith.subf %neg3A_756, %abs3A_754 : vector<16xf32>
    %exp3A_758 = math.exp %neg3A_757 : vector<16xf32>
    %add3A_759 = arith.constant 2.000000e+00 : f32
    %add3A_760 = vector.broadcast %add3A_759 : f32 to vector<16xf32>
    %add3A_761 = arith.addf %exp3A_758, %add3A_760 : vector<16xf32>
    %div3A_762 = arith.divf %exp3A_758, %add3A_761 : vector<16xf32>
    %mul3A_763 = arith.mulf %div3A_762, %div3A_762 : vector<16xf32>
    %mul3A_764 = arith.constant 2.000000e-01 : f32
    %mul3A_765 = vector.broadcast %mul3A_764 : f32 to vector<16xf32>
    %mul3A_766 = arith.mulf %mul3A_763, %mul3A_765 : vector<16xf32>
    %add3A_767 = arith.constant 0.333333343 : f32
    %add3A_768 = vector.broadcast %add3A_767 : f32 to vector<16xf32>
    %add3A_769 = arith.addf %add3A_768, %mul3A_766 : vector<16xf32>
    %mul3A_770 = arith.mulf %mul3A_763, %add3A_769 : vector<16xf32>
    %add3A_771 = arith.constant 1.000000e+00 : f32
    %add3A_772 = vector.broadcast %add3A_771 : f32 to vector<16xf32>
    %add3A_773 = arith.addf %add3A_772, %mul3A_770 : vector<16xf32>
    %max3A_774 = arith.constant 0.000000e+00 : f32
    %max3A_775 = vector.broadcast %max3A_774 : f32 to vector<16xf32>
    %max3A_776 = arith.maximumf %get3A_753, %max3A_775 : vector<16xf32>
    %mul3A_777 = arith.constant 2.000000e+00 : f32
    %mul3A_778 = vector.broadcast %mul3A_777 : f32 to vector<16xf32>
    %mul3A_779 = arith.mulf %mul3A_778, %div3A_762 : vector<16xf32>
    %mul3A_780 = arith.mulf %mul3A_779, %add3A_773 : vector<16xf32>
    %add3A_781 = arith.addf %max3A_776, %mul3A_780 : vector<16xf32>
    %swap3A_782 = arith.constant 336 : index
    %swap3A_783 = tpu.vector_load %arg11[%swap3A_782] {strides = array<i32>} : memref<512xf32, #tpu.memory_space<vmem>>, vector<16xf32>,
    %swap3A_784 = vector.shape_cast %swap3A_783 : vector<16xf32> to vector<16xf32>
    %swap3A_785 = vector.shape_cast %add3A_781 : vector<16xf32> to vector<16xf32>
    tpu.vector_store %arg11[%swap3A_782], %swap3A_785 {strides = array<i32>} : memref<512xf32, #tpu.memory_space<vmem>>, vector<16xf32>,
    %get3A_786 = arith.constant 352 : index
    %get3A_787 = tpu.vector_load %arg11[%get3A_786] {strides = array<i32>} : memref<512xf32, #tpu.memory_space<vmem>>, vector<16xf32>,
    %get3A_788 = vector.shape_cast %get3A_787 : vector<16xf32> to vector<16xf32>
    %abs3A_789 = math.absf %get3A_788 : vector<16xf32>
    %neg3A_790 = arith.constant 0.000000e+00 : f32
    %neg3A_791 = vector.broadcast %neg3A_790 : f32 to vector<16xf32>
    %neg3A_792 = arith.subf %neg3A_791, %abs3A_789 : vector<16xf32>
    %exp3A_793 = math.exp %neg3A_792 : vector<16xf32>
    %add3A_794 = arith.constant 2.000000e+00 : f32
    %add3A_795 = vector.broadcast %add3A_794 : f32 to vector<16xf32>
    %add3A_796 = arith.addf %exp3A_793, %add3A_795 : vector<16xf32>
    %div3A_797 = arith.divf %exp3A_793, %add3A_796 : vector<16xf32>
    %mul3A_798 = arith.mulf %div3A_797, %div3A_797 : vector<16xf32>
    %mul3A_799 = arith.constant 2.000000e-01 : f32
    %mul3A_800 = vector.broadcast %mul3A_799 : f32 to vector<16xf32>
    %mul3A_801 = arith.mulf %mul3A_798, %mul3A_800 : vector<16xf32>
    %add3A_802 = arith.constant 0.333333343 : f32
    %add3A_803 = vector.broadcast %add3A_802 : f32 to vector<16xf32>
    %add3A_804 = arith.addf %add3A_803, %mul3A_801 : vector<16xf32>
    %mul3A_805 = arith.mulf %mul3A_798, %add3A_804 : vector<16xf32>
    %add3A_806 = arith.constant 1.000000e+00 : f32
    %add3A_807 = vector.broadcast %add3A_806 : f32 to vector<16xf32>
    %add3A_808 = arith.addf %add3A_807, %mul3A_805 : vector<16xf32>
    %max3A_809 = arith.constant 0.000000e+00 : f32
    %max3A_810 = vector.broadcast %max3A_809 : f32 to vector<16xf32>
    %max3A_811 = arith.maximumf %get3A_788, %max3A_810 : vector<16xf32>
    %mul3A_812 = arith.constant 2.000000e+00 : f32
    %mul3A_813 = vector.broadcast %mul3A_812 : f32 to vector<16xf32>
    %mul3A_814 = arith.mulf %mul3A_813, %div3A_797 : vector<16xf32>
    %mul3A_815 = arith.mulf %mul3A_814, %add3A_808 : vector<16xf32>
    %add3A_816 = arith.addf %max3A_811, %mul3A_815 : vector<16xf32>
    %swap3A_817 = arith.constant 352 : index
    %swap3A_818 = tpu.vector_load %arg11[%swap3A_817] {strides = array<i32>} : memref<512xf32, #tpu.memory_space<vmem>>, vector<16xf32>,
    %swap3A_819 = vector.shape_cast %swap3A_818 : vector<16xf32> to vector<16xf32>
    %swap3A_820 = vector.shape_cast %add3A_816 : vector<16xf32> to vector<16xf32>
    tpu.vector_store %arg11[%swap3A_817], %swap3A_820 {strides = array<i32>} : memref<512xf32, #tpu.memory_space<vmem>>, vector<16xf32>,
    %get3A_821 = arith.constant 368 : index
    %get3A_822 = tpu.vector_load %arg11[%get3A_821] {strides = array<i32>} : memref<512xf32, #tpu.memory_space<vmem>>, vector<16xf32>,
    %get3A_823 = vector.shape_cast %get3A_822 : vector<16xf32> to vector<16xf32>
    %abs3A_824 = math.absf %get3A_823 : vector<16xf32>
    %neg3A_825 = arith.constant 0.000000e+00 : f32
    %neg3A_826 = vector.broadcast %neg3A_825 : f32 to vector<16xf32>
    %neg3A_827 = arith.subf %neg3A_826, %abs3A_824 : vector<16xf32>
    %exp3A_828 = math.exp %neg3A_827 : vector<16xf32>
    %add3A_829 = arith.constant 2.000000e+00 : f32
    %add3A_830 = vector.broadcast %add3A_829 : f32 to vector<16xf32>
    %add3A_831 = arith.addf %exp3A_828, %add3A_830 : vector<16xf32>
    %div3A_832 = arith.divf %exp3A_828, %add3A_831 : vector<16xf32>
    %mul3A_833 = arith.mulf %div3A_832, %div3A_832 : vector<16xf32>
    %mul3A_834 = arith.constant 2.000000e-01 : f32
    %mul3A_835 = vector.broadcast %mul3A_834 : f32 to vector<16xf32>
    %mul3A_836 = arith.mulf %mul3A_833, %mul3A_835 : vector<16xf32>
    %add3A_837 = arith.constant 0.333333343 : f32
    %add3A_838 = vector.broadcast %add3A_837 : f32 to vector<16xf32>
    %add3A_839 = arith.addf %add3A_838, %mul3A_836 : vector<16xf32>
    %mul3A_840 = arith.mulf %mul3A_833, %add3A_839 : vector<16xf32>
    %add3A_841 = arith.constant 1.000000e+00 : f32
    %add3A_842 = vector.broadcast %add3A_841 : f32 to vector<16xf32>
    %add3A_843 = arith.addf %add3A_842, %mul3A_840 : vector<16xf32>
    %max3A_844 = arith.constant 0.000000e+00 : f32
    %max3A_845 = vector.broadcast %max3A_844 : f32 to vector<16xf32>
    %max3A_846 = arith.maximumf %get3A_823, %max3A_845 : vector<16xf32>
    %mul3A_847 = arith.constant 2.000000e+00 : f32
    %mul3A_848 = vector.broadcast %mul3A_847 : f32 to vector<16xf32>
    %mul3A_849 = arith.mulf %mul3A_848, %div3A_832 : vector<16xf32>
    %mul3A_850 = arith.mulf %mul3A_849, %add3A_843 : vector<16xf32>
    %add3A_851 = arith.addf %max3A_846, %mul3A_850 : vector<16xf32>
    %swap3A_852 = arith.constant 368 : index
    %swap3A_853 = tpu.vector_load %arg11[%swap3A_852] {strides = array<i32>} : memref<512xf32, #tpu.memory_space<vmem>>, vector<16xf32>,
    %swap3A_854 = vector.shape_cast %swap3A_853 : vector<16xf32> to vector<16xf32>
    %swap3A_855 = vector.shape_cast %add3A_851 : vector<16xf32> to vector<16xf32>
    tpu.vector_store %arg11[%swap3A_852], %swap3A_855 {strides = array<i32>} : memref<512xf32, #tpu.memory_space<vmem>>, vector<16xf32>,
    %get3A_856 = arith.constant 384 : index
    %get3A_857 = tpu.vector_load %arg11[%get3A_856] {strides = array<i32>} : memref<512xf32, #tpu.memory_space<vmem>>, vector<16xf32>,
    %get3A_858 = vector.shape_cast %get3A_857 : vector<16xf32> to vector<16xf32>
    %abs3A_859 = math.absf %get3A_858 : vector<16xf32>
    %neg3A_860 = arith.constant 0.000000e+00 : f32
    %neg3A_861 = vector.broadcast %neg3A_860 : f32 to vector<16xf32>
    %neg3A_862 = arith.subf %neg3A_861, %abs3A_859 : vector<16xf32>
    %exp3A_863 = math.exp %neg3A_862 : vector<16xf32>
    %add3A_864 = arith.constant 2.000000e+00 : f32
    %add3A_865 = vector.broadcast %add3A_864 : f32 to vector<16xf32>
    %add3A_866 = arith.addf %exp3A_863, %add3A_865 : vector<16xf32>
    %div3A_867 = arith.divf %exp3A_863, %add3A_866 : vector<16xf32>
    %mul3A_868 = arith.mulf %div3A_867, %div3A_867 : vector<16xf32>
    %mul3A_869 = arith.constant 2.000000e-01 : f32
    %mul3A_870 = vector.broadcast %mul3A_869 : f32 to vector<16xf32>
    %mul3A_871 = arith.mulf %mul3A_868, %mul3A_870 : vector<16xf32>
    %add3A_872 = arith.constant 0.333333343 : f32
    %add3A_873 = vector.broadcast %add3A_872 : f32 to vector<16xf32>
    %add3A_874 = arith.addf %add3A_873, %mul3A_871 : vector<16xf32>
    %mul3A_875 = arith.mulf %mul3A_868, %add3A_874 : vector<16xf32>
    %add3A_876 = arith.constant 1.000000e+00 : f32
    %add3A_877 = vector.broadcast %add3A_876 : f32 to vector<16xf32>
    %add3A_878 = arith.addf %add3A_877, %mul3A_875 : vector<16xf32>
    %max3A_879 = arith.constant 0.000000e+00 : f32
    %max3A_880 = vector.broadcast %max3A_879 : f32 to vector<16xf32>
    %max3A_881 = arith.maximumf %get3A_858, %max3A_880 : vector<16xf32>
    %mul3A_882 = arith.constant 2.000000e+00 : f32
    %mul3A_883 = vector.broadcast %mul3A_882 : f32 to vector<16xf32>
    %mul3A_884 = arith.mulf %mul3A_883, %div3A_867 : vector<16xf32>
    %mul3A_885 = arith.mulf %mul3A_884, %add3A_878 : vector<16xf32>
    %add3A_886 = arith.addf %max3A_881, %mul3A_885 : vector<16xf32>
    %swap3A_887 = arith.constant 384 : index
    %swap3A_888 = tpu.vector_load %arg11[%swap3A_887] {strides = array<i32>} : memref<512xf32, #tpu.memory_space<vmem>>, vector<16xf32>,
    %swap3A_889 = vector.shape_cast %swap3A_888 : vector<16xf32> to vector<16xf32>
    %swap3A_890 = vector.shape_cast %add3A_886 : vector<16xf32> to vector<16xf32>
    tpu.vector_store %arg11[%swap3A_887], %swap3A_890 {strides = array<i32>} : memref<512xf32, #tpu.memory_space<vmem>>, vector<16xf32>,
    %get3A_891 = arith.constant 400 : index
    %get3A_892 = tpu.vector_load %arg11[%get3A_891] {strides = array<i32>} : memref<512xf32, #tpu.memory_space<vmem>>, vector<16xf32>,
    %get3A_893 = vector.shape_cast %get3A_892 : vector<16xf32> to vector<16xf32>
    %abs3A_894 = math.absf %get3A_893 : vector<16xf32>
    %neg3A_895 = arith.constant 0.000000e+00 : f32
    %neg3A_896 = vector.broadcast %neg3A_895 : f32 to vector<16xf32>
    %neg3A_897 = arith.subf %neg3A_896, %abs3A_894 : vector<16xf32>
    %exp3A_898 = math.exp %neg3A_897 : vector<16xf32>
    %add3A_899 = arith.constant 2.000000e+00 : f32
    %add3A_900 = vector.broadcast %add3A_899 : f32 to vector<16xf32>
    %add3A_901 = arith.addf %exp3A_898, %add3A_900 : vector<16xf32>
    %div3A_902 = arith.divf %exp3A_898, %add3A_901 : vector<16xf32>
    %mul3A_903 = arith.mulf %div3A_902, %div3A_902 : vector<16xf32>
    %mul3A_904 = arith.constant 2.000000e-01 : f32
    %mul3A_905 = vector.broadcast %mul3A_904 : f32 to vector<16xf32>
    %mul3A_906 = arith.mulf %mul3A_903, %mul3A_905 : vector<16xf32>
    %add3A_907 = arith.constant 0.333333343 : f32
    %add3A_908 = vector.broadcast %add3A_907 : f32 to vector<16xf32>
    %add3A_909 = arith.addf %add3A_908, %mul3A_906 : vector<16xf32>
    %mul3A_910 = arith.mulf %mul3A_903, %add3A_909 : vector<16xf32>
    %add3A_911 = arith.constant 1.000000e+00 : f32
    %add3A_912 = vector.broadcast %add3A_911 : f32 to vector<16xf32>
    %add3A_913 = arith.addf %add3A_912, %mul3A_910 : vector<16xf32>
    %max3A_914 = arith.constant 0.000000e+00 : f32
    %max3A_915 = vector.broadcast %max3A_914 : f32 to vector<16xf32>
    %max3A_916 = arith.maximumf %get3A_893, %max3A_915 : vector<16xf32>
    %mul3A_917 = arith.constant 2.000000e+00 : f32
    %mul3A_918 = vector.broadcast %mul3A_917 : f32 to vector<16xf32>
    %mul3A_919 = arith.mulf %mul3A_918, %div3A_902 : vector<16xf32>
    %mul3A_920 = arith.mulf %mul3A_919, %add3A_913 : vector<16xf32>
    %add3A_921 = arith.addf %max3A_916, %mul3A_920 : vector<16xf32>
    %swap3A_922 = arith.constant 400 : index
    %swap3A_923 = tpu.vector_load %arg11[%swap3A_922] {strides = array<i32>} : memref<512xf32, #tpu.memory_space<vmem>>, vector<16xf32>,
    %swap3A_924 = vector.shape_cast %swap3A_923 : vector<16xf32> to vector<16xf32>
    %swap3A_925 = vector.shape_cast %add3A_921 : vector<16xf32> to vector<16xf32>
    tpu.vector_store %arg11[%swap3A_922], %swap3A_925 {strides = array<i32>} : memref<512xf32, #tpu.memory_space<vmem>>, vector<16xf32>,
    %get3A_926 = arith.constant 416 : index
    %get3A_927 = tpu.vector_load %arg11[%get3A_926] {strides = array<i32>} : memref<512xf32, #tpu.memory_space<vmem>>, vector<16xf32>,
    %get3A_928 = vector.shape_cast %get3A_927 : vector<16xf32> to vector<16xf32>
    %abs3A_929 = math.absf %get3A_928 : vector<16xf32>
    %neg3A_930 = arith.constant 0.000000e+00 : f32
    %neg3A_931 = vector.broadcast %neg3A_930 : f32 to vector<16xf32>
    %neg3A_932 = arith.subf %neg3A_931, %abs3A_929 : vector<16xf32>
    %exp3A_933 = math.exp %neg3A_932 : vector<16xf32>
    %add3A_934 = arith.constant 2.000000e+00 : f32
    %add3A_935 = vector.broadcast %add3A_934 : f32 to vector<16xf32>
    %add3A_936 = arith.addf %exp3A_933, %add3A_935 : vector<16xf32>
    %div3A_937 = arith.divf %exp3A_933, %add3A_936 : vector<16xf32>
    %mul3A_938 = arith.mulf %div3A_937, %div3A_937 : vector<16xf32>
    %mul3A_939 = arith.constant 2.000000e-01 : f32
    %mul3A_940 = vector.broadcast %mul3A_939 : f32 to vector<16xf32>
    %mul3A_941 = arith.mulf %mul3A_938, %mul3A_940 : vector<16xf32>
    %add3A_942 = arith.constant 0.333333343 : f32
    %add3A_943 = vector.broadcast %add3A_942 : f32 to vector<16xf32>
    %add3A_944 = arith.addf %add3A_943, %mul3A_941 : vector<16xf32>
    %mul3A_945 = arith.mulf %mul3A_938, %add3A_944 : vector<16xf32>
    %add3A_946 = arith.constant 1.000000e+00 : f32
    %add3A_947 = vector.broadcast %add3A_946 : f32 to vector<16xf32>
    %add3A_948 = arith.addf %add3A_947, %mul3A_945 : vector<16xf32>
    %max3A_949 = arith.constant 0.000000e+00 : f32
    %max3A_950 = vector.broadcast %max3A_949 : f32 to vector<16xf32>
    %max3A_951 = arith.maximumf %get3A_928, %max3A_950 : vector<16xf32>
    %mul3A_952 = arith.constant 2.000000e+00 : f32
    %mul3A_953 = vector.broadcast %mul3A_952 : f32 to vector<16xf32>
    %mul3A_954 = arith.mulf %mul3A_953, %div3A_937 : vector<16xf32>
    %mul3A_955 = arith.mulf %mul3A_954, %add3A_948 : vector<16xf32>
    %add3A_956 = arith.addf %max3A_951, %mul3A_955 : vector<16xf32>
    %swap3A_957 = arith.constant 416 : index
    %swap3A_958 = tpu.vector_load %arg11[%swap3A_957] {strides = array<i32>} : memref<512xf32, #tpu.memory_space<vmem>>, vector<16xf32>,
    %swap3A_959 = vector.shape_cast %swap3A_958 : vector<16xf32> to vector<16xf32>
    %swap3A_960 = vector.shape_cast %add3A_956 : vector<16xf32> to vector<16xf32>
    tpu.vector_store %arg11[%swap3A_957], %swap3A_960 {strides = array<i32>} : memref<512xf32, #tpu.memory_space<vmem>>, vector<16xf32>,
    %get3A_961 = arith.constant 432 : index
    %get3A_962 = tpu.vector_load %arg11[%get3A_961] {strides = array<i32>} : memref<512xf32, #tpu.memory_space<vmem>>, vector<16xf32>,
    %get3A_963 = vector.shape_cast %get3A_962 : vector<16xf32> to vector<16xf32>
    %abs3A_964 = math.absf %get3A_963 : vector<16xf32>
    %neg3A_965 = arith.constant 0.000000e+00 : f32
    %neg3A_966 = vector.broadcast %neg3A_965 : f32 to vector<16xf32>
    %neg3A_967 = arith.subf %neg3A_966, %abs3A_964 : vector<16xf32>
    %exp3A_968 = math.exp %neg3A_967 : vector<16xf32>
    %add3A_969 = arith.constant 2.000000e+00 : f32
    %add3A_970 = vector.broadcast %add3A_969 : f32 to vector<16xf32>
    %add3A_971 = arith.addf %exp3A_968, %add3A_970 : vector<16xf32>
    %div3A_972 = arith.divf %exp3A_968, %add3A_971 : vector<16xf32>
    %mul3A_973 = arith.mulf %div3A_972, %div3A_972 : vector<16xf32>
    %mul3A_974 = arith.constant 2.000000e-01 : f32
    %mul3A_975 = vector.broadcast %mul3A_974 : f32 to vector<16xf32>
    %mul3A_976 = arith.mulf %mul3A_973, %mul3A_975 : vector<16xf32>
    %add3A_977 = arith.constant 0.333333343 : f32
    %add3A_978 = vector.broadcast %add3A_977 : f32 to vector<16xf32>
    %add3A_979 = arith.addf %add3A_978, %mul3A_976 : vector<16xf32>
    %mul3A_980 = arith.mulf %mul3A_973, %add3A_979 : vector<16xf32>
    %add3A_981 = arith.constant 1.000000e+00 : f32
    %add3A_982 = vector.broadcast %add3A_981 : f32 to vector<16xf32>
    %add3A_983 = arith.addf %add3A_982, %mul3A_980 : vector<16xf32>
    %max3A_984 = arith.constant 0.000000e+00 : f32
    %max3A_985 = vector.broadcast %max3A_984 : f32 to vector<16xf32>
    %max3A_986 = arith.maximumf %get3A_963, %max3A_985 : vector<16xf32>
    %mul3A_987 = arith.constant 2.000000e+00 : f32
    %mul3A_988 = vector.broadcast %mul3A_987 : f32 to vector<16xf32>
    %mul3A_989 = arith.mulf %mul3A_988, %div3A_972 : vector<16xf32>
    %mul3A_990 = arith.mulf %mul3A_989, %add3A_983 : vector<16xf32>
    %add3A_991 = arith.addf %max3A_986, %mul3A_990 : vector<16xf32>
    %swap3A_992 = arith.constant 432 : index
    %swap3A_993 = tpu.vector_load %arg11[%swap3A_992] {strides = array<i32>} : memref<512xf32, #tpu.memory_space<vmem>>, vector<16xf32>,
    %swap3A_994 = vector.shape_cast %swap3A_993 : vector<16xf32> to vector<16xf32>
    %swap3A_995 = vector.shape_cast %add3A_991 : vector<16xf32> to vector<16xf32>
    tpu.vector_store %arg11[%swap3A_992], %swap3A_995 {strides = array<i32>} : memref<512xf32, #tpu.memory_space<vmem>>, vector<16xf32>,
    %get3A_996 = arith.constant 448 : index
    %get3A_997 = tpu.vector_load %arg11[%get3A_996] {strides = array<i32>} : memref<512xf32, #tpu.memory_space<vmem>>, vector<16xf32>,
    %get3A_998 = vector.shape_cast %get3A_997 : vector<16xf32> to vector<16xf32>
    %abs3A_999 = math.absf %get3A_998 : vector<16xf32>
    %neg3A_1000 = arith.constant 0.000000e+00 : f32
    %neg3A_1001 = vector.broadcast %neg3A_1000 : f32 to vector<16xf32>
    %neg3A_1002 = arith.subf %neg3A_1001, %abs3A_999 : vector<16xf32>
    %exp3A_1003 = math.exp %neg3A_1002 : vector<16xf32>
    %add3A_1004 = arith.constant 2.000000e+00 : f32
    %add3A_1005 = vector.broadcast %add3A_1004 : f32 to vector<16xf32>
    %add3A_1006 = arith.addf %exp3A_1003, %add3A_1005 : vector<16xf32>
    %div3A_1007 = arith.divf %exp3A_1003, %add3A_1006 : vector<16xf32>
    %mul3A_1008 = arith.mulf %div3A_1007, %div3A_1007 : vector<16xf32>
    %mul3A_1009 = arith.constant 2.000000e-01 : f32
    %mul3A_1010 = vector.broadcast %mul3A_1009 : f32 to vector<16xf32>
    %mul3A_1011 = arith.mulf %mul3A_1008, %mul3A_1010 : vector<16xf32>
    %add3A_1012 = arith.constant 0.333333343 : f32
    %add3A_1013 = vector.broadcast %add3A_1012 : f32 to vector<16xf32>
    %add3A_1014 = arith.addf %add3A_1013, %mul3A_1011 : vector<16xf32>
    %mul3A_1015 = arith.mulf %mul3A_1008, %add3A_1014 : vector<16xf32>
    %add3A_1016 = arith.constant 1.000000e+00 : f32
    %add3A_1017 = vector.broadcast %add3A_1016 : f32 to vector<16xf32>
    %add3A_1018 = arith.addf %add3A_1017, %mul3A_1015 : vector<16xf32>
    %max3A_1019 = arith.constant 0.000000e+00 : f32
    %max3A_1020 = vector.broadcast %max3A_1019 : f32 to vector<16xf32>
    %max3A_1021 = arith.maximumf %get3A_998, %max3A_1020 : vector<16xf32>
    %mul3A_1022 = arith.constant 2.000000e+00 : f32
    %mul3A_1023 = vector.broadcast %mul3A_1022 : f32 to vector<16xf32>
    %mul3A_1024 = arith.mulf %mul3A_1023, %div3A_1007 : vector<16xf32>
    %mul3A_1025 = arith.mulf %mul3A_1024, %add3A_1018 : vector<16xf32>
    %add3A_1026 = arith.addf %max3A_1021, %mul3A_1025 : vector<16xf32>
    %swap3A_1027 = arith.constant 448 : index
    %swap3A_1028 = tpu.vector_load %arg11[%swap3A_1027] {strides = array<i32>} : memref<512xf32, #tpu.memory_space<vmem>>, vector<16xf32>,
    %swap3A_1029 = vector.shape_cast %swap3A_1028 : vector<16xf32> to vector<16xf32>
    %swap3A_1030 = vector.shape_cast %add3A_1026 : vector<16xf32> to vector<16xf32>
    tpu.vector_store %arg11[%swap3A_1027], %swap3A_1030 {strides = array<i32>} : memref<512xf32, #tpu.memory_space<vmem>>, vector<16xf32>,
    %get3A_1031 = arith.constant 464 : index
    %get3A_1032 = tpu.vector_load %arg11[%get3A_1031] {strides = array<i32>} : memref<512xf32, #tpu.memory_space<vmem>>, vector<16xf32>,
    %get3A_1033 = vector.shape_cast %get3A_1032 : vector<16xf32> to vector<16xf32>
    %abs3A_1034 = math.absf %get3A_1033 : vector<16xf32>
    %neg3A_1035 = arith.constant 0.000000e+00 : f32
    %neg3A_1036 = vector.broadcast %neg3A_1035 : f32 to vector<16xf32>
    %neg3A_1037 = arith.subf %neg3A_1036, %abs3A_1034 : vector<16xf32>
    %exp3A_1038 = math.exp %neg3A_1037 : vector<16xf32>
    %add3A_1039 = arith.constant 2.000000e+00 : f32
    %add3A_1040 = vector.broadcast %add3A_1039 : f32 to vector<16xf32>
    %add3A_1041 = arith.addf %exp3A_1038, %add3A_1040 : vector<16xf32>
    %div3A_1042 = arith.divf %exp3A_1038, %add3A_1041 : vector<16xf32>
    %mul3A_1043 = arith.mulf %div3A_1042, %div3A_1042 : vector<16xf32>
    %mul3A_1044 = arith.constant 2.000000e-01 : f32
    %mul3A_1045 = vector.broadcast %mul3A_1044 : f32 to vector<16xf32>
    %mul3A_1046 = arith.mulf %mul3A_1043, %mul3A_1045 : vector<16xf32>
    %add3A_1047 = arith.constant 0.333333343 : f32
    %add3A_1048 = vector.broadcast %add3A_1047 : f32 to vector<16xf32>
    %add3A_1049 = arith.addf %add3A_1048, %mul3A_1046 : vector<16xf32>
    %mul3A_1050 = arith.mulf %mul3A_1043, %add3A_1049 : vector<16xf32>
    %add3A_1051 = arith.constant 1.000000e+00 : f32
    %add3A_1052 = vector.broadcast %add3A_1051 : f32 to vector<16xf32>
    %add3A_1053 = arith.addf %add3A_1052, %mul3A_1050 : vector<16xf32>
    %max3A_1054 = arith.constant 0.000000e+00 : f32
    %max3A_1055 = vector.broadcast %max3A_1054 : f32 to vector<16xf32>
    %max3A_1056 = arith.maximumf %get3A_1033, %max3A_1055 : vector<16xf32>
    %mul3A_1057 = arith.constant 2.000000e+00 : f32
    %mul3A_1058 = vector.broadcast %mul3A_1057 : f32 to vector<16xf32>
    %mul3A_1059 = arith.mulf %mul3A_1058, %div3A_1042 : vector<16xf32>
    %mul3A_1060 = arith.mulf %mul3A_1059, %add3A_1053 : vector<16xf32>
    %add3A_1061 = arith.addf %max3A_1056, %mul3A_1060 : vector<16xf32>
    %swap3A_1062 = arith.constant 464 : index
    %swap3A_1063 = tpu.vector_load %arg11[%swap3A_1062] {strides = array<i32>} : memref<512xf32, #tpu.memory_space<vmem>>, vector<16xf32>,
    %swap3A_1064 = vector.shape_cast %swap3A_1063 : vector<16xf32> to vector<16xf32>
    %swap3A_1065 = vector.shape_cast %add3A_1061 : vector<16xf32> to vector<16xf32>
    tpu.vector_store %arg11[%swap3A_1062], %swap3A_1065 {strides = array<i32>} : memref<512xf32, #tpu.memory_space<vmem>>, vector<16xf32>,
    %get3A_1066 = arith.constant 480 : index
    %get3A_1067 = tpu.vector_load %arg11[%get3A_1066] {strides = array<i32>} : memref<512xf32, #tpu.memory_space<vmem>>, vector<16xf32>,
    %get3A_1068 = vector.shape_cast %get3A_1067 : vector<16xf32> to vector<16xf32>
    %abs3A_1069 = math.absf %get3A_1068 : vector<16xf32>
    %neg3A_1070 = arith.constant 0.000000e+00 : f32
    %neg3A_1071 = vector.broadcast %neg3A_1070 : f32 to vector<16xf32>
    %neg3A_1072 = arith.subf %neg3A_1071, %abs3A_1069 : vector<16xf32>
    %exp3A_1073 = math.exp %neg3A_1072 : vector<16xf32>
    %add3A_1074 = arith.constant 2.000000e+00 : f32
    %add3A_1075 = vector.broadcast %add3A_1074 : f32 to vector<16xf32>
    %add3A_1076 = arith.addf %exp3A_1073, %add3A_1075 : vector<16xf32>
    %div3A_1077 = arith.divf %exp3A_1073, %add3A_1076 : vector<16xf32>
    %mul3A_1078 = arith.mulf %div3A_1077, %div3A_1077 : vector<16xf32>
    %mul3A_1079 = arith.constant 2.000000e-01 : f32
    %mul3A_1080 = vector.broadcast %mul3A_1079 : f32 to vector<16xf32>
    %mul3A_1081 = arith.mulf %mul3A_1078, %mul3A_1080 : vector<16xf32>
    %add3A_1082 = arith.constant 0.333333343 : f32
    %add3A_1083 = vector.broadcast %add3A_1082 : f32 to vector<16xf32>
    %add3A_1084 = arith.addf %add3A_1083, %mul3A_1081 : vector<16xf32>
    %mul3A_1085 = arith.mulf %mul3A_1078, %add3A_1084 : vector<16xf32>
    %add3A_1086 = arith.constant 1.000000e+00 : f32
    %add3A_1087 = vector.broadcast %add3A_1086 : f32 to vector<16xf32>
    %add3A_1088 = arith.addf %add3A_1087, %mul3A_1085 : vector<16xf32>
    %max3A_1089 = arith.constant 0.000000e+00 : f32
    %max3A_1090 = vector.broadcast %max3A_1089 : f32 to vector<16xf32>
    %max3A_1091 = arith.maximumf %get3A_1068, %max3A_1090 : vector<16xf32>
    %mul3A_1092 = arith.constant 2.000000e+00 : f32
    %mul3A_1093 = vector.broadcast %mul3A_1092 : f32 to vector<16xf32>
    %mul3A_1094 = arith.mulf %mul3A_1093, %div3A_1077 : vector<16xf32>
    %mul3A_1095 = arith.mulf %mul3A_1094, %add3A_1088 : vector<16xf32>
    %add3A_1096 = arith.addf %max3A_1091, %mul3A_1095 : vector<16xf32>
    %swap3A_1097 = arith.constant 480 : index
    %swap3A_1098 = tpu.vector_load %arg11[%swap3A_1097] {strides = array<i32>} : memref<512xf32, #tpu.memory_space<vmem>>, vector<16xf32>,
    %swap3A_1099 = vector.shape_cast %swap3A_1098 : vector<16xf32> to vector<16xf32>
    %swap3A_1100 = vector.shape_cast %add3A_1096 : vector<16xf32> to vector<16xf32>
    tpu.vector_store %arg11[%swap3A_1097], %swap3A_1100 {strides = array<i32>} : memref<512xf32, #tpu.memory_space<vmem>>, vector<16xf32>,
    %get3A_1101 = arith.constant 496 : index
    %get3A_1102 = tpu.vector_load %arg11[%get3A_1101] {strides = array<i32>} : memref<512xf32, #tpu.memory_space<vmem>>, vector<16xf32>,
    %get3A_1103 = vector.shape_cast %get3A_1102 : vector<16xf32> to vector<16xf32>
    %abs3A_1104 = math.absf %get3A_1103 : vector<16xf32>
    %neg3A_1105 = arith.constant 0.000000e+00 : f32
    %neg3A_1106 = vector.broadcast %neg3A_1105 : f32 to vector<16xf32>
    %neg3A_1107 = arith.subf %neg3A_1106, %abs3A_1104 : vector<16xf32>
    %exp3A_1108 = math.exp %neg3A_1107 : vector<16xf32>
    %add3A_1109 = arith.constant 2.000000e+00 : f32
    %add3A_1110 = vector.broadcast %add3A_1109 : f32 to vector<16xf32>
    %add3A_1111 = arith.addf %exp3A_1108, %add3A_1110 : vector<16xf32>
    %div3A_1112 = arith.divf %exp3A_1108, %add3A_1111 : vector<16xf32>
    %mul3A_1113 = arith.mulf %div3A_1112, %div3A_1112 : vector<16xf32>
    %mul3A_1114 = arith.constant 2.000000e-01 : f32
    %mul3A_1115 = vector.broadcast %mul3A_1114 : f32 to vector<16xf32>
    %mul3A_1116 = arith.mulf %mul3A_1113, %mul3A_1115 : vector<16xf32>
    %add3A_1117 = arith.constant 0.333333343 : f32
    %add3A_1118 = vector.broadcast %add3A_1117 : f32 to vector<16xf32>
    %add3A_1119 = arith.addf %add3A_1118, %mul3A_1116 : vector<16xf32>
    %mul3A_1120 = arith.mulf %mul3A_1113, %add3A_1119 : vector<16xf32>
    %add3A_1121 = arith.constant 1.000000e+00 : f32
    %add3A_1122 = vector.broadcast %add3A_1121 : f32 to vector<16xf32>
    %add3A_1123 = arith.addf %add3A_1122, %mul3A_1120 : vector<16xf32>
    %max3A_1124 = arith.constant 0.000000e+00 : f32
    %max3A_1125 = vector.broadcast %max3A_1124 : f32 to vector<16xf32>
    %max3A_1126 = arith.maximumf %get3A_1103, %max3A_1125 : vector<16xf32>
    %mul3A_1127 = arith.constant 2.000000e+00 : f32
    %mul3A_1128 = vector.broadcast %mul3A_1127 : f32 to vector<16xf32>
    %mul3A_1129 = arith.mulf %mul3A_1128, %div3A_1112 : vector<16xf32>
    %mul3A_1130 = arith.mulf %mul3A_1129, %add3A_1123 : vector<16xf32>
    %add3A_1131 = arith.addf %max3A_1126, %mul3A_1130 : vector<16xf32>
    %swap3A_1132 = arith.constant 496 : index
    %swap3A_1133 = tpu.vector_load %arg11[%swap3A_1132] {strides = array<i32>} : memref<512xf32, #tpu.memory_space<vmem>>, vector<16xf32>,
    %swap3A_1134 = vector.shape_cast %swap3A_1133 : vector<16xf32> to vector<16xf32>
    %swap3A_1135 = vector.shape_cast %add3A_1131 : vector<16xf32> to vector<16xf32>
    tpu.vector_store %arg11[%swap3A_1132], %swap3A_1135 {strides = array<i32>} : memref<512xf32, #tpu.memory_space<vmem>>, vector<16xf32>,
    %dma_wait3A_1136 = arith.constant 0 : i32
    %dma_wait3A_1137 = tpu.memref_slice %arg5[%dma_wait3A_1136] : memref<200704xf32, #tpu.memory_space<hbm>> -> memref<100352xf32, #tpu.memory_space<hbm>>
    %dma_wait3A_1138 = arith.constant 0 : i32
    %dma_wait3A_1139 = tpu.memref_slice %dma_wait3A_1137[%dma_wait3A_1138] : memref<100352xf32, #tpu.memory_space<hbm>> -> memref<100352xf32, #tpu.memory_space<hbm>>
    tpu.wait_indirect_dma semaphore(%arg15 : memref<!tpu.dma_semaphore, #tpu.memory_space<semaphore_mem>>) src(%dma_wait3A_1139 : memref<100352xf32, #tpu.memory_space<hbm>>) dst(%arg10 : memref<512xf32, #tpu.memory_space<vmem>>)
    %dma_wait3A_1140 = arith.constant 0 : i32
    %dma_wait3A_1141 = tpu.memref_slice %arg4[%dma_wait3A_1140] : memref<1000448xf32, #tpu.memory_space<hbm>> -> memref<1000448xf32, #tpu.memory_space<hbm>>
    tpu.wait_indirect_dma semaphore(%arg15 : memref<!tpu.dma_semaphore, #tpu.memory_space<semaphore_mem>>) src(%dma_wait3A_1141 : memref<1000448xf32, #tpu.memory_space<hbm>>) dst(%arg9 : memref<512xf32, #tpu.memory_space<vmem>>)
    %get3A_1142 = arith.constant 0 : index
    %get3A_1143 = tpu.vector_load %arg11[%get3A_1142] {strides = array<i32>} : memref<512xf32, #tpu.memory_space<vmem>>, vector<16xf32>,
    %get3A_1144 = vector.shape_cast %get3A_1143 : vector<16xf32> to vector<16xf32>
    %get3A_1145 = arith.constant 0 : index
    %get3A_1146 = tpu.vector_load %arg9[%get3A_1145] {strides = array<i32>} : memref<512xf32, #tpu.memory_space<vmem>>, vector<16xf32>,
    %get3A_1147 = vector.shape_cast %get3A_1146 : vector<16xf32> to vector<16xf32>
    %get3A_1148 = arith.constant 0 : index
    %get3A_1149 = tpu.vector_load %arg10[%get3A_1148] {strides = array<i32>} : memref<512xf32, #tpu.memory_space<vmem>>, vector<16xf32>,
    %get3A_1150 = vector.shape_cast %get3A_1149 : vector<16xf32> to vector<16xf32>
    %sub3A = arith.subf %get3A_1147, %get3A_1150 : vector<16xf32>
    %mul3A_1151 = arith.mulf %get3A_1144, %sub3A : vector<16xf32>
    %neg3A_1152 = arith.constant 0.000000e+00 : f32
    %neg3A_1153 = vector.broadcast %neg3A_1152 : f32 to vector<16xf32>
    %neg3A_1154 = arith.subf %neg3A_1153, %mul3A_1151 : vector<16xf32>
    %exp3A_1155 = math.exp %neg3A_1154 : vector<16xf32>
    %add3A_1156 = arith.constant 1.000000e+00 : f32
    %add3A_1157 = vector.broadcast %add3A_1156 : f32 to vector<16xf32>
    %add3A_1158 = arith.addf %add3A_1157, %exp3A_1155 : vector<16xf32>
    %div3A_1159 = arith.constant 1.000000e+00 : f32
    %div3A_1160 = vector.broadcast %div3A_1159 : f32 to vector<16xf32>
    %div3A_1161 = arith.divf %div3A_1160, %add3A_1158 : vector<16xf32>
    %swap3A_1162 = arith.constant 0 : index
    %swap3A_1163 = tpu.vector_load %arg12[%swap3A_1162] {strides = array<i32>} : memref<512xf32, #tpu.memory_space<vmem>>, vector<16xf32>,
    %swap3A_1164 = vector.shape_cast %swap3A_1163 : vector<16xf32> to vector<16xf32>
    %swap3A_1165 = vector.shape_cast %div3A_1161 : vector<16xf32> to vector<16xf32>
    tpu.vector_store %arg12[%swap3A_1162], %swap3A_1165 {strides = array<i32>} : memref<512xf32, #tpu.memory_space<vmem>>, vector<16xf32>,
    %get3A_1166 = arith.constant 16 : index
    %get3A_1167 = tpu.vector_load %arg11[%get3A_1166] {strides = array<i32>} : memref<512xf32, #tpu.memory_space<vmem>>, vector<16xf32>,
    %get3A_1168 = vector.shape_cast %get3A_1167 : vector<16xf32> to vector<16xf32>
    %get3A_1169 = arith.constant 16 : index
    %get3A_1170 = tpu.vector_load %arg9[%get3A_1169] {strides = array<i32>} : memref<512xf32, #tpu.memory_space<vmem>>, vector<16xf32>,
    %get3A_1171 = vector.shape_cast %get3A_1170 : vector<16xf32> to vector<16xf32>
    %get3A_1172 = arith.constant 16 : index
    %get3A_1173 = tpu.vector_load %arg10[%get3A_1172] {strides = array<i32>} : memref<512xf32, #tpu.memory_space<vmem>>, vector<16xf32>,
    %get3A_1174 = vector.shape_cast %get3A_1173 : vector<16xf32> to vector<16xf32>
    %sub3A_1175 = arith.subf %get3A_1171, %get3A_1174 : vector<16xf32>
    %mul3A_1176 = arith.mulf %get3A_1168, %sub3A_1175 : vector<16xf32>
    %neg3A_1177 = arith.constant 0.000000e+00 : f32
    %neg3A_1178 = vector.broadcast %neg3A_1177 : f32 to vector<16xf32>
    %neg3A_1179 = arith.subf %neg3A_1178, %mul3A_1176 : vector<16xf32>
    %exp3A_1180 = math.exp %neg3A_1179 : vector<16xf32>
    %add3A_1181 = arith.constant 1.000000e+00 : f32
    %add3A_1182 = vector.broadcast %add3A_1181 : f32 to vector<16xf32>
    %add3A_1183 = arith.addf %add3A_1182, %exp3A_1180 : vector<16xf32>
    %div3A_1184 = arith.constant 1.000000e+00 : f32
    %div3A_1185 = vector.broadcast %div3A_1184 : f32 to vector<16xf32>
    %div3A_1186 = arith.divf %div3A_1185, %add3A_1183 : vector<16xf32>
    %swap3A_1187 = arith.constant 16 : index
    %swap3A_1188 = tpu.vector_load %arg12[%swap3A_1187] {strides = array<i32>} : memref<512xf32, #tpu.memory_space<vmem>>, vector<16xf32>,
    %swap3A_1189 = vector.shape_cast %swap3A_1188 : vector<16xf32> to vector<16xf32>
    %swap3A_1190 = vector.shape_cast %div3A_1186 : vector<16xf32> to vector<16xf32>
    tpu.vector_store %arg12[%swap3A_1187], %swap3A_1190 {strides = array<i32>} : memref<512xf32, #tpu.memory_space<vmem>>, vector<16xf32>,
    %get3A_1191 = arith.constant 32 : index
    %get3A_1192 = tpu.vector_load %arg11[%get3A_1191] {strides = array<i32>} : memref<512xf32, #tpu.memory_space<vmem>>, vector<16xf32>,
    %get3A_1193 = vector.shape_cast %get3A_1192 : vector<16xf32> to vector<16xf32>
    %get3A_1194 = arith.constant 32 : index
    %get3A_1195 = tpu.vector_load %arg9[%get3A_1194] {strides = array<i32>} : memref<512xf32, #tpu.memory_space<vmem>>, vector<16xf32>,
    %get3A_1196 = vector.shape_cast %get3A_1195 : vector<16xf32> to vector<16xf32>
    %get3A_1197 = arith.constant 32 : index
    %get3A_1198 = tpu.vector_load %arg10[%get3A_1197] {strides = array<i32>} : memref<512xf32, #tpu.memory_space<vmem>>, vector<16xf32>,
    %get3A_1199 = vector.shape_cast %get3A_1198 : vector<16xf32> to vector<16xf32>
    %sub3A_1200 = arith.subf %get3A_1196, %get3A_1199 : vector<16xf32>
    %mul3A_1201 = arith.mulf %get3A_1193, %sub3A_1200 : vector<16xf32>
    %neg3A_1202 = arith.constant 0.000000e+00 : f32
    %neg3A_1203 = vector.broadcast %neg3A_1202 : f32 to vector<16xf32>
    %neg3A_1204 = arith.subf %neg3A_1203, %mul3A_1201 : vector<16xf32>
    %exp3A_1205 = math.exp %neg3A_1204 : vector<16xf32>
    %add3A_1206 = arith.constant 1.000000e+00 : f32
    %add3A_1207 = vector.broadcast %add3A_1206 : f32 to vector<16xf32>
    %add3A_1208 = arith.addf %add3A_1207, %exp3A_1205 : vector<16xf32>
    %div3A_1209 = arith.constant 1.000000e+00 : f32
    %div3A_1210 = vector.broadcast %div3A_1209 : f32 to vector<16xf32>
    %div3A_1211 = arith.divf %div3A_1210, %add3A_1208 : vector<16xf32>
    %swap3A_1212 = arith.constant 32 : index
    %swap3A_1213 = tpu.vector_load %arg12[%swap3A_1212] {strides = array<i32>} : memref<512xf32, #tpu.memory_space<vmem>>, vector<16xf32>,
    %swap3A_1214 = vector.shape_cast %swap3A_1213 : vector<16xf32> to vector<16xf32>
    %swap3A_1215 = vector.shape_cast %div3A_1211 : vector<16xf32> to vector<16xf32>
    tpu.vector_store %arg12[%swap3A_1212], %swap3A_1215 {strides = array<i32>} : memref<512xf32, #tpu.memory_space<vmem>>, vector<16xf32>,
    %get3A_1216 = arith.constant 48 : index
    %get3A_1217 = tpu.vector_load %arg11[%get3A_1216] {strides = array<i32>} : memref<512xf32, #tpu.memory_space<vmem>>, vector<16xf32>,
    %get3A_1218 = vector.shape_cast %get3A_1217 : vector<16xf32> to vector<16xf32>
    %get3A_1219 = arith.constant 48 : index
    %get3A_1220 = tpu.vector_load %arg9[%get3A_1219] {strides = array<i32>} : memref<512xf32, #tpu.memory_space<vmem>>, vector<16xf32>,
    %get3A_1221 = vector.shape_cast %get3A_1220 : vector<16xf32> to vector<16xf32>
    %get3A_1222 = arith.constant 48 : index
    %get3A_1223 = tpu.vector_load %arg10[%get3A_1222] {strides = array<i32>} : memref<512xf32, #tpu.memory_space<vmem>>, vector<16xf32>,
    %get3A_1224 = vector.shape_cast %get3A_1223 : vector<16xf32> to vector<16xf32>
    %sub3A_1225 = arith.subf %get3A_1221, %get3A_1224 : vector<16xf32>
    %mul3A_1226 = arith.mulf %get3A_1218, %sub3A_1225 : vector<16xf32>
    %neg3A_1227 = arith.constant 0.000000e+00 : f32
    %neg3A_1228 = vector.broadcast %neg3A_1227 : f32 to vector<16xf32>
    %neg3A_1229 = arith.subf %neg3A_1228, %mul3A_1226 : vector<16xf32>
    %exp3A_1230 = math.exp %neg3A_1229 : vector<16xf32>
    %add3A_1231 = arith.constant 1.000000e+00 : f32
    %add3A_1232 = vector.broadcast %add3A_1231 : f32 to vector<16xf32>
    %add3A_1233 = arith.addf %add3A_1232, %exp3A_1230 : vector<16xf32>
    %div3A_1234 = arith.constant 1.000000e+00 : f32
    %div3A_1235 = vector.broadcast %div3A_1234 : f32 to vector<16xf32>
    %div3A_1236 = arith.divf %div3A_1235, %add3A_1233 : vector<16xf32>
    %swap3A_1237 = arith.constant 48 : index
    %swap3A_1238 = tpu.vector_load %arg12[%swap3A_1237] {strides = array<i32>} : memref<512xf32, #tpu.memory_space<vmem>>, vector<16xf32>,
    %swap3A_1239 = vector.shape_cast %swap3A_1238 : vector<16xf32> to vector<16xf32>
    %swap3A_1240 = vector.shape_cast %div3A_1236 : vector<16xf32> to vector<16xf32>
    tpu.vector_store %arg12[%swap3A_1237], %swap3A_1240 {strides = array<i32>} : memref<512xf32, #tpu.memory_space<vmem>>, vector<16xf32>,
    %get3A_1241 = arith.constant 64 : index
    %get3A_1242 = tpu.vector_load %arg11[%get3A_1241] {strides = array<i32>} : memref<512xf32, #tpu.memory_space<vmem>>, vector<16xf32>,
    %get3A_1243 = vector.shape_cast %get3A_1242 : vector<16xf32> to vector<16xf32>
    %get3A_1244 = arith.constant 64 : index
    %get3A_1245 = tpu.vector_load %arg9[%get3A_1244] {strides = array<i32>} : memref<512xf32, #tpu.memory_space<vmem>>, vector<16xf32>,
    %get3A_1246 = vector.shape_cast %get3A_1245 : vector<16xf32> to vector<16xf32>
    %get3A_1247 = arith.constant 64 : index
    %get3A_1248 = tpu.vector_load %arg10[%get3A_1247] {strides = array<i32>} : memref<512xf32, #tpu.memory_space<vmem>>, vector<16xf32>,
    %get3A_1249 = vector.shape_cast %get3A_1248 : vector<16xf32> to vector<16xf32>
    %sub3A_1250 = arith.subf %get3A_1246, %get3A_1249 : vector<16xf32>
    %mul3A_1251 = arith.mulf %get3A_1243, %sub3A_1250 : vector<16xf32>
    %neg3A_1252 = arith.constant 0.000000e+00 : f32
    %neg3A_1253 = vector.broadcast %neg3A_1252 : f32 to vector<16xf32>
    %neg3A_1254 = arith.subf %neg3A_1253, %mul3A_1251 : vector<16xf32>
    %exp3A_1255 = math.exp %neg3A_1254 : vector<16xf32>
    %add3A_1256 = arith.constant 1.000000e+00 : f32
    %add3A_1257 = vector.broadcast %add3A_1256 : f32 to vector<16xf32>
    %add3A_1258 = arith.addf %add3A_1257, %exp3A_1255 : vector<16xf32>
    %div3A_1259 = arith.constant 1.000000e+00 : f32
    %div3A_1260 = vector.broadcast %div3A_1259 : f32 to vector<16xf32>
    %div3A_1261 = arith.divf %div3A_1260, %add3A_1258 : vector<16xf32>
    %swap3A_1262 = arith.constant 64 : index
    %swap3A_1263 = tpu.vector_load %arg12[%swap3A_1262] {strides = array<i32>} : memref<512xf32, #tpu.memory_space<vmem>>, vector<16xf32>,
    %swap3A_1264 = vector.shape_cast %swap3A_1263 : vector<16xf32> to vector<16xf32>
    %swap3A_1265 = vector.shape_cast %div3A_1261 : vector<16xf32> to vector<16xf32>
    tpu.vector_store %arg12[%swap3A_1262], %swap3A_1265 {strides = array<i32>} : memref<512xf32, #tpu.memory_space<vmem>>, vector<16xf32>,
    %get3A_1266 = arith.constant 80 : index
    %get3A_1267 = tpu.vector_load %arg11[%get3A_1266] {strides = array<i32>} : memref<512xf32, #tpu.memory_space<vmem>>, vector<16xf32>,
    %get3A_1268 = vector.shape_cast %get3A_1267 : vector<16xf32> to vector<16xf32>
    %get3A_1269 = arith.constant 80 : index
    %get3A_1270 = tpu.vector_load %arg9[%get3A_1269] {strides = array<i32>} : memref<512xf32, #tpu.memory_space<vmem>>, vector<16xf32>,
    %get3A_1271 = vector.shape_cast %get3A_1270 : vector<16xf32> to vector<16xf32>
    %get3A_1272 = arith.constant 80 : index
    %get3A_1273 = tpu.vector_load %arg10[%get3A_1272] {strides = array<i32>} : memref<512xf32, #tpu.memory_space<vmem>>, vector<16xf32>,
    %get3A_1274 = vector.shape_cast %get3A_1273 : vector<16xf32> to vector<16xf32>
    %sub3A_1275 = arith.subf %get3A_1271, %get3A_1274 : vector<16xf32>
    %mul3A_1276 = arith.mulf %get3A_1268, %sub3A_1275 : vector<16xf32>
    %neg3A_1277 = arith.constant 0.000000e+00 : f32
    %neg3A_1278 = vector.broadcast %neg3A_1277 : f32 to vector<16xf32>
    %neg3A_1279 = arith.subf %neg3A_1278, %mul3A_1276 : vector<16xf32>
    %exp3A_1280 = math.exp %neg3A_1279 : vector<16xf32>
    %add3A_1281 = arith.constant 1.000000e+00 : f32
    %add3A_1282 = vector.broadcast %add3A_1281 : f32 to vector<16xf32>
    %add3A_1283 = arith.addf %add3A_1282, %exp3A_1280 : vector<16xf32>
    %div3A_1284 = arith.constant 1.000000e+00 : f32
    %div3A_1285 = vector.broadcast %div3A_1284 : f32 to vector<16xf32>
    %div3A_1286 = arith.divf %div3A_1285, %add3A_1283 : vector<16xf32>
    %swap3A_1287 = arith.constant 80 : index
    %swap3A_1288 = tpu.vector_load %arg12[%swap3A_1287] {strides = array<i32>} : memref<512xf32, #tpu.memory_space<vmem>>, vector<16xf32>,
    %swap3A_1289 = vector.shape_cast %swap3A_1288 : vector<16xf32> to vector<16xf32>
    %swap3A_1290 = vector.shape_cast %div3A_1286 : vector<16xf32> to vector<16xf32>
    tpu.vector_store %arg12[%swap3A_1287], %swap3A_1290 {strides = array<i32>} : memref<512xf32, #tpu.memory_space<vmem>>, vector<16xf32>,
    %get3A_1291 = arith.constant 96 : index
    %get3A_1292 = tpu.vector_load %arg11[%get3A_1291] {strides = array<i32>} : memref<512xf32, #tpu.memory_space<vmem>>, vector<16xf32>,
    %get3A_1293 = vector.shape_cast %get3A_1292 : vector<16xf32> to vector<16xf32>
    %get3A_1294 = arith.constant 96 : index
    %get3A_1295 = tpu.vector_load %arg9[%get3A_1294] {strides = array<i32>} : memref<512xf32, #tpu.memory_space<vmem>>, vector<16xf32>,
    %get3A_1296 = vector.shape_cast %get3A_1295 : vector<16xf32> to vector<16xf32>
    %get3A_1297 = arith.constant 96 : index
    %get3A_1298 = tpu.vector_load %arg10[%get3A_1297] {strides = array<i32>} : memref<512xf32, #tpu.memory_space<vmem>>, vector<16xf32>,
    %get3A_1299 = vector.shape_cast %get3A_1298 : vector<16xf32> to vector<16xf32>
    %sub3A_1300 = arith.subf %get3A_1296, %get3A_1299 : vector<16xf32>
    %mul3A_1301 = arith.mulf %get3A_1293, %sub3A_1300 : vector<16xf32>
    %neg3A_1302 = arith.constant 0.000000e+00 : f32
    %neg3A_1303 = vector.broadcast %neg3A_1302 : f32 to vector<16xf32>
    %neg3A_1304 = arith.subf %neg3A_1303, %mul3A_1301 : vector<16xf32>
    %exp3A_1305 = math.exp %neg3A_1304 : vector<16xf32>
    %add3A_1306 = arith.constant 1.000000e+00 : f32
    %add3A_1307 = vector.broadcast %add3A_1306 : f32 to vector<16xf32>
    %add3A_1308 = arith.addf %add3A_1307, %exp3A_1305 : vector<16xf32>
    %div3A_1309 = arith.constant 1.000000e+00 : f32
    %div3A_1310 = vector.broadcast %div3A_1309 : f32 to vector<16xf32>
    %div3A_1311 = arith.divf %div3A_1310, %add3A_1308 : vector<16xf32>
    %swap3A_1312 = arith.constant 96 : index
    %swap3A_1313 = tpu.vector_load %arg12[%swap3A_1312] {strides = array<i32>} : memref<512xf32, #tpu.memory_space<vmem>>, vector<16xf32>,
    %swap3A_1314 = vector.shape_cast %swap3A_1313 : vector<16xf32> to vector<16xf32>
    %swap3A_1315 = vector.shape_cast %div3A_1311 : vector<16xf32> to vector<16xf32>
    tpu.vector_store %arg12[%swap3A_1312], %swap3A_1315 {strides = array<i32>} : memref<512xf32, #tpu.memory_space<vmem>>, vector<16xf32>,
    %get3A_1316 = arith.constant 112 : index
    %get3A_1317 = tpu.vector_load %arg11[%get3A_1316] {strides = array<i32>} : memref<512xf32, #tpu.memory_space<vmem>>, vector<16xf32>,
    %get3A_1318 = vector.shape_cast %get3A_1317 : vector<16xf32> to vector<16xf32>
    %get3A_1319 = arith.constant 112 : index
    %get3A_1320 = tpu.vector_load %arg9[%get3A_1319] {strides = array<i32>} : memref<512xf32, #tpu.memory_space<vmem>>, vector<16xf32>,
    %get3A_1321 = vector.shape_cast %get3A_1320 : vector<16xf32> to vector<16xf32>
    %get3A_1322 = arith.constant 112 : index
    %get3A_1323 = tpu.vector_load %arg10[%get3A_1322] {strides = array<i32>} : memref<512xf32, #tpu.memory_space<vmem>>, vector<16xf32>,
    %get3A_1324 = vector.shape_cast %get3A_1323 : vector<16xf32> to vector<16xf32>
    %sub3A_1325 = arith.subf %get3A_1321, %get3A_1324 : vector<16xf32>
    %mul3A_1326 = arith.mulf %get3A_1318, %sub3A_1325 : vector<16xf32>
    %neg3A_1327 = arith.constant 0.000000e+00 : f32
    %neg3A_1328 = vector.broadcast %neg3A_1327 : f32 to vector<16xf32>
    %neg3A_1329 = arith.subf %neg3A_1328, %mul3A_1326 : vector<16xf32>
    %exp3A_1330 = math.exp %neg3A_1329 : vector<16xf32>
    %add3A_1331 = arith.constant 1.000000e+00 : f32
    %add3A_1332 = vector.broadcast %add3A_1331 : f32 to vector<16xf32>
    %add3A_1333 = arith.addf %add3A_1332, %exp3A_1330 : vector<16xf32>
    %div3A_1334 = arith.constant 1.000000e+00 : f32
    %div3A_1335 = vector.broadcast %div3A_1334 : f32 to vector<16xf32>
    %div3A_1336 = arith.divf %div3A_1335, %add3A_1333 : vector<16xf32>
    %swap3A_1337 = arith.constant 112 : index
    %swap3A_1338 = tpu.vector_load %arg12[%swap3A_1337] {strides = array<i32>} : memref<512xf32, #tpu.memory_space<vmem>>, vector<16xf32>,
    %swap3A_1339 = vector.shape_cast %swap3A_1338 : vector<16xf32> to vector<16xf32>
    %swap3A_1340 = vector.shape_cast %div3A_1336 : vector<16xf32> to vector<16xf32>
    tpu.vector_store %arg12[%swap3A_1337], %swap3A_1340 {strides = array<i32>} : memref<512xf32, #tpu.memory_space<vmem>>, vector<16xf32>,
    %get3A_1341 = arith.constant 128 : index
    %get3A_1342 = tpu.vector_load %arg11[%get3A_1341] {strides = array<i32>} : memref<512xf32, #tpu.memory_space<vmem>>, vector<16xf32>,
    %get3A_1343 = vector.shape_cast %get3A_1342 : vector<16xf32> to vector<16xf32>
    %get3A_1344 = arith.constant 128 : index
    %get3A_1345 = tpu.vector_load %arg9[%get3A_1344] {strides = array<i32>} : memref<512xf32, #tpu.memory_space<vmem>>, vector<16xf32>,
    %get3A_1346 = vector.shape_cast %get3A_1345 : vector<16xf32> to vector<16xf32>
    %get3A_1347 = arith.constant 128 : index
    %get3A_1348 = tpu.vector_load %arg10[%get3A_1347] {strides = array<i32>} : memref<512xf32, #tpu.memory_space<vmem>>, vector<16xf32>,
    %get3A_1349 = vector.shape_cast %get3A_1348 : vector<16xf32> to vector<16xf32>
    %sub3A_1350 = arith.subf %get3A_1346, %get3A_1349 : vector<16xf32>
    %mul3A_1351 = arith.mulf %get3A_1343, %sub3A_1350 : vector<16xf32>
    %neg3A_1352 = arith.constant 0.000000e+00 : f32
    %neg3A_1353 = vector.broadcast %neg3A_1352 : f32 to vector<16xf32>
    %neg3A_1354 = arith.subf %neg3A_1353, %mul3A_1351 : vector<16xf32>
    %exp3A_1355 = math.exp %neg3A_1354 : vector<16xf32>
    %add3A_1356 = arith.constant 1.000000e+00 : f32
    %add3A_1357 = vector.broadcast %add3A_1356 : f32 to vector<16xf32>
    %add3A_1358 = arith.addf %add3A_1357, %exp3A_1355 : vector<16xf32>
    %div3A_1359 = arith.constant 1.000000e+00 : f32
    %div3A_1360 = vector.broadcast %div3A_1359 : f32 to vector<16xf32>
    %div3A_1361 = arith.divf %div3A_1360, %add3A_1358 : vector<16xf32>
    %swap3A_1362 = arith.constant 128 : index
    %swap3A_1363 = tpu.vector_load %arg12[%swap3A_1362] {strides = array<i32>} : memref<512xf32, #tpu.memory_space<vmem>>, vector<16xf32>,
    %swap3A_1364 = vector.shape_cast %swap3A_1363 : vector<16xf32> to vector<16xf32>
    %swap3A_1365 = vector.shape_cast %div3A_1361 : vector<16xf32> to vector<16xf32>
    tpu.vector_store %arg12[%swap3A_1362], %swap3A_1365 {strides = array<i32>} : memref<512xf32, #tpu.memory_space<vmem>>, vector<16xf32>,
    %get3A_1366 = arith.constant 144 : index
    %get3A_1367 = tpu.vector_load %arg11[%get3A_1366] {strides = array<i32>} : memref<512xf32, #tpu.memory_space<vmem>>, vector<16xf32>,
    %get3A_1368 = vector.shape_cast %get3A_1367 : vector<16xf32> to vector<16xf32>
    %get3A_1369 = arith.constant 144 : index
    %get3A_1370 = tpu.vector_load %arg9[%get3A_1369] {strides = array<i32>} : memref<512xf32, #tpu.memory_space<vmem>>, vector<16xf32>,
    %get3A_1371 = vector.shape_cast %get3A_1370 : vector<16xf32> to vector<16xf32>
    %get3A_1372 = arith.constant 144 : index
    %get3A_1373 = tpu.vector_load %arg10[%get3A_1372] {strides = array<i32>} : memref<512xf32, #tpu.memory_space<vmem>>, vector<16xf32>,
    %get3A_1374 = vector.shape_cast %get3A_1373 : vector<16xf32> to vector<16xf32>
    %sub3A_1375 = arith.subf %get3A_1371, %get3A_1374 : vector<16xf32>
    %mul3A_1376 = arith.mulf %get3A_1368, %sub3A_1375 : vector<16xf32>
    %neg3A_1377 = arith.constant 0.000000e+00 : f32
    %neg3A_1378 = vector.broadcast %neg3A_1377 : f32 to vector<16xf32>
    %neg3A_1379 = arith.subf %neg3A_1378, %mul3A_1376 : vector<16xf32>
    %exp3A_1380 = math.exp %neg3A_1379 : vector<16xf32>
    %add3A_1381 = arith.constant 1.000000e+00 : f32
    %add3A_1382 = vector.broadcast %add3A_1381 : f32 to vector<16xf32>
    %add3A_1383 = arith.addf %add3A_1382, %exp3A_1380 : vector<16xf32>
    %div3A_1384 = arith.constant 1.000000e+00 : f32
    %div3A_1385 = vector.broadcast %div3A_1384 : f32 to vector<16xf32>
    %div3A_1386 = arith.divf %div3A_1385, %add3A_1383 : vector<16xf32>
    %swap3A_1387 = arith.constant 144 : index
    %swap3A_1388 = tpu.vector_load %arg12[%swap3A_1387] {strides = array<i32>} : memref<512xf32, #tpu.memory_space<vmem>>, vector<16xf32>,
    %swap3A_1389 = vector.shape_cast %swap3A_1388 : vector<16xf32> to vector<16xf32>
    %swap3A_1390 = vector.shape_cast %div3A_1386 : vector<16xf32> to vector<16xf32>
    tpu.vector_store %arg12[%swap3A_1387], %swap3A_1390 {strides = array<i32>} : memref<512xf32, #tpu.memory_space<vmem>>, vector<16xf32>,
    %get3A_1391 = arith.constant 160 : index
    %get3A_1392 = tpu.vector_load %arg11[%get3A_1391] {strides = array<i32>} : memref<512xf32, #tpu.memory_space<vmem>>, vector<16xf32>,
    %get3A_1393 = vector.shape_cast %get3A_1392 : vector<16xf32> to vector<16xf32>
    %get3A_1394 = arith.constant 160 : index
    %get3A_1395 = tpu.vector_load %arg9[%get3A_1394] {strides = array<i32>} : memref<512xf32, #tpu.memory_space<vmem>>, vector<16xf32>,
    %get3A_1396 = vector.shape_cast %get3A_1395 : vector<16xf32> to vector<16xf32>
    %get3A_1397 = arith.constant 160 : index
    %get3A_1398 = tpu.vector_load %arg10[%get3A_1397] {strides = array<i32>} : memref<512xf32, #tpu.memory_space<vmem>>, vector<16xf32>,
    %get3A_1399 = vector.shape_cast %get3A_1398 : vector<16xf32> to vector<16xf32>
    %sub3A_1400 = arith.subf %get3A_1396, %get3A_1399 : vector<16xf32>
    %mul3A_1401 = arith.mulf %get3A_1393, %sub3A_1400 : vector<16xf32>
    %neg3A_1402 = arith.constant 0.000000e+00 : f32
    %neg3A_1403 = vector.broadcast %neg3A_1402 : f32 to vector<16xf32>
    %neg3A_1404 = arith.subf %neg3A_1403, %mul3A_1401 : vector<16xf32>
    %exp3A_1405 = math.exp %neg3A_1404 : vector<16xf32>
    %add3A_1406 = arith.constant 1.000000e+00 : f32
    %add3A_1407 = vector.broadcast %add3A_1406 : f32 to vector<16xf32>
    %add3A_1408 = arith.addf %add3A_1407, %exp3A_1405 : vector<16xf32>
    %div3A_1409 = arith.constant 1.000000e+00 : f32
    %div3A_1410 = vector.broadcast %div3A_1409 : f32 to vector<16xf32>
    %div3A_1411 = arith.divf %div3A_1410, %add3A_1408 : vector<16xf32>
    %swap3A_1412 = arith.constant 160 : index
    %swap3A_1413 = tpu.vector_load %arg12[%swap3A_1412] {strides = array<i32>} : memref<512xf32, #tpu.memory_space<vmem>>, vector<16xf32>,
    %swap3A_1414 = vector.shape_cast %swap3A_1413 : vector<16xf32> to vector<16xf32>
    %swap3A_1415 = vector.shape_cast %div3A_1411 : vector<16xf32> to vector<16xf32>
    tpu.vector_store %arg12[%swap3A_1412], %swap3A_1415 {strides = array<i32>} : memref<512xf32, #tpu.memory_space<vmem>>, vector<16xf32>,
    %get3A_1416 = arith.constant 176 : index
    %get3A_1417 = tpu.vector_load %arg11[%get3A_1416] {strides = array<i32>} : memref<512xf32, #tpu.memory_space<vmem>>, vector<16xf32>,
    %get3A_1418 = vector.shape_cast %get3A_1417 : vector<16xf32> to vector<16xf32>
    %get3A_1419 = arith.constant 176 : index
    %get3A_1420 = tpu.vector_load %arg9[%get3A_1419] {strides = array<i32>} : memref<512xf32, #tpu.memory_space<vmem>>, vector<16xf32>,
    %get3A_1421 = vector.shape_cast %get3A_1420 : vector<16xf32> to vector<16xf32>
    %get3A_1422 = arith.constant 176 : index
    %get3A_1423 = tpu.vector_load %arg10[%get3A_1422] {strides = array<i32>} : memref<512xf32, #tpu.memory_space<vmem>>, vector<16xf32>,
    %get3A_1424 = vector.shape_cast %get3A_1423 : vector<16xf32> to vector<16xf32>
    %sub3A_1425 = arith.subf %get3A_1421, %get3A_1424 : vector<16xf32>
    %mul3A_1426 = arith.mulf %get3A_1418, %sub3A_1425 : vector<16xf32>
    %neg3A_1427 = arith.constant 0.000000e+00 : f32
    %neg3A_1428 = vector.broadcast %neg3A_1427 : f32 to vector<16xf32>
    %neg3A_1429 = arith.subf %neg3A_1428, %mul3A_1426 : vector<16xf32>
    %exp3A_1430 = math.exp %neg3A_1429 : vector<16xf32>
    %add3A_1431 = arith.constant 1.000000e+00 : f32
    %add3A_1432 = vector.broadcast %add3A_1431 : f32 to vector<16xf32>
    %add3A_1433 = arith.addf %add3A_1432, %exp3A_1430 : vector<16xf32>
    %div3A_1434 = arith.constant 1.000000e+00 : f32
    %div3A_1435 = vector.broadcast %div3A_1434 : f32 to vector<16xf32>
    %div3A_1436 = arith.divf %div3A_1435, %add3A_1433 : vector<16xf32>
    %swap3A_1437 = arith.constant 176 : index
    %swap3A_1438 = tpu.vector_load %arg12[%swap3A_1437] {strides = array<i32>} : memref<512xf32, #tpu.memory_space<vmem>>, vector<16xf32>,
    %swap3A_1439 = vector.shape_cast %swap3A_1438 : vector<16xf32> to vector<16xf32>
    %swap3A_1440 = vector.shape_cast %div3A_1436 : vector<16xf32> to vector<16xf32>
    tpu.vector_store %arg12[%swap3A_1437], %swap3A_1440 {strides = array<i32>} : memref<512xf32, #tpu.memory_space<vmem>>, vector<16xf32>,
    %get3A_1441 = arith.constant 192 : index
    %get3A_1442 = tpu.vector_load %arg11[%get3A_1441] {strides = array<i32>} : memref<512xf32, #tpu.memory_space<vmem>>, vector<16xf32>,
    %get3A_1443 = vector.shape_cast %get3A_1442 : vector<16xf32> to vector<16xf32>
    %get3A_1444 = arith.constant 192 : index
    %get3A_1445 = tpu.vector_load %arg9[%get3A_1444] {strides = array<i32>} : memref<512xf32, #tpu.memory_space<vmem>>, vector<16xf32>,
    %get3A_1446 = vector.shape_cast %get3A_1445 : vector<16xf32> to vector<16xf32>
    %get3A_1447 = arith.constant 192 : index
    %get3A_1448 = tpu.vector_load %arg10[%get3A_1447] {strides = array<i32>} : memref<512xf32, #tpu.memory_space<vmem>>, vector<16xf32>,
    %get3A_1449 = vector.shape_cast %get3A_1448 : vector<16xf32> to vector<16xf32>
    %sub3A_1450 = arith.subf %get3A_1446, %get3A_1449 : vector<16xf32>
    %mul3A_1451 = arith.mulf %get3A_1443, %sub3A_1450 : vector<16xf32>
    %neg3A_1452 = arith.constant 0.000000e+00 : f32
    %neg3A_1453 = vector.broadcast %neg3A_1452 : f32 to vector<16xf32>
    %neg3A_1454 = arith.subf %neg3A_1453, %mul3A_1451 : vector<16xf32>
    %exp3A_1455 = math.exp %neg3A_1454 : vector<16xf32>
    %add3A_1456 = arith.constant 1.000000e+00 : f32
    %add3A_1457 = vector.broadcast %add3A_1456 : f32 to vector<16xf32>
    %add3A_1458 = arith.addf %add3A_1457, %exp3A_1455 : vector<16xf32>
    %div3A_1459 = arith.constant 1.000000e+00 : f32
    %div3A_1460 = vector.broadcast %div3A_1459 : f32 to vector<16xf32>
    %div3A_1461 = arith.divf %div3A_1460, %add3A_1458 : vector<16xf32>
    %swap3A_1462 = arith.constant 192 : index
    %swap3A_1463 = tpu.vector_load %arg12[%swap3A_1462] {strides = array<i32>} : memref<512xf32, #tpu.memory_space<vmem>>, vector<16xf32>,
    %swap3A_1464 = vector.shape_cast %swap3A_1463 : vector<16xf32> to vector<16xf32>
    %swap3A_1465 = vector.shape_cast %div3A_1461 : vector<16xf32> to vector<16xf32>
    tpu.vector_store %arg12[%swap3A_1462], %swap3A_1465 {strides = array<i32>} : memref<512xf32, #tpu.memory_space<vmem>>, vector<16xf32>,
    %get3A_1466 = arith.constant 208 : index
    %get3A_1467 = tpu.vector_load %arg11[%get3A_1466] {strides = array<i32>} : memref<512xf32, #tpu.memory_space<vmem>>, vector<16xf32>,
    %get3A_1468 = vector.shape_cast %get3A_1467 : vector<16xf32> to vector<16xf32>
    %get3A_1469 = arith.constant 208 : index
    %get3A_1470 = tpu.vector_load %arg9[%get3A_1469] {strides = array<i32>} : memref<512xf32, #tpu.memory_space<vmem>>, vector<16xf32>,
    %get3A_1471 = vector.shape_cast %get3A_1470 : vector<16xf32> to vector<16xf32>
    %get3A_1472 = arith.constant 208 : index
    %get3A_1473 = tpu.vector_load %arg10[%get3A_1472] {strides = array<i32>} : memref<512xf32, #tpu.memory_space<vmem>>, vector<16xf32>,
    %get3A_1474 = vector.shape_cast %get3A_1473 : vector<16xf32> to vector<16xf32>
    %sub3A_1475 = arith.subf %get3A_1471, %get3A_1474 : vector<16xf32>
    %mul3A_1476 = arith.mulf %get3A_1468, %sub3A_1475 : vector<16xf32>
    %neg3A_1477 = arith.constant 0.000000e+00 : f32
    %neg3A_1478 = vector.broadcast %neg3A_1477 : f32 to vector<16xf32>
    %neg3A_1479 = arith.subf %neg3A_1478, %mul3A_1476 : vector<16xf32>
    %exp3A_1480 = math.exp %neg3A_1479 : vector<16xf32>
    %add3A_1481 = arith.constant 1.000000e+00 : f32
    %add3A_1482 = vector.broadcast %add3A_1481 : f32 to vector<16xf32>
    %add3A_1483 = arith.addf %add3A_1482, %exp3A_1480 : vector<16xf32>
    %div3A_1484 = arith.constant 1.000000e+00 : f32
    %div3A_1485 = vector.broadcast %div3A_1484 : f32 to vector<16xf32>
    %div3A_1486 = arith.divf %div3A_1485, %add3A_1483 : vector<16xf32>
    %swap3A_1487 = arith.constant 208 : index
    %swap3A_1488 = tpu.vector_load %arg12[%swap3A_1487] {strides = array<i32>} : memref<512xf32, #tpu.memory_space<vmem>>, vector<16xf32>,
    %swap3A_1489 = vector.shape_cast %swap3A_1488 : vector<16xf32> to vector<16xf32>
    %swap3A_1490 = vector.shape_cast %div3A_1486 : vector<16xf32> to vector<16xf32>
    tpu.vector_store %arg12[%swap3A_1487], %swap3A_1490 {strides = array<i32>} : memref<512xf32, #tpu.memory_space<vmem>>, vector<16xf32>,
    %get3A_1491 = arith.constant 224 : index
    %get3A_1492 = tpu.vector_load %arg11[%get3A_1491] {strides = array<i32>} : memref<512xf32, #tpu.memory_space<vmem>>, vector<16xf32>,
    %get3A_1493 = vector.shape_cast %get3A_1492 : vector<16xf32> to vector<16xf32>
    %get3A_1494 = arith.constant 224 : index
    %get3A_1495 = tpu.vector_load %arg9[%get3A_1494] {strides = array<i32>} : memref<512xf32, #tpu.memory_space<vmem>>, vector<16xf32>,
    %get3A_1496 = vector.shape_cast %get3A_1495 : vector<16xf32> to vector<16xf32>
    %get3A_1497 = arith.constant 224 : index
    %get3A_1498 = tpu.vector_load %arg10[%get3A_1497] {strides = array<i32>} : memref<512xf32, #tpu.memory_space<vmem>>, vector<16xf32>,
    %get3A_1499 = vector.shape_cast %get3A_1498 : vector<16xf32> to vector<16xf32>
    %sub3A_1500 = arith.subf %get3A_1496, %get3A_1499 : vector<16xf32>
    %mul3A_1501 = arith.mulf %get3A_1493, %sub3A_1500 : vector<16xf32>
    %neg3A_1502 = arith.constant 0.000000e+00 : f32
    %neg3A_1503 = vector.broadcast %neg3A_1502 : f32 to vector<16xf32>
    %neg3A_1504 = arith.subf %neg3A_1503, %mul3A_1501 : vector<16xf32>
    %exp3A_1505 = math.exp %neg3A_1504 : vector<16xf32>
    %add3A_1506 = arith.constant 1.000000e+00 : f32
    %add3A_1507 = vector.broadcast %add3A_1506 : f32 to vector<16xf32>
    %add3A_1508 = arith.addf %add3A_1507, %exp3A_1505 : vector<16xf32>
    %div3A_1509 = arith.constant 1.000000e+00 : f32
    %div3A_1510 = vector.broadcast %div3A_1509 : f32 to vector<16xf32>
    %div3A_1511 = arith.divf %div3A_1510, %add3A_1508 : vector<16xf32>
    %swap3A_1512 = arith.constant 224 : index
    %swap3A_1513 = tpu.vector_load %arg12[%swap3A_1512] {strides = array<i32>} : memref<512xf32, #tpu.memory_space<vmem>>, vector<16xf32>,
    %swap3A_1514 = vector.shape_cast %swap3A_1513 : vector<16xf32> to vector<16xf32>
    %swap3A_1515 = vector.shape_cast %div3A_1511 : vector<16xf32> to vector<16xf32>
    tpu.vector_store %arg12[%swap3A_1512], %swap3A_1515 {strides = array<i32>} : memref<512xf32, #tpu.memory_space<vmem>>, vector<16xf32>,
    %get3A_1516 = arith.constant 240 : index
    %get3A_1517 = tpu.vector_load %arg11[%get3A_1516] {strides = array<i32>} : memref<512xf32, #tpu.memory_space<vmem>>, vector<16xf32>,
    %get3A_1518 = vector.shape_cast %get3A_1517 : vector<16xf32> to vector<16xf32>
    %get3A_1519 = arith.constant 240 : index
    %get3A_1520 = tpu.vector_load %arg9[%get3A_1519] {strides = array<i32>} : memref<512xf32, #tpu.memory_space<vmem>>, vector<16xf32>,
    %get3A_1521 = vector.shape_cast %get3A_1520 : vector<16xf32> to vector<16xf32>
    %get3A_1522 = arith.constant 240 : index
    %get3A_1523 = tpu.vector_load %arg10[%get3A_1522] {strides = array<i32>} : memref<512xf32, #tpu.memory_space<vmem>>, vector<16xf32>,
    %get3A_1524 = vector.shape_cast %get3A_1523 : vector<16xf32> to vector<16xf32>
    %sub3A_1525 = arith.subf %get3A_1521, %get3A_1524 : vector<16xf32>
    %mul3A_1526 = arith.mulf %get3A_1518, %sub3A_1525 : vector<16xf32>
    %neg3A_1527 = arith.constant 0.000000e+00 : f32
    %neg3A_1528 = vector.broadcast %neg3A_1527 : f32 to vector<16xf32>
    %neg3A_1529 = arith.subf %neg3A_1528, %mul3A_1526 : vector<16xf32>
    %exp3A_1530 = math.exp %neg3A_1529 : vector<16xf32>
    %add3A_1531 = arith.constant 1.000000e+00 : f32
    %add3A_1532 = vector.broadcast %add3A_1531 : f32 to vector<16xf32>
    %add3A_1533 = arith.addf %add3A_1532, %exp3A_1530 : vector<16xf32>
    %div3A_1534 = arith.constant 1.000000e+00 : f32
    %div3A_1535 = vector.broadcast %div3A_1534 : f32 to vector<16xf32>
    %div3A_1536 = arith.divf %div3A_1535, %add3A_1533 : vector<16xf32>
    %swap3A_1537 = arith.constant 240 : index
    %swap3A_1538 = tpu.vector_load %arg12[%swap3A_1537] {strides = array<i32>} : memref<512xf32, #tpu.memory_space<vmem>>, vector<16xf32>,
    %swap3A_1539 = vector.shape_cast %swap3A_1538 : vector<16xf32> to vector<16xf32>
    %swap3A_1540 = vector.shape_cast %div3A_1536 : vector<16xf32> to vector<16xf32>
    tpu.vector_store %arg12[%swap3A_1537], %swap3A_1540 {strides = array<i32>} : memref<512xf32, #tpu.memory_space<vmem>>, vector<16xf32>,
    %get3A_1541 = arith.constant 256 : index
    %get3A_1542 = tpu.vector_load %arg11[%get3A_1541] {strides = array<i32>} : memref<512xf32, #tpu.memory_space<vmem>>, vector<16xf32>,
    %get3A_1543 = vector.shape_cast %get3A_1542 : vector<16xf32> to vector<16xf32>
    %get3A_1544 = arith.constant 256 : index
    %get3A_1545 = tpu.vector_load %arg9[%get3A_1544] {strides = array<i32>} : memref<512xf32, #tpu.memory_space<vmem>>, vector<16xf32>,
    %get3A_1546 = vector.shape_cast %get3A_1545 : vector<16xf32> to vector<16xf32>
    %get3A_1547 = arith.constant 256 : index
    %get3A_1548 = tpu.vector_load %arg10[%get3A_1547] {strides = array<i32>} : memref<512xf32, #tpu.memory_space<vmem>>, vector<16xf32>,
    %get3A_1549 = vector.shape_cast %get3A_1548 : vector<16xf32> to vector<16xf32>
    %sub3A_1550 = arith.subf %get3A_1546, %get3A_1549 : vector<16xf32>
    %mul3A_1551 = arith.mulf %get3A_1543, %sub3A_1550 : vector<16xf32>
    %neg3A_1552 = arith.constant 0.000000e+00 : f32
    %neg3A_1553 = vector.broadcast %neg3A_1552 : f32 to vector<16xf32>
    %neg3A_1554 = arith.subf %neg3A_1553, %mul3A_1551 : vector<16xf32>
    %exp3A_1555 = math.exp %neg3A_1554 : vector<16xf32>
    %add3A_1556 = arith.constant 1.000000e+00 : f32
    %add3A_1557 = vector.broadcast %add3A_1556 : f32 to vector<16xf32>
    %add3A_1558 = arith.addf %add3A_1557, %exp3A_1555 : vector<16xf32>
    %div3A_1559 = arith.constant 1.000000e+00 : f32
    %div3A_1560 = vector.broadcast %div3A_1559 : f32 to vector<16xf32>
    %div3A_1561 = arith.divf %div3A_1560, %add3A_1558 : vector<16xf32>
    %swap3A_1562 = arith.constant 256 : index
    %swap3A_1563 = tpu.vector_load %arg12[%swap3A_1562] {strides = array<i32>} : memref<512xf32, #tpu.memory_space<vmem>>, vector<16xf32>,
    %swap3A_1564 = vector.shape_cast %swap3A_1563 : vector<16xf32> to vector<16xf32>
    %swap3A_1565 = vector.shape_cast %div3A_1561 : vector<16xf32> to vector<16xf32>
    tpu.vector_store %arg12[%swap3A_1562], %swap3A_1565 {strides = array<i32>} : memref<512xf32, #tpu.memory_space<vmem>>, vector<16xf32>,
    %get3A_1566 = arith.constant 272 : index
    %get3A_1567 = tpu.vector_load %arg11[%get3A_1566] {strides = array<i32>} : memref<512xf32, #tpu.memory_space<vmem>>, vector<16xf32>,
    %get3A_1568 = vector.shape_cast %get3A_1567 : vector<16xf32> to vector<16xf32>
    %get3A_1569 = arith.constant 272 : index
    %get3A_1570 = tpu.vector_load %arg9[%get3A_1569] {strides = array<i32>} : memref<512xf32, #tpu.memory_space<vmem>>, vector<16xf32>,
    %get3A_1571 = vector.shape_cast %get3A_1570 : vector<16xf32> to vector<16xf32>
    %get3A_1572 = arith.constant 272 : index
    %get3A_1573 = tpu.vector_load %arg10[%get3A_1572] {strides = array<i32>} : memref<512xf32, #tpu.memory_space<vmem>>, vector<16xf32>,
    %get3A_1574 = vector.shape_cast %get3A_1573 : vector<16xf32> to vector<16xf32>
    %sub3A_1575 = arith.subf %get3A_1571, %get3A_1574 : vector<16xf32>
    %mul3A_1576 = arith.mulf %get3A_1568, %sub3A_1575 : vector<16xf32>
    %neg3A_1577 = arith.constant 0.000000e+00 : f32
    %neg3A_1578 = vector.broadcast %neg3A_1577 : f32 to vector<16xf32>
    %neg3A_1579 = arith.subf %neg3A_1578, %mul3A_1576 : vector<16xf32>
    %exp3A_1580 = math.exp %neg3A_1579 : vector<16xf32>
    %add3A_1581 = arith.constant 1.000000e+00 : f32
    %add3A_1582 = vector.broadcast %add3A_1581 : f32 to vector<16xf32>
    %add3A_1583 = arith.addf %add3A_1582, %exp3A_1580 : vector<16xf32>
    %div3A_1584 = arith.constant 1.000000e+00 : f32
    %div3A_1585 = vector.broadcast %div3A_1584 : f32 to vector<16xf32>
    %div3A_1586 = arith.divf %div3A_1585, %add3A_1583 : vector<16xf32>
    %swap3A_1587 = arith.constant 272 : index
    %swap3A_1588 = tpu.vector_load %arg12[%swap3A_1587] {strides = array<i32>} : memref<512xf32, #tpu.memory_space<vmem>>, vector<16xf32>,
    %swap3A_1589 = vector.shape_cast %swap3A_1588 : vector<16xf32> to vector<16xf32>
    %swap3A_1590 = vector.shape_cast %div3A_1586 : vector<16xf32> to vector<16xf32>
    tpu.vector_store %arg12[%swap3A_1587], %swap3A_1590 {strides = array<i32>} : memref<512xf32, #tpu.memory_space<vmem>>, vector<16xf32>,
    %get3A_1591 = arith.constant 288 : index
    %get3A_1592 = tpu.vector_load %arg11[%get3A_1591] {strides = array<i32>} : memref<512xf32, #tpu.memory_space<vmem>>, vector<16xf32>,
    %get3A_1593 = vector.shape_cast %get3A_1592 : vector<16xf32> to vector<16xf32>
    %get3A_1594 = arith.constant 288 : index
    %get3A_1595 = tpu.vector_load %arg9[%get3A_1594] {strides = array<i32>} : memref<512xf32, #tpu.memory_space<vmem>>, vector<16xf32>,
    %get3A_1596 = vector.shape_cast %get3A_1595 : vector<16xf32> to vector<16xf32>
    %get3A_1597 = arith.constant 288 : index
    %get3A_1598 = tpu.vector_load %arg10[%get3A_1597] {strides = array<i32>} : memref<512xf32, #tpu.memory_space<vmem>>, vector<16xf32>,
    %get3A_1599 = vector.shape_cast %get3A_1598 : vector<16xf32> to vector<16xf32>
    %sub3A_1600 = arith.subf %get3A_1596, %get3A_1599 : vector<16xf32>
    %mul3A_1601 = arith.mulf %get3A_1593, %sub3A_1600 : vector<16xf32>
    %neg3A_1602 = arith.constant 0.000000e+00 : f32
    %neg3A_1603 = vector.broadcast %neg3A_1602 : f32 to vector<16xf32>
    %neg3A_1604 = arith.subf %neg3A_1603, %mul3A_1601 : vector<16xf32>
    %exp3A_1605 = math.exp %neg3A_1604 : vector<16xf32>
    %add3A_1606 = arith.constant 1.000000e+00 : f32
    %add3A_1607 = vector.broadcast %add3A_1606 : f32 to vector<16xf32>
    %add3A_1608 = arith.addf %add3A_1607, %exp3A_1605 : vector<16xf32>
    %div3A_1609 = arith.constant 1.000000e+00 : f32
    %div3A_1610 = vector.broadcast %div3A_1609 : f32 to vector<16xf32>
    %div3A_1611 = arith.divf %div3A_1610, %add3A_1608 : vector<16xf32>
    %swap3A_1612 = arith.constant 288 : index
    %swap3A_1613 = tpu.vector_load %arg12[%swap3A_1612] {strides = array<i32>} : memref<512xf32, #tpu.memory_space<vmem>>, vector<16xf32>,
    %swap3A_1614 = vector.shape_cast %swap3A_1613 : vector<16xf32> to vector<16xf32>
    %swap3A_1615 = vector.shape_cast %div3A_1611 : vector<16xf32> to vector<16xf32>
    tpu.vector_store %arg12[%swap3A_1612], %swap3A_1615 {strides = array<i32>} : memref<512xf32, #tpu.memory_space<vmem>>, vector<16xf32>,
    %get3A_1616 = arith.constant 304 : index
    %get3A_1617 = tpu.vector_load %arg11[%get3A_1616] {strides = array<i32>} : memref<512xf32, #tpu.memory_space<vmem>>, vector<16xf32>,
    %get3A_1618 = vector.shape_cast %get3A_1617 : vector<16xf32> to vector<16xf32>
    %get3A_1619 = arith.constant 304 : index
    %get3A_1620 = tpu.vector_load %arg9[%get3A_1619] {strides = array<i32>} : memref<512xf32, #tpu.memory_space<vmem>>, vector<16xf32>,
    %get3A_1621 = vector.shape_cast %get3A_1620 : vector<16xf32> to vector<16xf32>
    %get3A_1622 = arith.constant 304 : index
    %get3A_1623 = tpu.vector_load %arg10[%get3A_1622] {strides = array<i32>} : memref<512xf32, #tpu.memory_space<vmem>>, vector<16xf32>,
    %get3A_1624 = vector.shape_cast %get3A_1623 : vector<16xf32> to vector<16xf32>
    %sub3A_1625 = arith.subf %get3A_1621, %get3A_1624 : vector<16xf32>
    %mul3A_1626 = arith.mulf %get3A_1618, %sub3A_1625 : vector<16xf32>
    %neg3A_1627 = arith.constant 0.000000e+00 : f32
    %neg3A_1628 = vector.broadcast %neg3A_1627 : f32 to vector<16xf32>
    %neg3A_1629 = arith.subf %neg3A_1628, %mul3A_1626 : vector<16xf32>
    %exp3A_1630 = math.exp %neg3A_1629 : vector<16xf32>
    %add3A_1631 = arith.constant 1.000000e+00 : f32
    %add3A_1632 = vector.broadcast %add3A_1631 : f32 to vector<16xf32>
    %add3A_1633 = arith.addf %add3A_1632, %exp3A_1630 : vector<16xf32>
    %div3A_1634 = arith.constant 1.000000e+00 : f32
    %div3A_1635 = vector.broadcast %div3A_1634 : f32 to vector<16xf32>
    %div3A_1636 = arith.divf %div3A_1635, %add3A_1633 : vector<16xf32>
    %swap3A_1637 = arith.constant 304 : index
    %swap3A_1638 = tpu.vector_load %arg12[%swap3A_1637] {strides = array<i32>} : memref<512xf32, #tpu.memory_space<vmem>>, vector<16xf32>,
    %swap3A_1639 = vector.shape_cast %swap3A_1638 : vector<16xf32> to vector<16xf32>
    %swap3A_1640 = vector.shape_cast %div3A_1636 : vector<16xf32> to vector<16xf32>
    tpu.vector_store %arg12[%swap3A_1637], %swap3A_1640 {strides = array<i32>} : memref<512xf32, #tpu.memory_space<vmem>>, vector<16xf32>,
    %get3A_1641 = arith.constant 320 : index
    %get3A_1642 = tpu.vector_load %arg11[%get3A_1641] {strides = array<i32>} : memref<512xf32, #tpu.memory_space<vmem>>, vector<16xf32>,
    %get3A_1643 = vector.shape_cast %get3A_1642 : vector<16xf32> to vector<16xf32>
    %get3A_1644 = arith.constant 320 : index
    %get3A_1645 = tpu.vector_load %arg9[%get3A_1644] {strides = array<i32>} : memref<512xf32, #tpu.memory_space<vmem>>, vector<16xf32>,
    %get3A_1646 = vector.shape_cast %get3A_1645 : vector<16xf32> to vector<16xf32>
    %get3A_1647 = arith.constant 320 : index
    %get3A_1648 = tpu.vector_load %arg10[%get3A_1647] {strides = array<i32>} : memref<512xf32, #tpu.memory_space<vmem>>, vector<16xf32>,
    %get3A_1649 = vector.shape_cast %get3A_1648 : vector<16xf32> to vector<16xf32>
    %sub3A_1650 = arith.subf %get3A_1646, %get3A_1649 : vector<16xf32>
    %mul3A_1651 = arith.mulf %get3A_1643, %sub3A_1650 : vector<16xf32>
    %neg3A_1652 = arith.constant 0.000000e+00 : f32
    %neg3A_1653 = vector.broadcast %neg3A_1652 : f32 to vector<16xf32>
    %neg3A_1654 = arith.subf %neg3A_1653, %mul3A_1651 : vector<16xf32>
    %exp3A_1655 = math.exp %neg3A_1654 : vector<16xf32>
    %add3A_1656 = arith.constant 1.000000e+00 : f32
    %add3A_1657 = vector.broadcast %add3A_1656 : f32 to vector<16xf32>
    %add3A_1658 = arith.addf %add3A_1657, %exp3A_1655 : vector<16xf32>
    %div3A_1659 = arith.constant 1.000000e+00 : f32
    %div3A_1660 = vector.broadcast %div3A_1659 : f32 to vector<16xf32>
    %div3A_1661 = arith.divf %div3A_1660, %add3A_1658 : vector<16xf32>
    %swap3A_1662 = arith.constant 320 : index
    %swap3A_1663 = tpu.vector_load %arg12[%swap3A_1662] {strides = array<i32>} : memref<512xf32, #tpu.memory_space<vmem>>, vector<16xf32>,
    %swap3A_1664 = vector.shape_cast %swap3A_1663 : vector<16xf32> to vector<16xf32>
    %swap3A_1665 = vector.shape_cast %div3A_1661 : vector<16xf32> to vector<16xf32>
    tpu.vector_store %arg12[%swap3A_1662], %swap3A_1665 {strides = array<i32>} : memref<512xf32, #tpu.memory_space<vmem>>, vector<16xf32>,
    %get3A_1666 = arith.constant 336 : index
    %get3A_1667 = tpu.vector_load %arg11[%get3A_1666] {strides = array<i32>} : memref<512xf32, #tpu.memory_space<vmem>>, vector<16xf32>,
    %get3A_1668 = vector.shape_cast %get3A_1667 : vector<16xf32> to vector<16xf32>
    %get3A_1669 = arith.constant 336 : index
    %get3A_1670 = tpu.vector_load %arg9[%get3A_1669] {strides = array<i32>} : memref<512xf32, #tpu.memory_space<vmem>>, vector<16xf32>,
    %get3A_1671 = vector.shape_cast %get3A_1670 : vector<16xf32> to vector<16xf32>
    %get3A_1672 = arith.constant 336 : index
    %get3A_1673 = tpu.vector_load %arg10[%get3A_1672] {strides = array<i32>} : memref<512xf32, #tpu.memory_space<vmem>>, vector<16xf32>,
    %get3A_1674 = vector.shape_cast %get3A_1673 : vector<16xf32> to vector<16xf32>
    %sub3A_1675 = arith.subf %get3A_1671, %get3A_1674 : vector<16xf32>
    %mul3A_1676 = arith.mulf %get3A_1668, %sub3A_1675 : vector<16xf32>
    %neg3A_1677 = arith.constant 0.000000e+00 : f32
    %neg3A_1678 = vector.broadcast %neg3A_1677 : f32 to vector<16xf32>
    %neg3A_1679 = arith.subf %neg3A_1678, %mul3A_1676 : vector<16xf32>
    %exp3A_1680 = math.exp %neg3A_1679 : vector<16xf32>
    %add3A_1681 = arith.constant 1.000000e+00 : f32
    %add3A_1682 = vector.broadcast %add3A_1681 : f32 to vector<16xf32>
    %add3A_1683 = arith.addf %add3A_1682, %exp3A_1680 : vector<16xf32>
    %div3A_1684 = arith.constant 1.000000e+00 : f32
    %div3A_1685 = vector.broadcast %div3A_1684 : f32 to vector<16xf32>
    %div3A_1686 = arith.divf %div3A_1685, %add3A_1683 : vector<16xf32>
    %swap3A_1687 = arith.constant 336 : index
    %swap3A_1688 = tpu.vector_load %arg12[%swap3A_1687] {strides = array<i32>} : memref<512xf32, #tpu.memory_space<vmem>>, vector<16xf32>,
    %swap3A_1689 = vector.shape_cast %swap3A_1688 : vector<16xf32> to vector<16xf32>
    %swap3A_1690 = vector.shape_cast %div3A_1686 : vector<16xf32> to vector<16xf32>
    tpu.vector_store %arg12[%swap3A_1687], %swap3A_1690 {strides = array<i32>} : memref<512xf32, #tpu.memory_space<vmem>>, vector<16xf32>,
    %get3A_1691 = arith.constant 352 : index
    %get3A_1692 = tpu.vector_load %arg11[%get3A_1691] {strides = array<i32>} : memref<512xf32, #tpu.memory_space<vmem>>, vector<16xf32>,
    %get3A_1693 = vector.shape_cast %get3A_1692 : vector<16xf32> to vector<16xf32>
    %get3A_1694 = arith.constant 352 : index
    %get3A_1695 = tpu.vector_load %arg9[%get3A_1694] {strides = array<i32>} : memref<512xf32, #tpu.memory_space<vmem>>, vector<16xf32>,
    %get3A_1696 = vector.shape_cast %get3A_1695 : vector<16xf32> to vector<16xf32>
    %get3A_1697 = arith.constant 352 : index
    %get3A_1698 = tpu.vector_load %arg10[%get3A_1697] {strides = array<i32>} : memref<512xf32, #tpu.memory_space<vmem>>, vector<16xf32>,
    %get3A_1699 = vector.shape_cast %get3A_1698 : vector<16xf32> to vector<16xf32>
    %sub3A_1700 = arith.subf %get3A_1696, %get3A_1699 : vector<16xf32>
    %mul3A_1701 = arith.mulf %get3A_1693, %sub3A_1700 : vector<16xf32>
    %neg3A_1702 = arith.constant 0.000000e+00 : f32
    %neg3A_1703 = vector.broadcast %neg3A_1702 : f32 to vector<16xf32>
    %neg3A_1704 = arith.subf %neg3A_1703, %mul3A_1701 : vector<16xf32>
    %exp3A_1705 = math.exp %neg3A_1704 : vector<16xf32>
    %add3A_1706 = arith.constant 1.000000e+00 : f32
    %add3A_1707 = vector.broadcast %add3A_1706 : f32 to vector<16xf32>
    %add3A_1708 = arith.addf %add3A_1707, %exp3A_1705 : vector<16xf32>
    %div3A_1709 = arith.constant 1.000000e+00 : f32
    %div3A_1710 = vector.broadcast %div3A_1709 : f32 to vector<16xf32>
    %div3A_1711 = arith.divf %div3A_1710, %add3A_1708 : vector<16xf32>
    %swap3A_1712 = arith.constant 352 : index
    %swap3A_1713 = tpu.vector_load %arg12[%swap3A_1712] {strides = array<i32>} : memref<512xf32, #tpu.memory_space<vmem>>, vector<16xf32>,
    %swap3A_1714 = vector.shape_cast %swap3A_1713 : vector<16xf32> to vector<16xf32>
    %swap3A_1715 = vector.shape_cast %div3A_1711 : vector<16xf32> to vector<16xf32>
    tpu.vector_store %arg12[%swap3A_1712], %swap3A_1715 {strides = array<i32>} : memref<512xf32, #tpu.memory_space<vmem>>, vector<16xf32>,
    %get3A_1716 = arith.constant 368 : index
    %get3A_1717 = tpu.vector_load %arg11[%get3A_1716] {strides = array<i32>} : memref<512xf32, #tpu.memory_space<vmem>>, vector<16xf32>,
    %get3A_1718 = vector.shape_cast %get3A_1717 : vector<16xf32> to vector<16xf32>
    %get3A_1719 = arith.constant 368 : index
    %get3A_1720 = tpu.vector_load %arg9[%get3A_1719] {strides = array<i32>} : memref<512xf32, #tpu.memory_space<vmem>>, vector<16xf32>,
    %get3A_1721 = vector.shape_cast %get3A_1720 : vector<16xf32> to vector<16xf32>
    %get3A_1722 = arith.constant 368 : index
    %get3A_1723 = tpu.vector_load %arg10[%get3A_1722] {strides = array<i32>} : memref<512xf32, #tpu.memory_space<vmem>>, vector<16xf32>,
    %get3A_1724 = vector.shape_cast %get3A_1723 : vector<16xf32> to vector<16xf32>
    %sub3A_1725 = arith.subf %get3A_1721, %get3A_1724 : vector<16xf32>
    %mul3A_1726 = arith.mulf %get3A_1718, %sub3A_1725 : vector<16xf32>
    %neg3A_1727 = arith.constant 0.000000e+00 : f32
    %neg3A_1728 = vector.broadcast %neg3A_1727 : f32 to vector<16xf32>
    %neg3A_1729 = arith.subf %neg3A_1728, %mul3A_1726 : vector<16xf32>
    %exp3A_1730 = math.exp %neg3A_1729 : vector<16xf32>
    %add3A_1731 = arith.constant 1.000000e+00 : f32
    %add3A_1732 = vector.broadcast %add3A_1731 : f32 to vector<16xf32>
    %add3A_1733 = arith.addf %add3A_1732, %exp3A_1730 : vector<16xf32>
    %div3A_1734 = arith.constant 1.000000e+00 : f32
    %div3A_1735 = vector.broadcast %div3A_1734 : f32 to vector<16xf32>
    %div3A_1736 = arith.divf %div3A_1735, %add3A_1733 : vector<16xf32>
    %swap3A_1737 = arith.constant 368 : index
    %swap3A_1738 = tpu.vector_load %arg12[%swap3A_1737] {strides = array<i32>} : memref<512xf32, #tpu.memory_space<vmem>>, vector<16xf32>,
    %swap3A_1739 = vector.shape_cast %swap3A_1738 : vector<16xf32> to vector<16xf32>
    %swap3A_1740 = vector.shape_cast %div3A_1736 : vector<16xf32> to vector<16xf32>
    tpu.vector_store %arg12[%swap3A_1737], %swap3A_1740 {strides = array<i32>} : memref<512xf32, #tpu.memory_space<vmem>>, vector<16xf32>,
    %get3A_1741 = arith.constant 384 : index
    %get3A_1742 = tpu.vector_load %arg11[%get3A_1741] {strides = array<i32>} : memref<512xf32, #tpu.memory_space<vmem>>, vector<16xf32>,
    %get3A_1743 = vector.shape_cast %get3A_1742 : vector<16xf32> to vector<16xf32>
    %get3A_1744 = arith.constant 384 : index
    %get3A_1745 = tpu.vector_load %arg9[%get3A_1744] {strides = array<i32>} : memref<512xf32, #tpu.memory_space<vmem>>, vector<16xf32>,
    %get3A_1746 = vector.shape_cast %get3A_1745 : vector<16xf32> to vector<16xf32>
    %get3A_1747 = arith.constant 384 : index
    %get3A_1748 = tpu.vector_load %arg10[%get3A_1747] {strides = array<i32>} : memref<512xf32, #tpu.memory_space<vmem>>, vector<16xf32>,
    %get3A_1749 = vector.shape_cast %get3A_1748 : vector<16xf32> to vector<16xf32>
    %sub3A_1750 = arith.subf %get3A_1746, %get3A_1749 : vector<16xf32>
    %mul3A_1751 = arith.mulf %get3A_1743, %sub3A_1750 : vector<16xf32>
    %neg3A_1752 = arith.constant 0.000000e+00 : f32
    %neg3A_1753 = vector.broadcast %neg3A_1752 : f32 to vector<16xf32>
    %neg3A_1754 = arith.subf %neg3A_1753, %mul3A_1751 : vector<16xf32>
    %exp3A_1755 = math.exp %neg3A_1754 : vector<16xf32>
    %add3A_1756 = arith.constant 1.000000e+00 : f32
    %add3A_1757 = vector.broadcast %add3A_1756 : f32 to vector<16xf32>
    %add3A_1758 = arith.addf %add3A_1757, %exp3A_1755 : vector<16xf32>
    %div3A_1759 = arith.constant 1.000000e+00 : f32
    %div3A_1760 = vector.broadcast %div3A_1759 : f32 to vector<16xf32>
    %div3A_1761 = arith.divf %div3A_1760, %add3A_1758 : vector<16xf32>
    %swap3A_1762 = arith.constant 384 : index
    %swap3A_1763 = tpu.vector_load %arg12[%swap3A_1762] {strides = array<i32>} : memref<512xf32, #tpu.memory_space<vmem>>, vector<16xf32>,
    %swap3A_1764 = vector.shape_cast %swap3A_1763 : vector<16xf32> to vector<16xf32>
    %swap3A_1765 = vector.shape_cast %div3A_1761 : vector<16xf32> to vector<16xf32>
    tpu.vector_store %arg12[%swap3A_1762], %swap3A_1765 {strides = array<i32>} : memref<512xf32, #tpu.memory_space<vmem>>, vector<16xf32>,
    %get3A_1766 = arith.constant 400 : index
    %get3A_1767 = tpu.vector_load %arg11[%get3A_1766] {strides = array<i32>} : memref<512xf32, #tpu.memory_space<vmem>>, vector<16xf32>,
    %get3A_1768 = vector.shape_cast %get3A_1767 : vector<16xf32> to vector<16xf32>
    %get3A_1769 = arith.constant 400 : index
    %get3A_1770 = tpu.vector_load %arg9[%get3A_1769] {strides = array<i32>} : memref<512xf32, #tpu.memory_space<vmem>>, vector<16xf32>,
    %get3A_1771 = vector.shape_cast %get3A_1770 : vector<16xf32> to vector<16xf32>
    %get3A_1772 = arith.constant 400 : index
    %get3A_1773 = tpu.vector_load %arg10[%get3A_1772] {strides = array<i32>} : memref<512xf32, #tpu.memory_space<vmem>>, vector<16xf32>,
    %get3A_1774 = vector.shape_cast %get3A_1773 : vector<16xf32> to vector<16xf32>
    %sub3A_1775 = arith.subf %get3A_1771, %get3A_1774 : vector<16xf32>
    %mul3A_1776 = arith.mulf %get3A_1768, %sub3A_1775 : vector<16xf32>
    %neg3A_1777 = arith.constant 0.000000e+00 : f32
    %neg3A_1778 = vector.broadcast %neg3A_1777 : f32 to vector<16xf32>
    %neg3A_1779 = arith.subf %neg3A_1778, %mul3A_1776 : vector<16xf32>
    %exp3A_1780 = math.exp %neg3A_1779 : vector<16xf32>
    %add3A_1781 = arith.constant 1.000000e+00 : f32
    %add3A_1782 = vector.broadcast %add3A_1781 : f32 to vector<16xf32>
    %add3A_1783 = arith.addf %add3A_1782, %exp3A_1780 : vector<16xf32>
    %div3A_1784 = arith.constant 1.000000e+00 : f32
    %div3A_1785 = vector.broadcast %div3A_1784 : f32 to vector<16xf32>
    %div3A_1786 = arith.divf %div3A_1785, %add3A_1783 : vector<16xf32>
    %swap3A_1787 = arith.constant 400 : index
    %swap3A_1788 = tpu.vector_load %arg12[%swap3A_1787] {strides = array<i32>} : memref<512xf32, #tpu.memory_space<vmem>>, vector<16xf32>,
    %swap3A_1789 = vector.shape_cast %swap3A_1788 : vector<16xf32> to vector<16xf32>
    %swap3A_1790 = vector.shape_cast %div3A_1786 : vector<16xf32> to vector<16xf32>
    tpu.vector_store %arg12[%swap3A_1787], %swap3A_1790 {strides = array<i32>} : memref<512xf32, #tpu.memory_space<vmem>>, vector<16xf32>,
    %get3A_1791 = arith.constant 416 : index
    %get3A_1792 = tpu.vector_load %arg11[%get3A_1791] {strides = array<i32>} : memref<512xf32, #tpu.memory_space<vmem>>, vector<16xf32>,
    %get3A_1793 = vector.shape_cast %get3A_1792 : vector<16xf32> to vector<16xf32>
    %get3A_1794 = arith.constant 416 : index
    %get3A_1795 = tpu.vector_load %arg9[%get3A_1794] {strides = array<i32>} : memref<512xf32, #tpu.memory_space<vmem>>, vector<16xf32>,
    %get3A_1796 = vector.shape_cast %get3A_1795 : vector<16xf32> to vector<16xf32>
    %get3A_1797 = arith.constant 416 : index
    %get3A_1798 = tpu.vector_load %arg10[%get3A_1797] {strides = array<i32>} : memref<512xf32, #tpu.memory_space<vmem>>, vector<16xf32>,
    %get3A_1799 = vector.shape_cast %get3A_1798 : vector<16xf32> to vector<16xf32>
    %sub3A_1800 = arith.subf %get3A_1796, %get3A_1799 : vector<16xf32>
    %mul3A_1801 = arith.mulf %get3A_1793, %sub3A_1800 : vector<16xf32>
    %neg3A_1802 = arith.constant 0.000000e+00 : f32
    %neg3A_1803 = vector.broadcast %neg3A_1802 : f32 to vector<16xf32>
    %neg3A_1804 = arith.subf %neg3A_1803, %mul3A_1801 : vector<16xf32>
    %exp3A_1805 = math.exp %neg3A_1804 : vector<16xf32>
    %add3A_1806 = arith.constant 1.000000e+00 : f32
    %add3A_1807 = vector.broadcast %add3A_1806 : f32 to vector<16xf32>
    %add3A_1808 = arith.addf %add3A_1807, %exp3A_1805 : vector<16xf32>
    %div3A_1809 = arith.constant 1.000000e+00 : f32
    %div3A_1810 = vector.broadcast %div3A_1809 : f32 to vector<16xf32>
    %div3A_1811 = arith.divf %div3A_1810, %add3A_1808 : vector<16xf32>
    %swap3A_1812 = arith.constant 416 : index
    %swap3A_1813 = tpu.vector_load %arg12[%swap3A_1812] {strides = array<i32>} : memref<512xf32, #tpu.memory_space<vmem>>, vector<16xf32>,
    %swap3A_1814 = vector.shape_cast %swap3A_1813 : vector<16xf32> to vector<16xf32>
    %swap3A_1815 = vector.shape_cast %div3A_1811 : vector<16xf32> to vector<16xf32>
    tpu.vector_store %arg12[%swap3A_1812], %swap3A_1815 {strides = array<i32>} : memref<512xf32, #tpu.memory_space<vmem>>, vector<16xf32>,
    %get3A_1816 = arith.constant 432 : index
    %get3A_1817 = tpu.vector_load %arg11[%get3A_1816] {strides = array<i32>} : memref<512xf32, #tpu.memory_space<vmem>>, vector<16xf32>,
    %get3A_1818 = vector.shape_cast %get3A_1817 : vector<16xf32> to vector<16xf32>
    %get3A_1819 = arith.constant 432 : index
    %get3A_1820 = tpu.vector_load %arg9[%get3A_1819] {strides = array<i32>} : memref<512xf32, #tpu.memory_space<vmem>>, vector<16xf32>,
    %get3A_1821 = vector.shape_cast %get3A_1820 : vector<16xf32> to vector<16xf32>
    %get3A_1822 = arith.constant 432 : index
    %get3A_1823 = tpu.vector_load %arg10[%get3A_1822] {strides = array<i32>} : memref<512xf32, #tpu.memory_space<vmem>>, vector<16xf32>,
    %get3A_1824 = vector.shape_cast %get3A_1823 : vector<16xf32> to vector<16xf32>
    %sub3A_1825 = arith.subf %get3A_1821, %get3A_1824 : vector<16xf32>
    %mul3A_1826 = arith.mulf %get3A_1818, %sub3A_1825 : vector<16xf32>
    %neg3A_1827 = arith.constant 0.000000e+00 : f32
    %neg3A_1828 = vector.broadcast %neg3A_1827 : f32 to vector<16xf32>
    %neg3A_1829 = arith.subf %neg3A_1828, %mul3A_1826 : vector<16xf32>
    %exp3A_1830 = math.exp %neg3A_1829 : vector<16xf32>
    %add3A_1831 = arith.constant 1.000000e+00 : f32
    %add3A_1832 = vector.broadcast %add3A_1831 : f32 to vector<16xf32>
    %add3A_1833 = arith.addf %add3A_1832, %exp3A_1830 : vector<16xf32>
    %div3A_1834 = arith.constant 1.000000e+00 : f32
    %div3A_1835 = vector.broadcast %div3A_1834 : f32 to vector<16xf32>
    %div3A_1836 = arith.divf %div3A_1835, %add3A_1833 : vector<16xf32>
    %swap3A_1837 = arith.constant 432 : index
    %swap3A_1838 = tpu.vector_load %arg12[%swap3A_1837] {strides = array<i32>} : memref<512xf32, #tpu.memory_space<vmem>>, vector<16xf32>,
    %swap3A_1839 = vector.shape_cast %swap3A_1838 : vector<16xf32> to vector<16xf32>
    %swap3A_1840 = vector.shape_cast %div3A_1836 : vector<16xf32> to vector<16xf32>
    tpu.vector_store %arg12[%swap3A_1837], %swap3A_1840 {strides = array<i32>} : memref<512xf32, #tpu.memory_space<vmem>>, vector<16xf32>,
    %get3A_1841 = arith.constant 448 : index
    %get3A_1842 = tpu.vector_load %arg11[%get3A_1841] {strides = array<i32>} : memref<512xf32, #tpu.memory_space<vmem>>, vector<16xf32>,
    %get3A_1843 = vector.shape_cast %get3A_1842 : vector<16xf32> to vector<16xf32>
    %get3A_1844 = arith.constant 448 : index
    %get3A_1845 = tpu.vector_load %arg9[%get3A_1844] {strides = array<i32>} : memref<512xf32, #tpu.memory_space<vmem>>, vector<16xf32>,
    %get3A_1846 = vector.shape_cast %get3A_1845 : vector<16xf32> to vector<16xf32>
    %get3A_1847 = arith.constant 448 : index
    %get3A_1848 = tpu.vector_load %arg10[%get3A_1847] {strides = array<i32>} : memref<512xf32, #tpu.memory_space<vmem>>, vector<16xf32>,
    %get3A_1849 = vector.shape_cast %get3A_1848 : vector<16xf32> to vector<16xf32>
    %sub3A_1850 = arith.subf %get3A_1846, %get3A_1849 : vector<16xf32>
    %mul3A_1851 = arith.mulf %get3A_1843, %sub3A_1850 : vector<16xf32>
    %neg3A_1852 = arith.constant 0.000000e+00 : f32
    %neg3A_1853 = vector.broadcast %neg3A_1852 : f32 to vector<16xf32>
    %neg3A_1854 = arith.subf %neg3A_1853, %mul3A_1851 : vector<16xf32>
    %exp3A_1855 = math.exp %neg3A_1854 : vector<16xf32>
    %add3A_1856 = arith.constant 1.000000e+00 : f32
    %add3A_1857 = vector.broadcast %add3A_1856 : f32 to vector<16xf32>
    %add3A_1858 = arith.addf %add3A_1857, %exp3A_1855 : vector<16xf32>
    %div3A_1859 = arith.constant 1.000000e+00 : f32
    %div3A_1860 = vector.broadcast %div3A_1859 : f32 to vector<16xf32>
    %div3A_1861 = arith.divf %div3A_1860, %add3A_1858 : vector<16xf32>
    %swap3A_1862 = arith.constant 448 : index
    %swap3A_1863 = tpu.vector_load %arg12[%swap3A_1862] {strides = array<i32>} : memref<512xf32, #tpu.memory_space<vmem>>, vector<16xf32>,
    %swap3A_1864 = vector.shape_cast %swap3A_1863 : vector<16xf32> to vector<16xf32>
    %swap3A_1865 = vector.shape_cast %div3A_1861 : vector<16xf32> to vector<16xf32>
    tpu.vector_store %arg12[%swap3A_1862], %swap3A_1865 {strides = array<i32>} : memref<512xf32, #tpu.memory_space<vmem>>, vector<16xf32>,
    %get3A_1866 = arith.constant 464 : index
    %get3A_1867 = tpu.vector_load %arg11[%get3A_1866] {strides = array<i32>} : memref<512xf32, #tpu.memory_space<vmem>>, vector<16xf32>,
    %get3A_1868 = vector.shape_cast %get3A_1867 : vector<16xf32> to vector<16xf32>
    %get3A_1869 = arith.constant 464 : index
    %get3A_1870 = tpu.vector_load %arg9[%get3A_1869] {strides = array<i32>} : memref<512xf32, #tpu.memory_space<vmem>>, vector<16xf32>,
    %get3A_1871 = vector.shape_cast %get3A_1870 : vector<16xf32> to vector<16xf32>
    %get3A_1872 = arith.constant 464 : index
    %get3A_1873 = tpu.vector_load %arg10[%get3A_1872] {strides = array<i32>} : memref<512xf32, #tpu.memory_space<vmem>>, vector<16xf32>,
    %get3A_1874 = vector.shape_cast %get3A_1873 : vector<16xf32> to vector<16xf32>
    %sub3A_1875 = arith.subf %get3A_1871, %get3A_1874 : vector<16xf32>
    %mul3A_1876 = arith.mulf %get3A_1868, %sub3A_1875 : vector<16xf32>
    %neg3A_1877 = arith.constant 0.000000e+00 : f32
    %neg3A_1878 = vector.broadcast %neg3A_1877 : f32 to vector<16xf32>
    %neg3A_1879 = arith.subf %neg3A_1878, %mul3A_1876 : vector<16xf32>
    %exp3A_1880 = math.exp %neg3A_1879 : vector<16xf32>
    %add3A_1881 = arith.constant 1.000000e+00 : f32
    %add3A_1882 = vector.broadcast %add3A_1881 : f32 to vector<16xf32>
    %add3A_1883 = arith.addf %add3A_1882, %exp3A_1880 : vector<16xf32>
    %div3A_1884 = arith.constant 1.000000e+00 : f32
    %div3A_1885 = vector.broadcast %div3A_1884 : f32 to vector<16xf32>
    %div3A_1886 = arith.divf %div3A_1885, %add3A_1883 : vector<16xf32>
    %swap3A_1887 = arith.constant 464 : index
    %swap3A_1888 = tpu.vector_load %arg12[%swap3A_1887] {strides = array<i32>} : memref<512xf32, #tpu.memory_space<vmem>>, vector<16xf32>,
    %swap3A_1889 = vector.shape_cast %swap3A_1888 : vector<16xf32> to vector<16xf32>
    %swap3A_1890 = vector.shape_cast %div3A_1886 : vector<16xf32> to vector<16xf32>
    tpu.vector_store %arg12[%swap3A_1887], %swap3A_1890 {strides = array<i32>} : memref<512xf32, #tpu.memory_space<vmem>>, vector<16xf32>,
    %get3A_1891 = arith.constant 480 : index
    %get3A_1892 = tpu.vector_load %arg11[%get3A_1891] {strides = array<i32>} : memref<512xf32, #tpu.memory_space<vmem>>, vector<16xf32>,
    %get3A_1893 = vector.shape_cast %get3A_1892 : vector<16xf32> to vector<16xf32>
    %get3A_1894 = arith.constant 480 : index
    %get3A_1895 = tpu.vector_load %arg9[%get3A_1894] {strides = array<i32>} : memref<512xf32, #tpu.memory_space<vmem>>, vector<16xf32>,
    %get3A_1896 = vector.shape_cast %get3A_1895 : vector<16xf32> to vector<16xf32>
    %get3A_1897 = arith.constant 480 : index
    %get3A_1898 = tpu.vector_load %arg10[%get3A_1897] {strides = array<i32>} : memref<512xf32, #tpu.memory_space<vmem>>, vector<16xf32>,
    %get3A_1899 = vector.shape_cast %get3A_1898 : vector<16xf32> to vector<16xf32>
    %sub3A_1900 = arith.subf %get3A_1896, %get3A_1899 : vector<16xf32>
    %mul3A_1901 = arith.mulf %get3A_1893, %sub3A_1900 : vector<16xf32>
    %neg3A_1902 = arith.constant 0.000000e+00 : f32
    %neg3A_1903 = vector.broadcast %neg3A_1902 : f32 to vector<16xf32>
    %neg3A_1904 = arith.subf %neg3A_1903, %mul3A_1901 : vector<16xf32>
    %exp3A_1905 = math.exp %neg3A_1904 : vector<16xf32>
    %add3A_1906 = arith.constant 1.000000e+00 : f32
    %add3A_1907 = vector.broadcast %add3A_1906 : f32 to vector<16xf32>
    %add3A_1908 = arith.addf %add3A_1907, %exp3A_1905 : vector<16xf32>
    %div3A_1909 = arith.constant 1.000000e+00 : f32
    %div3A_1910 = vector.broadcast %div3A_1909 : f32 to vector<16xf32>
    %div3A_1911 = arith.divf %div3A_1910, %add3A_1908 : vector<16xf32>
    %swap3A_1912 = arith.constant 480 : index
    %swap3A_1913 = tpu.vector_load %arg12[%swap3A_1912] {strides = array<i32>} : memref<512xf32, #tpu.memory_space<vmem>>, vector<16xf32>,
    %swap3A_1914 = vector.shape_cast %swap3A_1913 : vector<16xf32> to vector<16xf32>
    %swap3A_1915 = vector.shape_cast %div3A_1911 : vector<16xf32> to vector<16xf32>
    tpu.vector_store %arg12[%swap3A_1912], %swap3A_1915 {strides = array<i32>} : memref<512xf32, #tpu.memory_space<vmem>>, vector<16xf32>,
    %get3A_1916 = arith.constant 496 : index
    %get3A_1917 = tpu.vector_load %arg11[%get3A_1916] {strides = array<i32>} : memref<512xf32, #tpu.memory_space<vmem>>, vector<16xf32>,
    %get3A_1918 = vector.shape_cast %get3A_1917 : vector<16xf32> to vector<16xf32>
    %get3A_1919 = arith.constant 496 : index
    %get3A_1920 = tpu.vector_load %arg9[%get3A_1919] {strides = array<i32>} : memref<512xf32, #tpu.memory_space<vmem>>, vector<16xf32>,
    %get3A_1921 = vector.shape_cast %get3A_1920 : vector<16xf32> to vector<16xf32>
    %get3A_1922 = arith.constant 496 : index
    %get3A_1923 = tpu.vector_load %arg10[%get3A_1922] {strides = array<i32>} : memref<512xf32, #tpu.memory_space<vmem>>, vector<16xf32>,
    %get3A_1924 = vector.shape_cast %get3A_1923 : vector<16xf32> to vector<16xf32>
    %sub3A_1925 = arith.subf %get3A_1921, %get3A_1924 : vector<16xf32>
    %mul3A_1926 = arith.mulf %get3A_1918, %sub3A_1925 : vector<16xf32>
    %neg3A_1927 = arith.constant 0.000000e+00 : f32
    %neg3A_1928 = vector.broadcast %neg3A_1927 : f32 to vector<16xf32>
    %neg3A_1929 = arith.subf %neg3A_1928, %mul3A_1926 : vector<16xf32>
    %exp3A_1930 = math.exp %neg3A_1929 : vector<16xf32>
    %add3A_1931 = arith.constant 1.000000e+00 : f32
    %add3A_1932 = vector.broadcast %add3A_1931 : f32 to vector<16xf32>
    %add3A_1933 = arith.addf %add3A_1932, %exp3A_1930 : vector<16xf32>
    %div3A_1934 = arith.constant 1.000000e+00 : f32
    %div3A_1935 = vector.broadcast %div3A_1934 : f32 to vector<16xf32>
    %div3A_1936 = arith.divf %div3A_1935, %add3A_1933 : vector<16xf32>
    %swap3A_1937 = arith.constant 496 : index
    %swap3A_1938 = tpu.vector_load %arg12[%swap3A_1937] {strides = array<i32>} : memref<512xf32, #tpu.memory_space<vmem>>, vector<16xf32>,
    %swap3A_1939 = vector.shape_cast %swap3A_1938 : vector<16xf32> to vector<16xf32>
    %swap3A_1940 = vector.shape_cast %div3A_1936 : vector<16xf32> to vector<16xf32>
    tpu.vector_store %arg12[%swap3A_1937], %swap3A_1940 {strides = array<i32>} : memref<512xf32, #tpu.memory_space<vmem>>, vector<16xf32>,
    "tpu.region"() ({
      %run_scoped3A = tpu.sem_alloc : memref<!tpu.dma_semaphore, #tpu.memory_space<semaphore_mem>>
      %dma_start3A_1941 = tpu.memref_slice %arg6[%mul3A_2] : memref<16384xf32, #tpu.memory_space<hbm>> -> memref<512xf32, #tpu.memory_space<hbm>>
      %dma_start3A_1942 = tpu.memref_slice %arg6[%mul3A_2] : memref<16384xf32, #tpu.memory_space<hbm>> -> memref<512xf32, #tpu.memory_space<hbm>>
      tpu.enqueue_dma source(%arg12 : memref<512xf32, #tpu.memory_space<vmem>>) target(%dma_start3A_1942 : memref<512xf32, #tpu.memory_space<hbm>>) target_semaphore(%run_scoped3A : memref<!tpu.dma_semaphore, #tpu.memory_space<semaphore_mem>>)
      %dma_wait3A_1943 = tpu.memref_slice %arg6[%mul3A_2] : memref<16384xf32, #tpu.memory_space<hbm>> -> memref<512xf32, #tpu.memory_space<hbm>>
      %dma_wait3A_1944 = tpu.memref_slice %arg6[%mul3A_2] : memref<16384xf32, #tpu.memory_space<hbm>> -> memref<512xf32, #tpu.memory_space<hbm>>
      tpu.wait_dma2 semaphore(%run_scoped3A : memref<!tpu.dma_semaphore, #tpu.memory_space<semaphore_mem>>) src(%arg12 : memref<512xf32, #tpu.memory_space<vmem>>) dst(%dma_wait3A_1944 : memref<512xf32, #tpu.memory_space<hbm>>)
      tpu.yield
    }) : () -> ()
    return
  }
}

</mosaic_0001>

<sc_bundles>
// kernel: kernel.3.cloned.1.call-start
scs
__scs_entry_jumppad:
0x0: {  	(pc) =	sbr.rel $0x88, $3  }
0x1: {  	(tag) =	ssettag $0x0;
	lr =	simm.s32 $0x1  }
0x2: {  	[smem:$0x3F9C] =	sst lr;
	_ =	strace $0xD0000000  }
0x3: {  	_ = 	snop  }
0x4: {  	_ = 	snop  }
0x5: {  	_ = 	snop  }
0x6: {  	_ = 	snop  }
0x7: {  	_ = 	snop  }
__scs_overlays_trampoline_lowered:
0x8: {  	[smem:$0x3FAB] =	sst s0  }
0x9: {  	[smem:$0x3FAC] =	sst s1  }
0xa: {  	[smem:$0x3FAD] =	sst s2  }
0xb: {  	[smem:$0x3FAE] =	sst s3  }
0xc: {  	[smem:$0x3FAF] =	sst s4  }
0xd: {  	[smem:$0x3FB0] =	sst s5  }
0xe: {  	[smem:$0x3FB1] =	sst s6  }
0xf: {  	[smem:$0x3FB2] =	sst s7  }
0x10: {  	[smem:$0x3FB3] =	sst s8  }
0x11: {  	[smem:$0x3FB4] =	sst s9;
	s0 =	simm.s32 @!p0 $0x0  }
0x12: {  	s1 =	sld [smem:$0x3F9A];
	s0 =	simm.s32 @p0 $0x1  }
0x13: {  	[smem:$0x3FB5] =	sst s0;
	s0 =	simm.s32 @!p1 $0x0  }
0x14: {  	s2 =	sld [smem:$0x3F99];
	s0 =	simm.s32 @p1 $0x1  }
0x15: {  	[smem:$0x3FB6] =	sst s0;
	s0 =	simm.s32 @!p2 $0x0  }
0x16: {  	s3 =	sld [smem:$0x3FDB];
	s0 =	simm.s32 @p2 $0x1  }
0x17: {  	s4 =	simm.s32 $0x1BF5;
	[smem:$0x3FB8] =	sst s0  }
0x18: {  	s0 =	sld [smem:$0x3F9B];
	_ =	swait.ge [sflag:s4], $0x0  }
0x19: {  	s7 =	sld [smem:$0x3F9C]  }
0x1a: {  	s8 =	sadd.s32 $0xFFFFE003, lr  }
0x1b: {  	s9 =	sadd.s32 $0xFFFFFEF7, lr;
	s5 =	simm.s32 $0xFFFFFFFF;
	p2 =	slt.u32 s8, $0xFFFFF086  }
0x1c: {  	p1 =	slt.u32 s9, $0xF7A;
	s5 =	simm.s32 @!p2 $0x0  }
0x1d: {  	s5 =	simm.s32 @p1 $0x1;
	p0 =	seq.s32 s7, s2  }
0x1e: {  	s7 =	smul.u32 @!p0 $0xF7A, s2;
	p2 =	seq.s32 @!p0 s5, $0x0  }
0x1f: {  	s9 =	smul.u32 $0xF7A, s1;
	s8 =	simm.s32 @!p0 $0x1BF5;
	p2 =	por !p2, p0  }
0x20: {  	[sflag:s8] =	ssyncset.s32 @!p0 $0xFFFFF086;
	s6 =	sadd.s32 @!p0 s3, s7;
	s7 =	simm.s32 @!p0 $0x108  }
0x21: {  	s3 =	sadd.s32 s3, s9;
	s6 =	sadd.s32 @!p0 $0x88, s6;
	s7 =	simm.s32 @p2 $0x1082  }
0x22: {  	[simem:s7], [sflag:s8] =	dma.local @!p0 [hbm:s6], $0xF7A  }
0x23: {  	s9 =	sor.u32 $0xD0000000, s2;
	s6 =	simm.s32 $0x108;
	_ =	swait.ge @!p0 [sflag:s8], $0x0  }
0x24: {  	s3 =	sadd.s32 $0x88, s3;
	s6 =	simm.s32 @!p1 $0x1082;
	[sflag:s4] =	ssyncset.s32 $0xFFFFF086  }
0x25: {  	[simem:s6], [sflag:s4] =	dma.local [hbm:s3], $0xF7A  }
0x26: {  	[smem:$0x3F9C] =	sst s1;
	(tag) =	ssettag s2;
	_ =	strace s9  }
0x27: {  	s1 =	sld [smem:$0x3FAC]  }
0x28: {  	s2 =	sld [smem:$0x3FAD]  }
0x29: {  	s4 =	sld [smem:$0x3FAF]  }
0x2a: {  	p0 =	seq.s32 s5, $0x0;
	s5 =	sld [smem:$0x3FB0]  }
0x2b: {  	s6 =	sld [smem:$0x3FB1]  }
0x2c: {  	s7 =	sld [smem:$0x3FB2]  }
0x2d: {  	s3 =	simm.s32 $0x108;
	s8 =	sld [smem:$0x3FB3]  }
0x2e: {  	s3 =	simm.s32 @!p0 $0x1082;
	s9 =	sld [smem:$0x3FB4]  }
0x2f: {  	lr =	sadd.s32 s0, s3;
	s0 =	sld [smem:$0x3FAB]  }
0x30: {  	s3 =	sld [smem:$0x3FAE]  }
0x31: {  	[smem:$0x3FB7] =	sst s10  }
0x32: {  	s10 =	sld [smem:$0x3FB5];
	_ =	sdelay $0x3  }
0x33: {  	p0 =	seq.s32 s10, $0x1;
	s10 =	sld [smem:$0x3FB7];
	_ =	sdelay $0x3  }
0x34: {  	[smem:$0x3FB7] =	sst s10  }
0x35: {  	s10 =	sld [smem:$0x3FB6];
	_ =	sdelay $0x3  }
0x36: {  	p1 =	seq.s32 s10, $0x1;
	s10 =	sld [smem:$0x3FB7];
	_ =	sdelay $0x3  }
0x37: {  	[smem:$0x3FB7] =	sst s10  }
0x38: {  	s10 =	sld [smem:$0x3FB8]  }
0x39: {  	_ = 	snop;
	(pc) =	sbr.ind lr, $3  }
0x3a: {  	_ = 	snop  }
0x3b: {  	_ = 	snop  }
0x3c: {  	p2 =	seq.s32 s10, $0x1;
	s10 =	sld [smem:$0x3FB7]  }
0x3d: {  	_ =	shalt  }
0x3e: {  	_ =	shalt  }
0x3f: {  	_ =	shalt  }
0x40: {  	_ =	shalt  }
0x41: {  	_ =	shalt  }
0x42: {  	_ =	shalt  }
0x43: {  	_ =	shalt  }
0x44: {  	_ =	shalt  }
0x45: {  	_ =	shalt  }
0x46: {  	_ =	shalt  }
0x47: {  	_ =	shalt  }
0x48: {  	_ =	shalt  }
0x49: {  	_ =	shalt  }
0x4a: {  	_ =	shalt  }
0x4b: {  	_ =	shalt  }
0x4c: {  	_ =	shalt  }
0x4d: {  	_ =	shalt  }
0x4e: {  	_ =	shalt  }
0x4f: {  	_ =	shalt  }
0x50: {  	_ =	shalt  }
0x51: {  	_ =	shalt  }
0x52: {  	_ =	shalt  }
0x53: {  	_ =	shalt  }
0x54: {  	_ =	shalt  }
0x55: {  	_ =	shalt  }
0x56: {  	_ =	shalt  }
0x57: {  	_ =	shalt  }
0x58: {  	_ =	shalt  }
0x59: {  	_ =	shalt  }
0x5a: {  	_ =	shalt  }
0x5b: {  	_ =	shalt  }
0x5c: {  	_ =	shalt  }
0x5d: {  	_ =	shalt  }
0x5e: {  	_ =	shalt  }
0x5f: {  	_ =	shalt  }
0x60: {  	_ =	shalt  }
0x61: {  	_ =	shalt  }
0x62: {  	_ =	shalt  }
0x63: {  	_ =	shalt  }
0x64: {  	_ =	shalt  }
0x65: {  	_ =	shalt  }
0x66: {  	_ =	shalt  }
0x67: {  	_ =	shalt  }
0x68: {  	_ =	shalt  }
0x69: {  	_ =	shalt  }
0x6a: {  	_ =	shalt  }
0x6b: {  	_ =	shalt  }
0x6c: {  	_ =	shalt  }
0x6d: {  	_ =	shalt  }
0x6e: {  	_ =	shalt  }
0x6f: {  	_ =	shalt  }
0x70: {  	_ =	shalt  }
0x71: {  	_ =	shalt  }
0x72: {  	_ =	shalt  }
0x73: {  	_ =	shalt  }
0x74: {  	_ =	shalt  }
0x75: {  	_ =	shalt  }
0x76: {  	_ =	shalt  }
0x77: {  	_ =	shalt  }
0x78: {  	_ =	shalt  }
0x79: {  	_ =	shalt  }
0x7a: {  	_ =	shalt  }
0x7b: {  	_ =	shalt  }
0x7c: {  	_ =	shalt  }
0x7d: {  	_ =	shalt  }
0x7e: {  	_ =	shalt  }
0x7f: {  	_ =	shalt  }
0x80: {  	_ =	shalt  }
0x81: {  	_ =	shalt  }
0x82: {  	_ =	shalt  }
0x83: {  	_ =	shalt  }
0x84: {  	_ =	shalt  }
0x85: {  	_ =	shalt  }
0x86: {  	_ =	shalt  }
0x87: {  	_ =	shalt  }
.Lfunc_end0:
.L_simem_size_0:
called_computation_lowered:
.L_overlay_start_0:
0x88: {  	s2 =	sld [smem:$0x3FD9]  }
0x89: {  	s3 =	sld [smem:$0x3FFE];
	_ =	sdelay $0x1  }
0x8a: {  	s1 =	srdreg.scid  }
0x8b: {  	s0 =	sand.u32 $0x1, s1  }
0x8c: {  	s17 =	sshll.u32 s0, $0xA;
	s2 =	sadd.s32 s3, s2  }
0x8d: {  	s2 =	sadd.s32 s2, s17  }
0x8e: {  	[smem:$0x3FC3] =	sst s2  }
0x8f: {  	_ = 	snop  }
0x90: {  	s2 =	sld [smem:$0x3FC9]  }
0x91: {  	s18 =	sld [smem:$0x3FC8]  }
0x92: {  	s4 =	sld [smem:$0x3FD0];
	(tm) =	ssettm $0x1  }
0x93: {  	s5 =	sld [smem:$0x3FFB];
	_ =	sdelay $0x3  }
0x94: {  	_ =	strace s5  }
0x95: {  	s5 =	sld [smem:$0x3FFC];
	_ =	sdelay $0x3  }
0x96: {  	_ =	strace s5  }
0x97: {  	s5 =	sld [smem:$0x3FFD];
	_ =	sdelay $0x3  }
0x98: {  	_ =	strace s5  }
0x99: {  	_ =	strace $0x8FFFFFFF  }
0x9a: {  	s19 =	sld [smem:$0x3FDB];
	_ =	sdelay $0x1  }
0x9b: {  	s6 =	simm.s32 $_scs_section_size  }
0x9c: {  	s7 =	simm.s32 $_size__tile_overlayer_lowered;
	s8 =	simm.s32 $_tile_overlayer_lowered  }
0x9d: {  	s22 =	simm.s32 $0x1BFF;
	s21 =	sshll.u32 s8, $0x1;
	s5 =	sadd.s32 s6, s19  }
0x9e: {  	s9 =	simm.s32 $0x0;
	s20 =	sshll.u32 s7, $0x1;
	s7 =	sadd.s32 s21, s5  }
0x9f: {  	[timem:s9], [sflag:s22] =	dma.local [hbm:s7], s20  }
0xa0: {  	_ =	swait.ge [sflag:s22], s20  }
0xa1: {  	s6 =	ssub.s32 $0x0, s20;
	[sflag:s22] =	ssyncset.done $0x0  }
0xa2: {  	[sflag:s22] =	ssyncadd.s32 s6;
	_ =	sdelay $0x1  }
0xa3: {  	s23 =	simm.s32 $0x1B8B  }
0xa4: {  	_ =	swait.ge [sflag:s23], $0x1  }
0xa5: {  	[sflag:s23] =	ssyncset.done $0x0  }
0xa6: {  	s25 =	simm.s32 $0x1B8E;
	s24 =	sld [smem:$0x3FFE];
	[sflag:s23] =	ssyncadd.s32 $0xFFFFFFFF  }
0xa7: {  	s26 =	simm.s32 $execute0_lowered;
	[smem:$0x3FD2] =	sst s25  }
0xa8: {  	s7 =	sshll.u32 s26, $0x1;
	_ =	strace $0x80000046;
	[dreg:$0x1] =	wrdreg $0xFFFFFFFF  }
0xa9: {  	s28 =	simm.s32 $_size_execute0_lowered;
	s5 =	sadd.s32 s5, s7;
	[dreg:$0x0] =	wrdreg $0x0  }
0xaa: {  	s7 =	sshll.u32 s28, $0x1;
	[dreg:$0x2] =	wrdreg s5  }
0xab: {  	[dreg:$0x3] =	wrdreg s7  }
0xac: {  	[dreg:$0x4] =	wrdreg $0xC0  }
0xad: {  	_ =	task [dreg:s9], $0x5FFFF  }
0xae: {  	[dreg:$0x1] =	wrdreg $0xFFFFFFFF  }
0xaf: {  	[dreg:$0x0] =	wrdreg $0x60  }
0xb0: {  	[dreg:$0x2] =	wrdreg s2  }
0xb1: {  	[dreg:$0x3] =	wrdreg s18  }
0xb2: {  	[dreg:$0x4] =	wrdreg s24  }
0xb3: {  	[dreg:$0x5] =	wrdreg s4  }
0xb4: {  	[dreg:$0x6] =	wrdreg $0x9  }
0xb5: {  	_ =	task.clear_ibuf [dreg:s9], $0x7FFFF;
	_ =	strace $0x90000046  }
0xb6: {  	s29 =	simm.s32 $0x9;
	_ =	strace $0x80000048  }
0xb7: {  	_ =	swait.ge [sflag:s29], $0x1  }
0xb8: {  	[sflag:s29] =	ssyncadd.s32 $0xFFFFFFFF  }
0xb9: {  	_ =	strace $0x90000048  }
0xba: {  	_ =	sfence  }
0xbb: {  	s30 =	sld [smem:$0x0];
	_ =	sdelay $0x2  }
0xbc: {  	s31 =	sshll.u32 s1, $0xD;
	s1 =	sshrl.u32 s1, $0x2  }
0xbd: {  	s3 =	sand.u32 $0x4000, s31;
	s1 =	sadd.s32 s1, s30  }
0xbe: {  	s0 =	sor.u32 s3, s0;
	s1 =	sshll.u32 s1, $0x11  }
0xbf: {  	s0 =	sor.u32 s1, s0  }
0xc0: {  	s0 =	sadd.s32 $0x8F2B, s0  }
0xc1: {  	[sflag:s0] =	ssyncadd.remote.s32 $0x1  }
0xc2: {  	_ =	sfence.sel $0xFFFF  }
0xc3: {  	[dreg:$0x0] =	wrdreg $0xFFFFFFFF;
	(pc) =	sbr.abs _section_cstart, $3  }
0xc4: {  	[dreg:$0x1] =	wrdreg $0xFFFFFFFF  }
0xc5: {  	_ =	task.clear_ibuf [dreg:s9], $0x2FFFF;
	_ =	strace $0x9FFFFFFF  }
0xc6: {  	(tm) =	ssettm $0x7FFFFFFF  }
0xc7: {  	_ =	shalt  }
tec
execute0_lowered:
.L_overlay_start_1:
0x0: {  	(tag) =	ssettag $0x1  }
0x1: {  	s5 =	rddreg [dreg:$0x0]  }
0x2: {  	s6 =	rddreg [dreg:$0x1]  }
0x3: {  	s7 =	rddreg [dreg:$0x2]  }
0x4: {  	s8 =	rddreg [dreg:$0x3]  }
0x5: {  	s0 =	rddreg [dreg:$0x4];
	s1 =	simm.s32 $0x0  }
0x6: {  	s4 =	srdreg.scid;
	s2 =	stileid.u32;
	s13 =	simm.s32 $0x600  }
0x7: {  	s14 =	simm.s32 $0x1;
	s15 =	simm.s32 $0x400;
	s16 =	simm.s32 $0x3  }
0x8: {  	s17 =	simm.s32 $0xA00;
	s18 =	simm.s32 $0x4;
	[smem:$0x7FF] =	sst s1  }
0x9: {  	s3 =	sadd.s32 $0x6600, s7;
	s4 =	sand.u32 $0x1, s4;
	s10 =	sshll.u32 s2, $0x7  }
0xa: {  	_ =	strace $0x80000047;
	s9 =	ssub.s32 $0x2, s4;
	s11 =	sshll.u32 s4, $0x6  }
0xb: {  	s4 =	sadd.s32 $0x400, s7;
	s7 =	sadd.s32 $0x3500, s7;
	s12 =	sshrl.u32 s9, $0x1  }
0xc: {  	s10 =	sor.u32 s11, s10;
	s11 =	simm.s32 $0x2;
	s9 =	ssub.s32 s9, s12  }
0xd: {  	s5 =	sadd.s32 s5, s10;
	s6 =	sadd.s32 s6, s10;
	s8 =	sadd.s32 s8, s10  }
0xe: {  	s10 =	simm.s32 $0x200;
	s12 =	simm.s32 $0x800;
	s9 =	smax.u32 s9, $0x1  }
.LBB2_1:
0xf: {  	[tilespmem:s1], [sflag:$0x1] =	stream.linear.gather [hbm4b:s5+s1], $0x200, $0x38;
	[tilespmem:$0xC00] =	vst v63  }
0x10: {  	_ = 	snop  }
0x11: {  	[tilespmem:s10], [sflag:$0x2] =	stream.linear.gather [hbm4b:s6+s1], $0x200, $0x38;
	[tilespmem:$0xC00] =	vst v63  }
0x12: {  	_ =	swait.ge [sflag:s11], $0x200  }
0x13: {  	[sflag:s11] =	ssyncset.done $0x0  }
0x14: {  	[sflag:s11] =	ssyncadd.s32 $0xFFFFFE00  }
0x15: {  	[tilespmem:s12], [sflag:$0x2] =	stream.indirect.gather [hbm4b:s7+s10], $0x1, s10, s10, $0xb8;
	[tilespmem:$0xC00] =	vst v63  }
0x16: {  	_ = 	snop  }
0x17: {  	[tilespmem:s13], [sflag:$0x3] =	stream.indirect.gather [hbm4b:s4+s10], $0x1, s10, s10, $0xb8;
	[tilespmem:$0xC00] =	vst v63  }
0x18: {  	_ =	swait.ge [sflag:s14], $0x200  }
0x19: {  	[sflag:s14] =	ssyncset.done $0x0  }
0x1a: {  	[sflag:s14] =	ssyncadd.s32 $0xFFFFFE00  }
0x1b: {  	[tilespmem:s15], [sflag:$0x3] =	stream.indirect.gather [hbm4b:s3+s10], $0x1, s1, s10, $0xb8;
	[tilespmem:$0xC00] =	vst v63  }
0x1c: {  	_ =	swait.ge [sflag:s11], $0x200  }
0x1d: {  	[sflag:s11] =	ssyncset.done $0x0  }
0x1e: {  	[sflag:s11] =	ssyncadd.s32 $0xFFFFFE00  }
0x1f: {  	v27 =	vld [tilespmem:$0x800];
	_ =	sdelay $0x4  }
0x20: {  	v0 =	vand.u32 $0x7FFFFFFF, v27  }
0x21: {  	v0 =	vsub.f32 $0.0e+00, v0;
	_ =	sdelay $0x1  }
0x22: {  	v0 =	vmul.f32 $1.442695020e+00, v0;
	_ =	sdelay $0x1  }
0x23: {  	(erf) = vpow2.f32 v0;
	_ =	sdelay $0x2  }
0x24: {  	v16 =	vld [tilespmem:$0x810];
	_ =	sdelay $0x4  }
0x25: {  	v25 =	vand.u32 $0x7FFFFFFF, v16  }
0x26: {  	v0 =	vsub.f32 $0.0e+00, v25;
	v43 =	vpop (erf)  }
0x27: {  	v1 =	vadd.f32 $2.000000000e+00, v43  }
0x28: {  	v0 =	vmul.f32 $1.442695020e+00, v0  }
0x29: {  	(erf) = vrcp.f32 v1  }
0x2a: {  	(erf) = vpow2.f32 v0;
	_ =	sdelay $0x2  }
0x2b: {  	v28 =	vld [tilespmem:$0x820];
	_ =	sdelay $0x4  }
0x2c: {  	v26 =	vand.u32 $0x7FFFFFFF, v28;
	v25 =	vpop (erf)  }
0x2d: {  	v0 =	vsub.f32 $0.0e+00, v26;
	v8 =	vpop (erf)  }
0x2e: {  	v29 =	vadd.f32 $2.000000000e+00, v8  }
0x2f: {  	v0 =	vmul.f32 $1.442695020e+00, v0  }
0x30: {  	(erf) = vrcp.f32 v29  }
0x31: {  	(erf) = vpow2.f32 v0;
	_ =	sdelay $0x2  }
0x32: {  	v29 =	vld [tilespmem:$0x830];
	_ =	sdelay $0x4  }
0x33: {  	v30 =	vand.u32 $0x7FFFFFFF, v29;
	v34 =	vpop (erf)  }
0x34: {  	v0 =	vsub.f32 $0.0e+00, v30;
	v52 =	vpop (erf)  }
0x35: {  	v31 =	vadd.f32 $2.000000000e+00, v52  }
0x36: {  	v0 =	vmul.f32 $1.442695020e+00, v0  }
0x37: {  	(erf) = vrcp.f32 v31  }
0x38: {  	(erf) = vpow2.f32 v0;
	_ =	sdelay $0x2  }
0x39: {  	v31 =	vld [tilespmem:$0x840];
	_ =	sdelay $0x4  }
0x3a: {  	v32 =	vand.u32 $0x7FFFFFFF, v31;
	v35 =	vpop (erf)  }
0x3b: {  	v1 =	vsub.f32 $0.0e+00, v32;
	v3 =	vpop (erf)  }
0x3c: {  	v2 =	vadd.f32 $2.000000000e+00, v3  }
0x3d: {  	v1 =	vmul.f32 $1.442695020e+00, v1  }
0x3e: {  	(erf) = vrcp.f32 v2  }
0x3f: {  	(erf) = vpow2.f32 v1;
	_ =	sdelay $0x2  }
0x40: {  	v21 =	vld [tilespmem:$0x850];
	_ =	sdelay $0x4  }
0x41: {  	v33 =	vand.u32 $0x7FFFFFFF, v21;
	v6 =	vpop (erf)  }
0x42: {  	v2 =	vsub.f32 $0.0e+00, v33;
	v7 =	vpop (erf)  }
0x43: {  	v4 =	vadd.f32 $2.000000000e+00, v7  }
0x44: {  	v2 =	vmul.f32 $1.442695020e+00, v2  }
0x45: {  	(erf) = vrcp.f32 v4  }
0x46: {  	(erf) = vpow2.f32 v2;
	_ =	sdelay $0x2  }
0x47: {  	v22 =	vld [tilespmem:$0x860];
	_ =	sdelay $0x4  }
0x48: {  	v36 =	vand.u32 $0x7FFFFFFF, v22;
	v14 =	vpop (erf)  }
0x49: {  	v2 =	vsub.f32 $0.0e+00, v36;
	v46 =	vpop (erf)  }
0x4a: {  	v9 =	vadd.f32 $2.000000000e+00, v46  }
0x4b: {  	v2 =	vmul.f32 $1.442695020e+00, v2  }
0x4c: {  	(erf) = vrcp.f32 v9  }
0x4d: {  	(erf) = vpow2.f32 v2;
	_ =	sdelay $0x2  }
0x4e: {  	v20 =	vld [tilespmem:$0x870];
	_ =	sdelay $0x4  }
0x4f: {  	v37 =	vand.u32 $0x7FFFFFFF, v20;
	v55 =	vpop (erf)  }
0x50: {  	v9 =	vsub.f32 $0.0e+00, v37;
	v13 =	vpop (erf)  }
0x51: {  	v10 =	vadd.f32 $2.000000000e+00, v13  }
0x52: {  	v9 =	vmul.f32 $1.442695020e+00, v9  }
0x53: {  	(erf) = vrcp.f32 v10  }
0x54: {  	(erf) = vpow2.f32 v9;
	_ =	sdelay $0x2  }
0x55: {  	v23 =	vld [tilespmem:$0x880];
	_ =	sdelay $0x4  }
0x56: {  	v38 =	vand.u32 $0x7FFFFFFF, v23;
	v9 =	vpop (erf)  }
0x57: {  	v10 =	vsub.f32 $0.0e+00, v38;
	v61 =	vpop (erf)  }
0x58: {  	v11 =	vadd.f32 $2.000000000e+00, v61  }
0x59: {  	v10 =	vmul.f32 $1.442695020e+00, v10  }
0x5a: {  	(erf) = vrcp.f32 v11  }
0x5b: {  	(erf) = vpow2.f32 v10;
	_ =	sdelay $0x2  }
0x5c: {  	v18 =	vld [tilespmem:$0x890];
	_ =	sdelay $0x4  }
0x5d: {  	v39 =	vand.u32 $0x7FFFFFFF, v18;
	v44 =	vpop (erf)  }
0x5e: {  	v10 =	vsub.f32 $0.0e+00, v39;
	v58 =	vpop (erf)  }
0x5f: {  	v40 =	vadd.f32 $2.000000000e+00, v58  }
0x60: {  	v10 =	vmul.f32 $1.442695020e+00, v10  }
0x61: {  	(erf) = vrcp.f32 v40  }
0x62: {  	(erf) = vpow2.f32 v10;
	_ =	sdelay $0x2  }
0x63: {  	v19 =	vld [tilespmem:$0x8A0];
	_ =	sdelay $0x4  }
0x64: {  	v41 =	vand.u32 $0x7FFFFFFF, v19;
	v62 =	vpop (erf)  }
0x65: {  	v10 =	vsub.f32 $0.0e+00, v41;
	v56 =	vpop (erf)  }
0x66: {  	v42 =	vadd.f32 $2.000000000e+00, v56  }
0x67: {  	v10 =	vmul.f32 $1.442695020e+00, v10  }
0x68: {  	(erf) = vrcp.f32 v42  }
0x69: {  	(erf) = vpow2.f32 v10;
	_ =	sdelay $0x2  }
0x6a: {  	v17 =	vld [tilespmem:$0x8B0];
	_ =	sdelay $0x4  }
0x6b: {  	v45 =	vand.u32 $0x7FFFFFFF, v17;
	v59 =	vpop (erf)  }
0x6c: {  	v10 =	vsub.f32 $0.0e+00, v45;
	v60 =	vpop (erf)  }
0x6d: {  	v47 =	vadd.f32 $2.000000000e+00, v60  }
0x6e: {  	v10 =	vmul.f32 $1.442695020e+00, v10  }
0x6f: {  	(erf) = vrcp.f32 v47  }
0x70: {  	(erf) = vpow2.f32 v10;
	_ =	sdelay $0x2  }
0x71: {  	v15 =	vld [tilespmem:$0x8C0];
	_ =	sdelay $0x4  }
0x72: {  	v48 =	vand.u32 $0x7FFFFFFF, v15;
	v63 =	vpop (erf)  }
0x73: {  	v10 =	vsub.f32 $0.0e+00, v48;
	v53 =	vpop (erf)  }
0x74: {  	v49 =	vadd.f32 $2.000000000e+00, v53  }
0x75: {  	v10 =	vmul.f32 $1.442695020e+00, v10  }
0x76: {  	(erf) = vrcp.f32 v49  }
0x77: {  	(erf) = vpow2.f32 v10;
	_ =	sdelay $0x2  }
0x78: {  	v36 =	vld [tilespmem:$0x8D0];
	_ =	sdelay $0x4  }
0x79: {  	v51 =	vand.u32 $0x7FFFFFFF, v36;
	v50 =	vpop (erf)  }
0x7a: {  	v10 =	vsub.f32 $0.0e+00, v51;
	v45 =	vpop (erf)  }
0x7b: {  	v54 =	vadd.f32 $2.000000000e+00, v45  }
0x7c: {  	v10 =	vmul.f32 $1.442695020e+00, v10  }
0x7d: {  	(erf) = vrcp.f32 v54  }
0x7e: {  	(erf) = vpow2.f32 v10;
	_ =	sdelay $0x2  }
0x7f: {  	v38 =	vld [tilespmem:$0x8E0];
	_ =	sdelay $0x4  }
0x80: {  	v4 =	vand.u32 $0x7FFFFFFF, v38;
	v57 =	vpop (erf)  }
0x81: {  	v10 =	vsub.f32 $0.0e+00, v4;
	v48 =	vpop (erf)  }
0x82: {  	v5 =	vadd.f32 $2.000000000e+00, v48  }
0x83: {  	v10 =	vmul.f32 $1.442695020e+00, v10  }
0x84: {  	(erf) = vrcp.f32 v5  }
0x85: {  	(erf) = vpow2.f32 v10;
	_ =	sdelay $0x2  }
0x86: {  	v11 =	vld [tilespmem:$0x8F0];
	_ =	sdelay $0x4  }
0x87: {  	v12 =	vand.u32 $0x7FFFFFFF, v11;
	v10 =	vpop (erf)  }
0x88: {  	[tilespmem:$0x1FF40] =	vst v10;
	v42 =	vpop (erf);
	v10 =	vsub.f32 $0.0e+00, v12  }
0x89: {  	v12 =	vadd.f32 $2.000000000e+00, v42  }
0x8a: {  	v10 =	vmul.f32 $1.442695020e+00, v10  }
0x8b: {  	(erf) = vrcp.f32 v12  }
0x8c: {  	(erf) = vpow2.f32 v10;
	_ =	sdelay $0x2  }
0x8d: {  	v10 =	vld [tilespmem:$0x900];
	_ =	sdelay $0x4  }
0x8e: {  	v26 =	vand.u32 $0x7FFFFFFF, v10;
	v24 =	vpop (erf)  }
0x8f: {  	v12 =	vsub.f32 $0.0e+00, v26;
	v47 =	vpop (erf)  }
0x90: {  	[tilespmem:$0x1FF50] =	vst v24;
	v24 =	vadd.f32 $2.000000000e+00, v47  }
0x91: {  	v12 =	vmul.f32 $1.442695020e+00, v12  }
0x92: {  	(erf) = vrcp.f32 v24  }
0x93: {  	(erf) = vpow2.f32 v12;
	_ =	sdelay $0x2  }
0x94: {  	v41 =	vld [tilespmem:$0x910];
	_ =	sdelay $0x4  }
0x95: {  	v32 =	vand.u32 $0x7FFFFFFF, v41;
	v30 =	vpop (erf)  }
0x96: {  	v12 =	vsub.f32 $0.0e+00, v32;
	v37 =	vpop (erf)  }
0x97: {  	v33 =	vadd.f32 $2.000000000e+00, v37  }
0x98: {  	v12 =	vmul.f32 $1.442695020e+00, v12  }
0x99: {  	(erf) = vrcp.f32 v33  }
0x9a: {  	(erf) = vpow2.f32 v12;
	_ =	sdelay $0x2  }
0x9b: {  	v12 =	vld [tilespmem:$0x920];
	_ =	sdelay $0x4  }
0x9c: {  	v40 =	vand.u32 $0x7FFFFFFF, v12;
	v39 =	vpop (erf)  }
0x9d: {  	v24 =	vsub.f32 $0.0e+00, v40;
	v33 =	vpop (erf)  }
0x9e: {  	v26 =	vadd.f32 $2.000000000e+00, v33  }
0x9f: {  	v24 =	vmul.f32 $1.442695020e+00, v24  }
0xa0: {  	(erf) = vrcp.f32 v26  }
0xa1: {  	(erf) = vpow2.f32 v24;
	_ =	sdelay $0x2  }
0xa2: {  	[tilespmem:$0x1FF20] =	vst v50;
	v50 =	vld [tilespmem:$0x930];
	_ =	sdelay $0x4  }
0xa3: {  	v51 =	vand.u32 $0x7FFFFFFF, v50;
	v49 =	vpop (erf)  }
0xa4: {  	v24 =	vsub.f32 $0.0e+00, v51;
	v40 =	vpop (erf)  }
0xa5: {  	v54 =	vadd.f32 $2.000000000e+00, v40  }
0xa6: {  	v24 =	vmul.f32 $1.442695020e+00, v24  }
0xa7: {  	(erf) = vrcp.f32 v54  }
0xa8: {  	(erf) = vpow2.f32 v24;
	_ =	sdelay $0x2  }
0xa9: {  	v54 =	vld [tilespmem:$0x940];
	_ =	sdelay $0x4  }
0xaa: {  	[tilespmem:$0x1FF30] =	vst v57;
	v1 =	vand.u32 $0x7FFFFFFF, v54;
	v57 =	vpop (erf)  }
0xab: {  	[tilespmem:$0x1FF70] =	vst v39;
	v24 =	vsub.f32 $0.0e+00, v1;
	v39 =	vpop (erf)  }
0xac: {  	v2 =	vadd.f32 $2.000000000e+00, v39  }
0xad: {  	v24 =	vmul.f32 $1.442695020e+00, v24  }
0xae: {  	(erf) = vrcp.f32 v2  }
0xaf: {  	(erf) = vpow2.f32 v24;
	_ =	sdelay $0x2  }
0xb0: {  	[tilespmem:$0x1FF90] =	vst v57;
	v57 =	vld [tilespmem:$0x950];
	_ =	sdelay $0x4  }
0xb1: {  	v5 =	vand.u32 $0x7FFFFFFF, v57;
	v4 =	vpop (erf)  }
0xb2: {  	[tilespmem:$0x1FF60] =	vst v30;
	v24 =	vsub.f32 $0.0e+00, v5;
	v30 =	vpop (erf)  }
0xb3: {  	v32 =	vadd.f32 $2.000000000e+00, v30  }
0xb4: {  	v24 =	vmul.f32 $1.442695020e+00, v24  }
0xb5: {  	(erf) = vrcp.f32 v32  }
0xb6: {  	(erf) = vpow2.f32 v24;
	_ =	sdelay $0x2  }
0xb7: {  	[tilespmem:$0x1FF80] =	vst v49;
	v49 =	vld [tilespmem:$0x960];
	_ =	sdelay $0x4  }
0xb8: {  	[tilespmem:$0x1FFA0] =	vst v4;
	v4 =	vand.u32 $0x7FFFFFFF, v49;
	v51 =	vpop (erf)  }
0xb9: {  	v24 =	vsub.f32 $0.0e+00, v4;
	v32 =	vpop (erf)  }
0xba: {  	v5 =	vadd.f32 $2.000000000e+00, v32  }
0xbb: {  	v24 =	vmul.f32 $1.442695020e+00, v24  }
0xbc: {  	(erf) = vrcp.f32 v5  }
0xbd: {  	(erf) = vpow2.f32 v24;
	_ =	sdelay $0x2  }
0xbe: {  	[tilespmem:$0x1FFB0] =	vst v51;
	v51 =	vld [tilespmem:$0x970];
	_ =	sdelay $0x4  }
0xbf: {  	[tilespmem:$0x1FFF0] =	vst v49;
	v4 =	vand.u32 $0x7FFFFFFF, v51;
	v49 =	vpop (erf)  }
0xc0: {  	v5 =	vsub.f32 $0.0e+00, v4;
	v24 =	vpop (erf)  }
0xc1: {  	[tilespmem:$0x1FFC0] =	vst v49;
	v49 =	vadd.f32 $2.000000000e+00, v24  }
0xc2: {  	v26 =	vmul.f32 $1.442695020e+00, v5  }
0xc3: {  	(erf) = vrcp.f32 v49  }
0xc4: {  	(erf) = vpow2.f32 v26;
	_ =	sdelay $0x2  }
0xc5: {  	v49 =	vld [tilespmem:$0x980];
	_ =	sdelay $0x4  }
0xc6: {  	v2 =	vand.u32 $0x7FFFFFFF, v49;
	v26 =	vpop (erf)  }
0xc7: {  	v4 =	vsub.f32 $0.0e+00, v2;
	[tilespmem:$0x1FFD0] =	vst v26;
	v26 =	vpop (erf)  }
0xc8: {  	v5 =	vadd.f32 $2.000000000e+00, v26  }
0xc9: {  	v1 =	vmul.f32 $1.442695020e+00, v4  }
0xca: {  	v2 =	vmul.f32 v25, v43;
	(erf) = vrcp.f32 v5  }
0xcb: {  	(erf) = vpow2.f32 v1  }
0xcc: {  	v4 =	vmul.f32 v2, v2;
	_ =	sdelay $0x1  }
0xcd: {  	v5 =	vmul.f32 $2.000000030e-01, v4;
	_ =	sdelay $0x1  }
0xce: {  	v43 =	vld [tilespmem:$0x990];
	v25 =	vadd.f32 $3.333333430e-01, v5;
	_ =	sdelay $0x1  }
0xcf: {  	v34 =	vmul.f32 v34, v8  }
0xd0: {  	v5 =	vmul.f32 v6, v3;
	v0 =	vpop (erf)  }
0xd1: {  	v6 =	vmul.f32 v34, v34;
	v4 =	vmul.f32 v25, v4;
	v25 =	vpop (erf)  }
0xd2: {  	v35 =	vmul.f32 v35, v52;
	[tilespmem:$0x1FFE0] =	vst v0;
	v0 =	vand.u32 $0x7FFFFFFF, v43;
	v8 =	vadd.f32 $2.000000000e+00, v25  }
0xd3: {  	v52 =	vmul.f32 $2.000000030e-01, v6;
	v0 =	vsub.f32 $0.0e+00, v0  }
0xd4: {  	(erf) = vrcp.f32 v8;
	v8 =	vmul.f32 v35, v35  }
0xd5: {  	v7 =	vmul.f32 v14, v7;
	v52 =	vadd.f32 $3.333333430e-01, v52;
	v1 =	vmul.f32 $1.442695020e+00, v0  }
0xd6: {  	v3 =	vadd.f32 $1.000000000e+00, v4;
	v0 =	vmul.f32 v5, v5;
	v4 =	vmul.f32 $2.000000030e-01, v8  }
0xd7: {  	v2 =	vadd.f32 v2, v2;
	v14 =	vmul.f32 v52, v6;
	v6 =	vmul.f32 v7, v7  }
0xd8: {  	(erf) = vpow2.f32 v1;
	v1 =	vmul.f32 $2.000000030e-01, v0;
	v4 =	vadd.f32 $3.333333430e-01, v4  }
0xd9: {  	v27 =	vmax.f32 v27, $0.0e+00;
	v2 =	vmul.f32 v3, v2  }
0xda: {  	v52 =	vmul.f32 $2.000000030e-01, v6;
	v1 =	vadd.f32 $3.333333430e-01, v1;
	v4 =	vmul.f32 v4, v8;
	v8 =	vld [tilespmem:$0x9A0]  }
0xdb: {  	v3 =	vadd.f32 v34, v34;
	v27 =	vadd.f32 v2, v27  }
0xdc: {  	v34 =	vadd.f32 $3.333333430e-01, v52;
	v0 =	vmul.f32 v1, v0;
	v1 =	vadd.f32 $1.000000000e+00, v14  }
0xdd: {  	v14 =	vadd.f32 v35, v35;
	v4 =	vadd.f32 $1.000000000e+00, v4  }
0xde: {  	v5 =	vadd.f32 v5, v5;
	v0 =	vadd.f32 $1.000000000e+00, v0  }
0xdf: {  	v1 =	vmul.f32 v1, v3;
	v3 =	vmul.f32 v4, v14;
	v35 =	vand.u32 $0x7FFFFFFF, v8  }
0xe0: {  	v52 =	vpop (erf);
	v0 =	vmul.f32 v0, v5;
	v5 =	vmul.f32 v55, v46;
	v4 =	vsub.f32 $0.0e+00, v35  }
0xe1: {  	v2 =	vmul.f32 v34, v6;
	v6 =	vmul.f32 v9, v13;
	v46 =	vmax.f32 v16, $0.0e+00;
	v55 =	vpop (erf)  }
0xe2: {  	v16 =	vadd.f32 $2.000000000e+00, v55;
	v34 =	vmul.f32 $1.442695020e+00, v4;
	v4 =	vmul.f32 v5, v5  }
0xe3: {  	v9 =	vmul.f32 v44, v61;
	v13 =	vmul.f32 v6, v6;
	v2 =	vadd.f32 $1.000000000e+00, v2  }
0xe4: {  	v46 =	vadd.f32 v1, v46;
	(erf) = vrcp.f32 v16;
	v16 =	vmul.f32 $2.000000030e-01, v4  }
0xe5: {  	v35 =	vmax.f32 v28, $0.0e+00;
	(erf) = vpow2.f32 v34;
	v34 =	vadd.f32 v7, v7  }
0xe6: {  	v28 =	vadd.f32 v3, v35;
	v35 =	vmul.f32 $2.000000030e-01, v13;
	v1 =	vadd.f32 $3.333333430e-01, v16  }
0xe7: {  	v44 =	vmax.f32 v29, $0.0e+00;
	v61 =	vmul.f32 v2, v34;
	v34 =	vmul.f32 v9, v9  }
0xe8: {  	v14 =	vadd.f32 $3.333333430e-01, v35;
	v16 =	vld [tilespmem:$0x9B0];
	v2 =	vmul.f32 v62, v58;
	v1 =	vmul.f32 v1, v4  }
0xe9: {  	v29 =	vadd.f32 v0, v44;
	v44 =	vadd.f32 v5, v5;
	v58 =	vmul.f32 $2.000000030e-01, v34  }
0xea: {  	v35 =	vmul.f32 v14, v13;
	v13 =	vmul.f32 v2, v2;
	v1 =	vadd.f32 $1.000000000e+00, v1  }
0xeb: {  	v31 =	vmax.f32 v31, $0.0e+00;
	v5 =	vadd.f32 $3.333333430e-01, v58  }
0xec: {  	v31 =	vadd.f32 v61, v31;
	v3 =	vmul.f32 v1, v44;
	v44 =	vmul.f32 $2.000000030e-01, v13  }
0xed: {  	v61 =	vand.u32 $0x7FFFFFFF, v16;
	v4 =	vmul.f32 v5, v34;
	v5 =	vmul.f32 v59, v56  }
0xee: {  	v22 =	vmax.f32 v22, $0.0e+00;
	v7 =	vpop (erf);
	v62 =	vsub.f32 $0.0e+00, v61;
	v14 =	vadd.f32 $3.333333430e-01, v44  }
0xef: {  	v0 =	vadd.f32 $1.000000000e+00, v35;
	v35 =	vmul.f32 v63, v60;
	v1 =	vpop (erf);
	v60 =	vmul.f32 v5, v5  }
0xf0: {  	v58 =	vmul.f32 $1.442695020e+00, v62;
	v56 =	vadd.f32 $2.000000000e+00, v1;
	v61 =	vmul.f32 v14, v13  }
0xf1: {  	v6 =	vadd.f32 v6, v6;
	v62 =	vmul.f32 $2.000000030e-01, v60;
	v14 =	vmul.f32 v35, v35  }
0xf2: {  	v9 =	vadd.f32 v9, v9;
	v2 =	vadd.f32 v2, v2;
	(erf) = vrcp.f32 v56  }
0xf3: {  	(erf) = vpow2.f32 v58;
	v13 =	vadd.f32 $3.333333430e-01, v62;
	v56 =	vmul.f32 $2.000000030e-01, v14;
	v58 =	vld [tilespmem:$0x1FF20]  }
0xf4: {  	v6 =	vmul.f32 v0, v6;
	v59 =	vmax.f32 v21, $0.0e+00;
	v21 =	vld [tilespmem:$0x9C0];
	v4 =	vadd.f32 $1.000000000e+00, v4  }
0xf5: {  	v0 =	vadd.f32 v3, v59;
	v59 =	vmul.f32 v13, v60;
	v60 =	vadd.f32 $3.333333430e-01, v56  }
0xf6: {  	v3 =	vadd.f32 v6, v22;
	v5 =	vadd.f32 v5, v5;
	v4 =	vmul.f32 v4, v9  }
0xf7: {  	v35 =	vadd.f32 v35, v35;
	v63 =	vadd.f32 $1.000000000e+00, v61;
	v22 =	vmul.f32 v60, v14  }
0xf8: {  	v61 =	vmax.f32 v20, $0.0e+00;
	v62 =	vmax.f32 v23, $0.0e+00;
	v53 =	vmul.f32 v58, v53;
	v58 =	vld [tilespmem:$0x1FF30]  }
0xf9: {  	v2 =	vmul.f32 v63, v2;
	v56 =	vand.u32 $0x7FFFFFFF, v21;
	v9 =	vadd.f32 $1.000000000e+00, v59;
	v59 =	vld [tilespmem:$0x1FF40]  }
0xfa: {  	v6 =	vadd.f32 v4, v61;
	v13 =	vsub.f32 $0.0e+00, v56;
	v63 =	vmul.f32 v53, v53  }
0xfb: {  	v4 =	vadd.f32 v2, v62;
	v2 =	vadd.f32 $1.000000000e+00, v22;
	v22 =	vpop (erf)  }
0xfc: {  	v61 =	vmax.f32 v18, $0.0e+00;
	v13 =	vmul.f32 $1.442695020e+00, v13;
	v34 =	vmul.f32 $2.000000030e-01, v63;
	v20 =	vpop (erf)  }
0xfd: {  	v5 =	vmul.f32 v9, v5;
	v14 =	vmul.f32 v58, v45;
	v60 =	vadd.f32 $2.000000000e+00, v20  }
0xfe: {  	v2 =	vmul.f32 v2, v35;
	v44 =	vadd.f32 $3.333333430e-01, v34;
	v34 =	vmul.f32 v59, v48;
	v59 =	vld [tilespmem:$0x1FF50]  }
0xff: {  	v9 =	vadd.f32 v5, v61;
	v61 =	vld [tilespmem:$0x1FF60];
	v62 =	vmul.f32 v14, v14;
	(erf) = vrcp.f32 v60  }
0x100: {  	v17 =	vmax.f32 v17, $0.0e+00;
	v23 =	vmul.f32 v44, v63;
	v5 =	vmul.f32 v34, v34  }
0x101: {  	v53 =	vadd.f32 v53, v53;
	(erf) = vpow2.f32 v13;
	v48 =	vmul.f32 $2.000000030e-01, v62  }
0x102: {  	v18 =	vld [tilespmem:$0x9D0];
	v14 =	vadd.f32 v14, v14;
	v23 =	vadd.f32 $1.000000000e+00, v23;
	v56 =	vmul.f32 $2.000000030e-01, v5  }
0x103: {  	v63 =	vmax.f32 v19, $0.0e+00;
	v58 =	vadd.f32 $3.333333430e-01, v48;
	v13 =	vmul.f32 v59, v42  }
0x104: {  	v42 =	vmul.f32 v61, v47;
	v61 =	vld [tilespmem:$0x1FF70];
	v23 =	vmul.f32 v23, v53;
	v60 =	vadd.f32 $3.333333430e-01, v56  }
0x105: {  	v19 =	vadd.f32 v2, v63;
	v2 =	vmul.f32 v58, v62;
	v62 =	vmul.f32 v13, v13  }
0x106: {  	v34 =	vadd.f32 v34, v34;
	v63 =	vmul.f32 v42, v42;
	v5 =	vmul.f32 v60, v5  }
0x107: {  	v58 =	vand.u32 $0x7FFFFFFF, v18;
	v17 =	vadd.f32 v23, v17;
	v48 =	vmul.f32 $2.000000030e-01, v62  }
0x108: {  	v2 =	vadd.f32 $1.000000000e+00, v2;
	v53 =	vmul.f32 $2.000000030e-01, v63;
	v5 =	vadd.f32 $1.000000000e+00, v5  }
0x109: {  	v60 =	vsub.f32 $0.0e+00, v58;
	v35 =	vpop (erf);
	v37 =	vmul.f32 v61, v37;
	v56 =	vadd.f32 $3.333333430e-01, v48  }
0x10a: {  	v2 =	vmul.f32 v2, v14;
	v59 =	vadd.f32 $3.333333430e-01, v53;
	v23 =	vpop (erf);
	v5 =	vmul.f32 v5, v34  }
0x10b: {  	v61 =	vld [tilespmem:$0x1FF90];
	v48 =	vmul.f32 v37, v37;
	v14 =	vmul.f32 v56, v62;
	v62 =	vadd.f32 $2.000000000e+00, v23  }
0x10c: {  	v34 =	vmul.f32 v59, v63;
	v63 =	vmul.f32 $1.442695020e+00, v60;
	v60 =	vld [tilespmem:$0x1FF80]  }
0x10d: {  	v59 =	vmul.f32 $2.000000030e-01, v48;
	(erf) = vrcp.f32 v62  }
0x10e: {  	v15 =	vmax.f32 v15, $0.0e+00;
	v36 =	vmax.f32 v36, $0.0e+00;
	(erf) = vpow2.f32 v63  }
0x10f: {  	v38 =	vmax.f32 v38, $0.0e+00;
	v58 =	vadd.f32 v42, v42;
	v62 =	vadd.f32 $3.333333430e-01, v59  }
0x110: {  	v15 =	vadd.f32 v2, v15;
	v2 =	vld [tilespmem:$0x9E0];
	v56 =	vadd.f32 $1.000000000e+00, v34;
	v40 =	vmul.f32 v61, v40  }
0x111: {  	v11 =	vmax.f32 v11, $0.0e+00;
	v44 =	vmul.f32 v60, v33;
	v33 =	vmul.f32 v62, v48  }
0x112: {  	v13 =	vadd.f32 v13, v13;
	v34 =	vmul.f32 v56, v58;
	v63 =	vmul.f32 v40, v40;
	v56 =	vld [tilespmem:$0x1FFA0]  }
0x113: {  	v41 =	vmax.f32 v41, $0.0e+00;
	v53 =	vadd.f32 $1.000000000e+00, v14;
	v33 =	vadd.f32 $1.000000000e+00, v33  }
0x114: {  	v25 =	vmul.f32 v52, v25;
	v37 =	vadd.f32 v37, v37;
	v59 =	vmul.f32 $2.000000030e-01, v63  }
0x115: {  	v14 =	vadd.f32 v5, v36;
	v13 =	vmul.f32 v53, v13;
	v61 =	vand.u32 $0x7FFFFFFF, v2  }
0x116: {  	v48 =	vsub.f32 $0.0e+00, v61;
	v5 =	vmul.f32 v44, v44;
	v42 =	vadd.f32 $3.333333430e-01, v59;
	v47 =	vpop (erf)  }
0x117: {  	v10 =	vmax.f32 v10, $0.0e+00;
	v39 =	vmul.f32 v56, v39;
	v37 =	vmul.f32 v33, v37;
	v33 =	vpop (erf)  }
0x118: {  	v48 =	vmul.f32 $1.442695020e+00, v48;
	v56 =	vld [tilespmem:$0x1FFB0];
	v36 =	vmul.f32 v42, v63;
	v63 =	vadd.f32 $2.000000000e+00, v33  }
0x119: {  	v12 =	vmax.f32 v12, $0.0e+00;
	v58 =	vmul.f32 $2.000000030e-01, v5;
	v60 =	vmul.f32 v39, v39  }
0x11a: {  	v52 =	vmax.f32 v57, $0.0e+00;
	v13 =	vadd.f32 v13, v38;
	(erf) = vrcp.f32 v63  }
0x11b: {  	v38 =	vadd.f32 $3.333333430e-01, v58;
	v62 =	vmul.f32 $2.000000030e-01, v60;
	(erf) = vpow2.f32 v48  }
0x11c: {  	v57 =	vmax.f32 v51, $0.0e+00;
	v40 =	vadd.f32 v40, v40;
	v59 =	vadd.f32 v44, v44  }
0x11d: {  	v5 =	vmul.f32 v38, v5;
	v30 =	vmul.f32 v56, v30;
	v53 =	vadd.f32 $3.333333430e-01, v62  }
0x11e: {  	v7 =	vmul.f32 v7, v55;
	v37 =	vadd.f32 v37, v10;
	v10 =	vld [tilespmem:$0x9F0];
	v39 =	vadd.f32 v39, v39  }
0x11f: {  	v56 =	vld [tilespmem:$0x1FFD0];
	v5 =	vadd.f32 $1.000000000e+00, v5;
	v61 =	vmul.f32 v30, v30;
	v58 =	vmul.f32 v53, v60  }
0x120: {  	v1 =	vmul.f32 v22, v1;
	v11 =	vadd.f32 v34, v11;
	v36 =	vadd.f32 $1.000000000e+00, v36;
	v60 =	vld [tilespmem:$0x1FFC0]  }
0x121: {  	v5 =	vmul.f32 v5, v59;
	v59 =	vld [tilespmem:$0x1FFE0];
	v62 =	vmul.f32 $2.000000030e-01, v61;
	v34 =	vadd.f32 $1.000000000e+00, v58  }
0x122: {  	v8 =	vmax.f32 v8, $0.0e+00;
	v20 =	vmul.f32 v35, v20;
	v36 =	vmul.f32 v36, v40  }
0x123: {  	v58 =	vand.u32 $0x7FFFFFFF, v10;
	v38 =	vadd.f32 $3.333333430e-01, v62;
	v34 =	vmul.f32 v34, v39;
	v39 =	vpop (erf)  }
0x124: {  	v5 =	vadd.f32 v5, v41;
	v24 =	vmul.f32 v56, v24;
	v41 =	vsub.f32 $0.0e+00, v58;
	v42 =	vpop (erf)  }
0x125: {  	v32 =	vmul.f32 v60, v32;
	v48 =	vmul.f32 v38, v61;
	v61 =	vadd.f32 $2.000000000e+00, v42  }
0x126: {  	v12 =	vadd.f32 v36, v12;
	v26 =	vmul.f32 v59, v26;
	v41 =	vmul.f32 $1.442695020e+00, v41  }
0x127: {  	v30 =	vadd.f32 v30, v30;
	v60 =	vmul.f32 v24, v24;
	(erf) = vrcp.f32 v61  }
0x128: {  	v58 =	vmax.f32 v50, $0.0e+00;
	v63 =	vmul.f32 v32, v32;
	(erf) = vpow2.f32 v41  }
0x129: {  	v59 =	vmul.f32 v25, v25;
	v36 =	vadd.f32 $1.000000000e+00, v48;
	v33 =	vmul.f32 v39, v33  }
0x12a: {  	v24 =	vadd.f32 v24, v24;
	v62 =	vmul.f32 v26, v26;
	v45 =	vmul.f32 $2.000000030e-01, v63  }
0x12b: {  	v25 =	vadd.f32 v25, v25;
	v30 =	vmul.f32 v36, v30;
	v39 =	vmul.f32 v33, v33  }
0x12c: {  	v44 =	vmax.f32 v54, $0.0e+00;
	v34 =	vadd.f32 v34, v58;
	v53 =	vadd.f32 $3.333333430e-01, v45  }
0x12d: {  	[tilespmem:$0x820] =	vst v28;
	v48 =	vmul.f32 $2.000000030e-01, v62;
	v28 =	vadd.f32 v30, v44;
	v44 =	vmul.f32 $2.000000030e-01, v39  }
0x12e: {  	v32 =	vadd.f32 v32, v32;
	v38 =	vmul.f32 v53, v63;
	v63 =	vmul.f32 $2.000000030e-01, v60  }
0x12f: {  	[tilespmem:$0x810] =	vst v46;
	v26 =	vadd.f32 v26, v26;
	v56 =	vadd.f32 $3.333333430e-01, v48;
	v48 =	vmul.f32 v1, v1  }
0x130: {  	[tilespmem:$0x8E0] =	vst v13;
	v61 =	vmul.f32 $2.000000030e-01, v59;
	v13 =	vadd.f32 $3.333333430e-01, v44;
	v53 =	vadd.f32 $3.333333430e-01, v63;
	v46 =	vpop (erf)  }
0x131: {  	v1 =	vadd.f32 v1, v1;
	v55 =	vmul.f32 $2.000000030e-01, v48;
	v38 =	vadd.f32 $1.000000000e+00, v38;
	v50 =	vpop (erf)  }
0x132: {  	[tilespmem:$0x800] =	vst v27;
	v51 =	vmul.f32 v13, v39;
	v36 =	vmul.f32 v53, v60;
	v53 =	vadd.f32 $2.000000000e+00, v50  }
0x133: {  	[tilespmem:$0x830] =	vst v29;
	v63 =	vadd.f32 $3.333333430e-01, v61;
	v32 =	vmul.f32 v38, v32;
	v38 =	vmul.f32 v56, v62  }
0x134: {  	[tilespmem:$0x840] =	vst v31;
	v31 =	vadd.f32 $3.333333430e-01, v55;
	v60 =	vmul.f32 v7, v7;
	(erf) = vrcp.f32 v53  }
0x135: {  	[tilespmem:$0x850] =	vst v0;
	v41 =	vadd.f32 v20, v20;
	v22 =	vmul.f32 v63, v59;
	v59 =	vmul.f32 v20, v20  }
0x136: {  	[tilespmem:$0x860] =	vst v3;
	v56 =	vld [tilespmem:$0x1FFF0];
	v61 =	vmul.f32 v31, v48;
	v7 =	vadd.f32 v7, v7;
	v63 =	vmul.f32 v47, v23  }
0x137: {  	[tilespmem:$0x870] =	vst v6;
	v55 =	vadd.f32 $1.000000000e+00, v51;
	v36 =	vadd.f32 $1.000000000e+00, v36;
	v62 =	vmul.f32 $2.000000030e-01, v60  }
0x138: {  	[tilespmem:$0x880] =	vst v4;
	v31 =	vmax.f32 v43, $0.0e+00;
	v38 =	vadd.f32 $1.000000000e+00, v38;
	v54 =	vadd.f32 v32, v52  }
0x139: {  	[tilespmem:$0x890] =	vst v9;
	v22 =	vadd.f32 $1.000000000e+00, v22;
	v32 =	vmul.f32 v63, v63;
	v45 =	vadd.f32 $3.333333430e-01, v62  }
0x13a: {  	v24 =	vmul.f32 v36, v24;
	v26 =	vmul.f32 v38, v26;
	[tilespmem:$0x950] =	vst v54;
	v54 =	vadd.f32 v63, v63  }
0x13b: {  	[tilespmem:$0x8A0] =	vst v19;
	v3 =	vmax.f32 v56, $0.0e+00;
	v56 =	vadd.f32 v33, v33;
	v36 =	vmul.f32 v45, v60  }
0x13c: {  	[tilespmem:$0x8B0] =	vst v17;
	v35 =	vmul.f32 $2.000000030e-01, v32;
	v3 =	vadd.f32 v24, v3;
	v58 =	vadd.f32 v26, v57  }
0x13d: {  	[tilespmem:$0x8C0] =	vst v15;
	v60 =	vmul.f32 v22, v25;
	v62 =	vadd.f32 $1.000000000e+00, v36;
	v36 =	vmul.f32 v46, v42;
	v38 =	vpop (erf)  }
0x13e: {  	[tilespmem:$0x8D0] =	vst v14;
	v25 =	vmul.f32 $2.000000030e-01, v59;
	v26 =	vmax.f32 v49, $0.0e+00;
	v40 =	vmul.f32 v38, v50  }
0x13f: {  	[tilespmem:$0x8F0] =	vst v11;
	v22 =	vadd.f32 $1.000000000e+00, v61;
	v43 =	vadd.f32 $3.333333430e-01, v35;
	v42 =	vmul.f32 v36, v36  }
0x140: {  	[tilespmem:$0x900] =	vst v37;
	v61 =	vmax.f32 v18, $0.0e+00;
	v4 =	vmul.f32 v55, v56;
	v45 =	vmul.f32 v40, v40  }
0x141: {  	[tilespmem:$0x920] =	vst v12;
	v9 =	vadd.f32 v60, v26;
	v29 =	vadd.f32 $3.333333430e-01, v25;
	v47 =	vmul.f32 $2.000000030e-01, v42  }
0x142: {  	[tilespmem:$0x910] =	vst v5;
	v1 =	vmul.f32 v22, v1;
	v46 =	vmax.f32 v16, $0.0e+00;
	v48 =	vmul.f32 $2.000000030e-01, v45  }
0x143: {  	[tilespmem:$0x930] =	vst v34;
	v5 =	vmul.f32 v43, v32;
	v6 =	vmul.f32 v29, v59;
	v49 =	vadd.f32 $3.333333430e-01, v47  }
0x144: {  	[tilespmem:$0x940] =	vst v28;
	v7 =	vmul.f32 v62, v7;
	v1 =	vadd.f32 v1, v8;
	v52 =	vadd.f32 $3.333333430e-01, v48  }
0x145: {  	[tilespmem:$0x970] =	vst v58;
	v58 =	vadd.f32 v36, v36;
	v6 =	vadd.f32 $1.000000000e+00, v6;
	v12 =	vmul.f32 v49, v42  }
0x146: {  	[tilespmem:$0x960] =	vst v3;
	v7 =	vadd.f32 v7, v31;
	v50 =	vadd.f32 $1.000000000e+00, v5;
	v8 =	vmul.f32 v52, v45  }
0x147: {  	[tilespmem:$0x9A0] =	vst v1;
	v1 =	vadd.f32 v4, v61;
	v6 =	vmul.f32 v6, v41;
	v57 =	vadd.f32 $1.000000000e+00, v12  }
0x148: {  	[tilespmem:$0x980] =	vst v9;
	v0 =	vmul.f32 v50, v54;
	v60 =	vadd.f32 v40, v40;
	v59 =	vadd.f32 $1.000000000e+00, v8  }
0x149: {  	v53 =	vmax.f32 v21, $0.0e+00;
	[tilespmem:$0x990] =	vst v7;
	v6 =	vadd.f32 v6, v46;
	v62 =	vmul.f32 v57, v58  }
0x14a: {  	v2 =	vmax.f32 v2, $0.0e+00;
	[tilespmem:$0x9D0] =	vst v1;
	v0 =	vadd.f32 v0, v53;
	v63 =	vmul.f32 v59, v60  }
0x14b: {  	[tilespmem:$0x9B0] =	vst v6;
	v7 =	vadd.f32 v62, v2;
	v8 =	vmax.f32 v10, $0.0e+00  }
0x14c: {  	[tilespmem:$0x9C0] =	vst v0;
	v9 =	vadd.f32 v63, v8  }
0x14d: {  	[tilespmem:$0x9E0] =	vst v7  }
0x14e: {  	[tilespmem:$0x9F0] =	vst v9  }
0x14f: {  	_ =	swait.ge [sflag:s16], $0x200  }
0x150: {  	[sflag:s16] =	ssyncset.done $0x0  }
0x151: {  	[sflag:s16] =	ssyncadd.s32 $0xFFFFFE00  }
0x152: {  	_ =	swait.ge [sflag:s16], $0x200  }
0x153: {  	[sflag:s16] =	ssyncset.done $0x0  }
0x154: {  	[sflag:s16] =	ssyncadd.s32 $0xFFFFFE00  }
0x155: {  	v10 =	vld [tilespmem:$0x400]  }
0x156: {  	v11 =	vld [tilespmem:$0x600];
	_ =	sdelay $0x4  }
0x157: {  	v0 =	vsub.f32 v10, v11;
	_ =	sdelay $0x1  }
0x158: {  	v0 =	vmul.f32 v0, v27;
	_ =	sdelay $0x1  }
0x159: {  	v0 =	vsub.f32 $0.0e+00, v0;
	_ =	sdelay $0x1  }
0x15a: {  	v0 =	vmul.f32 $1.442695020e+00, v0  }
0x15b: {  	v12 =	vld [tilespmem:$0x410]  }
0x15c: {  	v13 =	vld [tilespmem:$0x610];
	(erf) = vpow2.f32 v0;
	_ =	sdelay $0x1  }
0x15d: {  	v14 =	vld [tilespmem:$0x810];
	_ =	sdelay $0x2  }
0x15e: {  	v0 =	vsub.f32 v12, v13;
	_ =	sdelay $0x1  }
0x15f: {  	v0 =	vmul.f32 v0, v14;
	_ =	sdelay $0x1  }
0x160: {  	v0 =	vsub.f32 $0.0e+00, v0;
	v15 =	vpop (erf)  }
0x161: {  	v1 =	vadd.f32 $1.000000000e+00, v15  }
0x162: {  	v16 =	vld [tilespmem:$0x420];
	v0 =	vmul.f32 $1.442695020e+00, v0  }
0x163: {  	v17 =	vld [tilespmem:$0x620];
	(erf) = vrcp.f32 v1  }
0x164: {  	(erf) = vpow2.f32 v0;
	_ =	sdelay $0x1  }
0x165: {  	v18 =	vld [tilespmem:$0x820];
	_ =	sdelay $0x1  }
0x166: {  	v0 =	vsub.f32 v16, v17;
	_ =	sdelay $0x2  }
0x167: {  	v1 =	vmul.f32 v0, v18  }
0x168: {  	v0 =	vpop (erf)  }
0x169: {  	v1 =	vsub.f32 $0.0e+00, v1;
	v19 =	vpop (erf)  }
0x16a: {  	v2 =	vadd.f32 $1.000000000e+00, v19  }
0x16b: {  	v20 =	vld [tilespmem:$0x430];
	v1 =	vmul.f32 $1.442695020e+00, v1  }
0x16c: {  	v21 =	vld [tilespmem:$0x630];
	(erf) = vrcp.f32 v2  }
0x16d: {  	(erf) = vpow2.f32 v1;
	_ =	sdelay $0x1  }
0x16e: {  	v22 =	vld [tilespmem:$0x830];
	_ =	sdelay $0x1  }
0x16f: {  	v1 =	vsub.f32 v20, v21;
	_ =	sdelay $0x2  }
0x170: {  	v2 =	vmul.f32 v1, v22  }
0x171: {  	v1 =	vpop (erf)  }
0x172: {  	v2 =	vsub.f32 $0.0e+00, v2;
	v23 =	vpop (erf)  }
0x173: {  	v3 =	vadd.f32 $1.000000000e+00, v23  }
0x174: {  	v24 =	vld [tilespmem:$0x440];
	v2 =	vmul.f32 $1.442695020e+00, v2  }
0x175: {  	v25 =	vld [tilespmem:$0x640];
	(erf) = vrcp.f32 v3  }
0x176: {  	(erf) = vpow2.f32 v2;
	_ =	sdelay $0x1  }
0x177: {  	v26 =	vld [tilespmem:$0x840];
	_ =	sdelay $0x1  }
0x178: {  	v2 =	vsub.f32 v24, v25;
	_ =	sdelay $0x2  }
0x179: {  	v3 =	vmul.f32 v2, v26  }
0x17a: {  	v2 =	vpop (erf)  }
0x17b: {  	v3 =	vsub.f32 $0.0e+00, v3;
	v27 =	vpop (erf)  }
0x17c: {  	v4 =	vadd.f32 $1.000000000e+00, v27  }
0x17d: {  	v28 =	vld [tilespmem:$0x450];
	v3 =	vmul.f32 $1.442695020e+00, v3  }
0x17e: {  	v29 =	vld [tilespmem:$0x650];
	(erf) = vrcp.f32 v4  }
0x17f: {  	(erf) = vpow2.f32 v3;
	_ =	sdelay $0x1  }
0x180: {  	v30 =	vld [tilespmem:$0x850];
	_ =	sdelay $0x1  }
0x181: {  	v3 =	vsub.f32 v28, v29;
	_ =	sdelay $0x2  }
0x182: {  	v4 =	vmul.f32 v3, v30  }
0x183: {  	v3 =	vpop (erf)  }
0x184: {  	v4 =	vsub.f32 $0.0e+00, v4;
	v31 =	vpop (erf)  }
0x185: {  	v5 =	vadd.f32 $1.000000000e+00, v31  }
0x186: {  	v32 =	vld [tilespmem:$0x460];
	v4 =	vmul.f32 $1.442695020e+00, v4  }
0x187: {  	v33 =	vld [tilespmem:$0x660];
	(erf) = vrcp.f32 v5  }
0x188: {  	(erf) = vpow2.f32 v4;
	_ =	sdelay $0x1  }
0x189: {  	v34 =	vld [tilespmem:$0x860];
	_ =	sdelay $0x1  }
0x18a: {  	v4 =	vsub.f32 v32, v33;
	_ =	sdelay $0x2  }
0x18b: {  	v5 =	vmul.f32 v4, v34  }
0x18c: {  	v4 =	vpop (erf)  }
0x18d: {  	v5 =	vsub.f32 $0.0e+00, v5;
	v35 =	vpop (erf)  }
0x18e: {  	v6 =	vadd.f32 $1.000000000e+00, v35  }
0x18f: {  	v36 =	vld [tilespmem:$0x470];
	v5 =	vmul.f32 $1.442695020e+00, v5  }
0x190: {  	v37 =	vld [tilespmem:$0x670];
	(erf) = vrcp.f32 v6  }
0x191: {  	(erf) = vpow2.f32 v5;
	_ =	sdelay $0x1  }
0x192: {  	v38 =	vld [tilespmem:$0x870];
	_ =	sdelay $0x1  }
0x193: {  	v5 =	vsub.f32 v36, v37;
	_ =	sdelay $0x2  }
0x194: {  	v6 =	vmul.f32 v5, v38  }
0x195: {  	v5 =	vpop (erf)  }
0x196: {  	v6 =	vsub.f32 $0.0e+00, v6;
	v39 =	vpop (erf)  }
0x197: {  	v7 =	vadd.f32 $1.000000000e+00, v39  }
0x198: {  	v40 =	vld [tilespmem:$0x480];
	v6 =	vmul.f32 $1.442695020e+00, v6  }
0x199: {  	v41 =	vld [tilespmem:$0x680];
	(erf) = vrcp.f32 v7  }
0x19a: {  	(erf) = vpow2.f32 v6;
	_ =	sdelay $0x1  }
0x19b: {  	v42 =	vld [tilespmem:$0x880];
	_ =	sdelay $0x1  }
0x19c: {  	v6 =	vsub.f32 v40, v41;
	_ =	sdelay $0x2  }
0x19d: {  	v7 =	vmul.f32 v6, v42  }
0x19e: {  	v6 =	vpop (erf)  }
0x19f: {  	v7 =	vsub.f32 $0.0e+00, v7;
	v43 =	vpop (erf)  }
0x1a0: {  	v8 =	vadd.f32 $1.000000000e+00, v43  }
0x1a1: {  	v44 =	vld [tilespmem:$0x490];
	v7 =	vmul.f32 $1.442695020e+00, v7  }
0x1a2: {  	v45 =	vld [tilespmem:$0x690];
	(erf) = vrcp.f32 v8  }
0x1a3: {  	(erf) = vpow2.f32 v7;
	_ =	sdelay $0x1  }
0x1a4: {  	v46 =	vld [tilespmem:$0x890];
	_ =	sdelay $0x1  }
0x1a5: {  	v7 =	vsub.f32 v44, v45;
	_ =	sdelay $0x2  }
0x1a6: {  	v8 =	vmul.f32 v7, v46  }
0x1a7: {  	v7 =	vpop (erf)  }
0x1a8: {  	v8 =	vsub.f32 $0.0e+00, v8;
	v47 =	vpop (erf)  }
0x1a9: {  	v9 =	vadd.f32 $1.000000000e+00, v47  }
0x1aa: {  	v48 =	vld [tilespmem:$0x4A0];
	v8 =	vmul.f32 $1.442695020e+00, v8  }
0x1ab: {  	v49 =	vld [tilespmem:$0x6A0];
	(erf) = vrcp.f32 v9  }
0x1ac: {  	(erf) = vpow2.f32 v8;
	_ =	sdelay $0x1  }
0x1ad: {  	v50 =	vld [tilespmem:$0x8A0];
	_ =	sdelay $0x1  }
0x1ae: {  	v8 =	vsub.f32 v48, v49;
	_ =	sdelay $0x2  }
0x1af: {  	v9 =	vmul.f32 v8, v50  }
0x1b0: {  	v8 =	vpop (erf)  }
0x1b1: {  	v9 =	vsub.f32 $0.0e+00, v9;
	v51 =	vpop (erf)  }
0x1b2: {  	v10 =	vadd.f32 $1.000000000e+00, v51  }
0x1b3: {  	v52 =	vld [tilespmem:$0x4B0];
	v9 =	vmul.f32 $1.442695020e+00, v9  }
0x1b4: {  	v53 =	vld [tilespmem:$0x6B0];
	(erf) = vrcp.f32 v10  }
0x1b5: {  	(erf) = vpow2.f32 v9;
	_ =	sdelay $0x1  }
0x1b6: {  	v54 =	vld [tilespmem:$0x8B0];
	_ =	sdelay $0x1  }
0x1b7: {  	v9 =	vsub.f32 v52, v53;
	_ =	sdelay $0x2  }
0x1b8: {  	v10 =	vmul.f32 v9, v54  }
0x1b9: {  	v9 =	vpop (erf)  }
0x1ba: {  	v10 =	vsub.f32 $0.0e+00, v10;
	v55 =	vpop (erf)  }
0x1bb: {  	v11 =	vadd.f32 $1.000000000e+00, v55  }
0x1bc: {  	v56 =	vld [tilespmem:$0x4C0];
	v10 =	vmul.f32 $1.442695020e+00, v10  }
0x1bd: {  	v57 =	vld [tilespmem:$0x6C0];
	(erf) = vrcp.f32 v11  }
0x1be: {  	(erf) = vpow2.f32 v10;
	_ =	sdelay $0x1  }
0x1bf: {  	v58 =	vld [tilespmem:$0x8C0];
	_ =	sdelay $0x1  }
0x1c0: {  	v10 =	vsub.f32 v56, v57;
	_ =	sdelay $0x2  }
0x1c1: {  	v11 =	vmul.f32 v10, v58  }
0x1c2: {  	v10 =	vpop (erf)  }
0x1c3: {  	v11 =	vsub.f32 $0.0e+00, v11;
	v59 =	vpop (erf)  }
0x1c4: {  	v12 =	vadd.f32 $1.000000000e+00, v59  }
0x1c5: {  	v60 =	vld [tilespmem:$0x4D0];
	v11 =	vmul.f32 $1.442695020e+00, v11  }
0x1c6: {  	v61 =	vld [tilespmem:$0x6D0];
	(erf) = vrcp.f32 v12  }
0x1c7: {  	(erf) = vpow2.f32 v11;
	_ =	sdelay $0x1  }
0x1c8: {  	v62 =	vld [tilespmem:$0x8D0];
	_ =	sdelay $0x1  }
0x1c9: {  	v11 =	vsub.f32 v60, v61;
	_ =	sdelay $0x2  }
0x1ca: {  	v12 =	vmul.f32 v11, v62  }
0x1cb: {  	v11 =	vpop (erf)  }
0x1cc: {  	v12 =	vsub.f32 $0.0e+00, v12;
	v63 =	vpop (erf)  }
0x1cd: {  	v13 =	vadd.f32 $1.000000000e+00, v63  }
0x1ce: {  	v16 =	vld [tilespmem:$0x4E0];
	v12 =	vmul.f32 $1.442695020e+00, v12  }
0x1cf: {  	v17 =	vld [tilespmem:$0x6E0];
	(erf) = vrcp.f32 v13  }
0x1d0: {  	(erf) = vpow2.f32 v12;
	_ =	sdelay $0x1  }
0x1d1: {  	v18 =	vld [tilespmem:$0x8E0];
	_ =	sdelay $0x1  }
0x1d2: {  	v12 =	vsub.f32 v16, v17;
	_ =	sdelay $0x2  }
0x1d3: {  	v13 =	vmul.f32 v12, v18  }
0x1d4: {  	v12 =	vpop (erf)  }
0x1d5: {  	v13 =	vsub.f32 $0.0e+00, v13;
	v19 =	vpop (erf)  }
0x1d6: {  	v14 =	vadd.f32 $1.000000000e+00, v19  }
0x1d7: {  	v20 =	vld [tilespmem:$0x4F0];
	v13 =	vmul.f32 $1.442695020e+00, v13  }
0x1d8: {  	v21 =	vld [tilespmem:$0x6F0];
	(erf) = vrcp.f32 v14  }
0x1d9: {  	(erf) = vpow2.f32 v13;
	_ =	sdelay $0x1  }
0x1da: {  	v22 =	vld [tilespmem:$0x8F0];
	_ =	sdelay $0x1  }
0x1db: {  	v13 =	vsub.f32 v20, v21;
	_ =	sdelay $0x2  }
0x1dc: {  	v14 =	vmul.f32 v13, v22  }
0x1dd: {  	v13 =	vpop (erf)  }
0x1de: {  	v14 =	vsub.f32 $0.0e+00, v14;
	v23 =	vpop (erf)  }
0x1df: {  	v15 =	vadd.f32 $1.000000000e+00, v23  }
0x1e0: {  	v24 =	vld [tilespmem:$0x500];
	v14 =	vmul.f32 $1.442695020e+00, v14  }
0x1e1: {  	v25 =	vld [tilespmem:$0x700];
	(erf) = vrcp.f32 v15  }
0x1e2: {  	(erf) = vpow2.f32 v14;
	_ =	sdelay $0x1  }
0x1e3: {  	v26 =	vld [tilespmem:$0x900];
	_ =	sdelay $0x1  }
0x1e4: {  	v14 =	vsub.f32 v24, v25;
	_ =	sdelay $0x2  }
0x1e5: {  	v15 =	vmul.f32 v14, v26  }
0x1e6: {  	v14 =	vpop (erf)  }
0x1e7: {  	v15 =	vsub.f32 $0.0e+00, v15;
	v27 =	vpop (erf)  }
0x1e8: {  	v16 =	vadd.f32 $1.000000000e+00, v27  }
0x1e9: {  	v28 =	vld [tilespmem:$0x510];
	v15 =	vmul.f32 $1.442695020e+00, v15  }
0x1ea: {  	v29 =	vld [tilespmem:$0x710];
	(erf) = vrcp.f32 v16  }
0x1eb: {  	(erf) = vpow2.f32 v15;
	_ =	sdelay $0x1  }
0x1ec: {  	v30 =	vld [tilespmem:$0x910];
	_ =	sdelay $0x1  }
0x1ed: {  	v15 =	vsub.f32 v28, v29;
	_ =	sdelay $0x2  }
0x1ee: {  	v16 =	vmul.f32 v15, v30  }
0x1ef: {  	v15 =	vpop (erf)  }
0x1f0: {  	v16 =	vsub.f32 $0.0e+00, v16;
	v31 =	vpop (erf)  }
0x1f1: {  	v17 =	vadd.f32 $1.000000000e+00, v31  }
0x1f2: {  	v32 =	vld [tilespmem:$0x520];
	v16 =	vmul.f32 $1.442695020e+00, v16  }
0x1f3: {  	v33 =	vld [tilespmem:$0x720];
	(erf) = vrcp.f32 v17  }
0x1f4: {  	(erf) = vpow2.f32 v16;
	_ =	sdelay $0x1  }
0x1f5: {  	v34 =	vld [tilespmem:$0x920];
	_ =	sdelay $0x1  }
0x1f6: {  	v16 =	vsub.f32 v32, v33;
	_ =	sdelay $0x2  }
0x1f7: {  	v17 =	vmul.f32 v16, v34  }
0x1f8: {  	v16 =	vpop (erf)  }
0x1f9: {  	v17 =	vsub.f32 $0.0e+00, v17;
	v35 =	vpop (erf)  }
0x1fa: {  	v18 =	vadd.f32 $1.000000000e+00, v35  }
0x1fb: {  	v36 =	vld [tilespmem:$0x530];
	v17 =	vmul.f32 $1.442695020e+00, v17  }
0x1fc: {  	v37 =	vld [tilespmem:$0x730];
	(erf) = vrcp.f32 v18  }
0x1fd: {  	(erf) = vpow2.f32 v17;
	_ =	sdelay $0x1  }
0x1fe: {  	v38 =	vld [tilespmem:$0x930];
	_ =	sdelay $0x1  }
0x1ff: {  	v17 =	vsub.f32 v36, v37;
	_ =	sdelay $0x2  }
0x200: {  	v18 =	vmul.f32 v17, v38  }
0x201: {  	v17 =	vpop (erf)  }
0x202: {  	v18 =	vsub.f32 $0.0e+00, v18;
	v39 =	vpop (erf)  }
0x203: {  	v19 =	vadd.f32 $1.000000000e+00, v39  }
0x204: {  	v40 =	vld [tilespmem:$0x540];
	v18 =	vmul.f32 $1.442695020e+00, v18  }
0x205: {  	v41 =	vld [tilespmem:$0x740];
	(erf) = vrcp.f32 v19  }
0x206: {  	(erf) = vpow2.f32 v18;
	_ =	sdelay $0x1  }
0x207: {  	v42 =	vld [tilespmem:$0x940];
	_ =	sdelay $0x1  }
0x208: {  	v18 =	vsub.f32 v40, v41;
	_ =	sdelay $0x2  }
0x209: {  	v19 =	vmul.f32 v18, v42  }
0x20a: {  	v18 =	vpop (erf)  }
0x20b: {  	v19 =	vsub.f32 $0.0e+00, v19;
	v43 =	vpop (erf)  }
0x20c: {  	v20 =	vadd.f32 $1.000000000e+00, v43  }
0x20d: {  	v44 =	vld [tilespmem:$0x550];
	v19 =	vmul.f32 $1.442695020e+00, v19  }
0x20e: {  	v45 =	vld [tilespmem:$0x750];
	(erf) = vrcp.f32 v20  }
0x20f: {  	(erf) = vpow2.f32 v19;
	_ =	sdelay $0x1  }
0x210: {  	v46 =	vld [tilespmem:$0x950];
	_ =	sdelay $0x1  }
0x211: {  	v19 =	vsub.f32 v44, v45;
	_ =	sdelay $0x2  }
0x212: {  	v20 =	vmul.f32 v19, v46  }
0x213: {  	v19 =	vpop (erf)  }
0x214: {  	v20 =	vsub.f32 $0.0e+00, v20;
	v47 =	vpop (erf)  }
0x215: {  	v21 =	vadd.f32 $1.000000000e+00, v47  }
0x216: {  	v48 =	vld [tilespmem:$0x560];
	v20 =	vmul.f32 $1.442695020e+00, v20  }
0x217: {  	v49 =	vld [tilespmem:$0x760];
	(erf) = vrcp.f32 v21  }
0x218: {  	(erf) = vpow2.f32 v20;
	_ =	sdelay $0x1  }
0x219: {  	v50 =	vld [tilespmem:$0x960];
	_ =	sdelay $0x1  }
0x21a: {  	v20 =	vsub.f32 v48, v49;
	_ =	sdelay $0x2  }
0x21b: {  	v21 =	vmul.f32 v20, v50  }
0x21c: {  	v20 =	vpop (erf)  }
0x21d: {  	v21 =	vsub.f32 $0.0e+00, v21;
	v51 =	vpop (erf)  }
0x21e: {  	v22 =	vadd.f32 $1.000000000e+00, v51  }
0x21f: {  	v21 =	vmul.f32 $1.442695020e+00, v21  }
0x220: {  	v52 =	vld [tilespmem:$0x570];
	(erf) = vrcp.f32 v22  }
0x221: {  	v53 =	vld [tilespmem:$0x770];
	(erf) = vpow2.f32 v21;
	_ =	sdelay $0x1  }
0x222: {  	v54 =	vld [tilespmem:$0x970];
	_ =	sdelay $0x2  }
0x223: {  	v21 =	vsub.f32 v52, v53;
	_ =	sdelay $0x1  }
0x224: {  	v21 =	vmul.f32 v21, v54  }
0x225: {  	v22 =	vpop (erf)  }
0x226: {  	v21 =	vsub.f32 $0.0e+00, v21;
	v55 =	vpop (erf)  }
0x227: {  	v23 =	vadd.f32 $1.000000000e+00, v55  }
0x228: {  	v21 =	vmul.f32 $1.442695020e+00, v21  }
0x229: {  	v56 =	vld [tilespmem:$0x580];
	(erf) = vrcp.f32 v23  }
0x22a: {  	v57 =	vld [tilespmem:$0x780];
	(erf) = vpow2.f32 v21;
	_ =	sdelay $0x1  }
0x22b: {  	v58 =	vld [tilespmem:$0x980];
	_ =	sdelay $0x2  }
0x22c: {  	v21 =	vsub.f32 v56, v57;
	_ =	sdelay $0x1  }
0x22d: {  	v21 =	vmul.f32 v21, v58  }
0x22e: {  	v23 =	vpop (erf)  }
0x22f: {  	v21 =	vsub.f32 $0.0e+00, v21;
	v59 =	vpop (erf)  }
0x230: {  	v24 =	vadd.f32 $1.000000000e+00, v59  }
0x231: {  	v21 =	vmul.f32 $1.442695020e+00, v21  }
0x232: {  	v60 =	vld [tilespmem:$0x590];
	(erf) = vrcp.f32 v24  }
0x233: {  	v61 =	vld [tilespmem:$0x790];
	(erf) = vpow2.f32 v21;
	_ =	sdelay $0x1  }
0x234: {  	v62 =	vld [tilespmem:$0x990];
	_ =	sdelay $0x2  }
0x235: {  	v21 =	vsub.f32 v60, v61;
	_ =	sdelay $0x1  }
0x236: {  	v21 =	vmul.f32 v21, v62  }
0x237: {  	v63 =	vpop (erf)  }
0x238: {  	v21 =	vsub.f32 $0.0e+00, v21;
	v29 =	vpop (erf)  }
0x239: {  	v25 =	vadd.f32 $1.000000000e+00, v29  }
0x23a: {  	v21 =	vmul.f32 $1.442695020e+00, v21  }
0x23b: {  	v30 =	vld [tilespmem:$0x5A0];
	(erf) = vrcp.f32 v25  }
0x23c: {  	v31 =	vld [tilespmem:$0x7A0];
	(erf) = vpow2.f32 v21;
	_ =	sdelay $0x1  }
0x23d: {  	v32 =	vld [tilespmem:$0x9A0];
	_ =	sdelay $0x2  }
0x23e: {  	v21 =	vsub.f32 v30, v31;
	_ =	sdelay $0x1  }
0x23f: {  	v21 =	vmul.f32 v21, v32  }
0x240: {  	v33 =	vpop (erf)  }
0x241: {  	v21 =	vsub.f32 $0.0e+00, v21;
	v34 =	vpop (erf)  }
0x242: {  	v26 =	vadd.f32 $1.000000000e+00, v34  }
0x243: {  	v21 =	vmul.f32 $1.442695020e+00, v21  }
0x244: {  	v35 =	vld [tilespmem:$0x5B0];
	(erf) = vrcp.f32 v26  }
0x245: {  	v36 =	vld [tilespmem:$0x7B0];
	(erf) = vpow2.f32 v21;
	_ =	sdelay $0x1  }
0x246: {  	v37 =	vld [tilespmem:$0x9B0];
	_ =	sdelay $0x2  }
0x247: {  	v21 =	vsub.f32 v35, v36;
	_ =	sdelay $0x1  }
0x248: {  	v21 =	vmul.f32 v21, v37  }
0x249: {  	v38 =	vpop (erf)  }
0x24a: {  	v21 =	vsub.f32 $0.0e+00, v21;
	v39 =	vpop (erf)  }
0x24b: {  	v27 =	vadd.f32 $1.000000000e+00, v39  }
0x24c: {  	v21 =	vmul.f32 $1.442695020e+00, v21  }
0x24d: {  	v40 =	vld [tilespmem:$0x5C0];
	(erf) = vrcp.f32 v27  }
0x24e: {  	v41 =	vld [tilespmem:$0x7C0];
	(erf) = vpow2.f32 v21;
	_ =	sdelay $0x1  }
0x24f: {  	v42 =	vld [tilespmem:$0x9C0];
	_ =	sdelay $0x2  }
0x250: {  	v21 =	vsub.f32 v40, v41;
	_ =	sdelay $0x1  }
0x251: {  	v21 =	vmul.f32 v21, v42  }
0x252: {  	v43 =	vpop (erf)  }
0x253: {  	v21 =	vsub.f32 $0.0e+00, v21;
	v44 =	vpop (erf)  }
0x254: {  	v28 =	vadd.f32 $1.000000000e+00, v44  }
0x255: {  	v21 =	vmul.f32 $1.442695020e+00, v21  }
0x256: {  	v45 =	vld [tilespmem:$0x5D0];
	(erf) = vrcp.f32 v28  }
0x257: {  	v46 =	vld [tilespmem:$0x7D0];
	(erf) = vpow2.f32 v21;
	_ =	sdelay $0x1  }
0x258: {  	v47 =	vld [tilespmem:$0x9D0];
	_ =	sdelay $0x2  }
0x259: {  	v21 =	vsub.f32 v45, v46;
	_ =	sdelay $0x1  }
0x25a: {  	v21 =	vmul.f32 v21, v47  }
0x25b: {  	v48 =	vpop (erf)  }
0x25c: {  	v21 =	vsub.f32 $0.0e+00, v21;
	v49 =	vpop (erf)  }
0x25d: {  	v29 =	vadd.f32 $1.000000000e+00, v49  }
0x25e: {  	v21 =	vmul.f32 $1.442695020e+00, v21  }
0x25f: {  	v50 =	vld [tilespmem:$0x5E0];
	(erf) = vrcp.f32 v29  }
0x260: {  	v51 =	vld [tilespmem:$0x7E0];
	(erf) = vpow2.f32 v21;
	_ =	sdelay $0x1  }
0x261: {  	v52 =	vld [tilespmem:$0x9E0];
	_ =	sdelay $0x2  }
0x262: {  	v21 =	vsub.f32 v50, v51;
	_ =	sdelay $0x1  }
0x263: {  	v21 =	vmul.f32 v21, v52  }
0x264: {  	v53 =	vpop (erf)  }
0x265: {  	v21 =	vsub.f32 $0.0e+00, v21;
	v54 =	vpop (erf)  }
0x266: {  	v30 =	vadd.f32 $1.000000000e+00, v54  }
0x267: {  	v21 =	vmul.f32 $1.442695020e+00, v21  }
0x268: {  	v55 =	vld [tilespmem:$0x5F0];
	(erf) = vrcp.f32 v30  }
0x269: {  	v56 =	vld [tilespmem:$0x7F0];
	(erf) = vpow2.f32 v21;
	_ =	sdelay $0x1  }
0x26a: {  	v57 =	vld [tilespmem:$0x9F0];
	_ =	sdelay $0x1  }
0x26b: {  	[tilespmem:$0xA00] =	vst v0  }
0x26c: {  	[tilespmem:$0xA10] =	vst v1;
	v58 =	vsub.f32 v55, v56  }
0x26d: {  	[tilespmem:$0xA20] =	vst v2  }
0x26e: {  	[tilespmem:$0xA30] =	vst v3;
	v0 =	vmul.f32 v58, v57  }
0x26f: {  	[tilespmem:$0xA40] =	vst v4;
	v59 =	vpop (erf)  }
0x270: {  	[tilespmem:$0xA50] =	vst v5;
	v0 =	vsub.f32 $0.0e+00, v0;
	v60 =	vpop (erf)  }
0x271: {  	[tilespmem:$0xA60] =	vst v6;
	v2 =	vadd.f32 $1.000000000e+00, v60  }
0x272: {  	[tilespmem:$0xA70] =	vst v7;
	v0 =	vmul.f32 $1.442695020e+00, v0  }
0x273: {  	[tilespmem:$0xA80] =	vst v8;
	(erf) = vrcp.f32 v2  }
0x274: {  	[tilespmem:$0xA90] =	vst v9;
	(erf) = vpow2.f32 v0  }
0x275: {  	[tilespmem:$0xAA0] =	vst v10  }
0x276: {  	[tilespmem:$0xAB0] =	vst v11  }
0x277: {  	[tilespmem:$0xAC0] =	vst v12  }
0x278: {  	[tilespmem:$0xAD0] =	vst v13  }
0x279: {  	[tilespmem:$0xAE0] =	vst v14  }
0x27a: {  	[tilespmem:$0xAF0] =	vst v15  }
0x27b: {  	[tilespmem:$0xB00] =	vst v16  }
0x27c: {  	[tilespmem:$0xB10] =	vst v17;
	v61 =	vpop (erf)  }
0x27d: {  	[tilespmem:$0xB20] =	vst v18;
	v62 =	vpop (erf)  }
0x27e: {  	[tilespmem:$0xB30] =	vst v19;
	v2 =	vadd.f32 $1.000000000e+00, v62  }
0x27f: {  	[tilespmem:$0xB40] =	vst v20  }
0x280: {  	[tilespmem:$0xB50] =	vst v22;
	(erf) = vrcp.f32 v2  }
0x281: {  	[tilespmem:$0xB60] =	vst v23  }
0x282: {  	[tilespmem:$0xB70] =	vst v63  }
0x283: {  	[tilespmem:$0xB80] =	vst v33  }
0x284: {  	[tilespmem:$0xB90] =	vst v38  }
0x285: {  	[tilespmem:$0xBA0] =	vst v43  }
0x286: {  	[tilespmem:$0xBB0] =	vst v48  }
0x287: {  	[tilespmem:$0xBC0] =	vst v53  }
0x288: {  	[tilespmem:$0xBD0] =	vst v59  }
0x289: {  	p0 =	sne.s32 s9, $0x1;
	[tilespmem:$0xBE0] =	vst v61;
	v63 =	vpop (erf)  }
.Ltmp0:
0x28a: {  	[tilespmem:$0xBF0] =	vst v63;
	(pc) =	sbr.rel @p0 .LBB2_1-.Ltmp0, $4  }
0x28b: {  	[hbm4b:s8+s1] =	stream.linear.scatter [tilespmem:s17], [sflag:$0x4], $0x200, $0x38;
	[tilespmem:$0xC00] =	vst v63  }
0x28c: {  	_ =	swait.ge [sflag:s18], $0x200  }
0x28d: {  	[sflag:s18] =	ssyncset.done $0x0  }
0x28e: {  	s9 =	sadd.s32 $0xFFFFFFFF, s9;
	[sflag:s18] =	ssyncadd.s32 $0xFFFFFE00  }
0x28f: {  	_ =	sfence.sel $0x180000  }
0x290: {  	[bflag:$0x0] =	sbarrier.arrive $0xFFFF  }
0x291: {  	p0 =	sne.s32 s2, $0x0;
	_ =	strace $0x90000047  }
0x292: {  	s0 =	sadd.s32 @!p0 $0x100000, s0;
	[bflag:$0x2] =	sbarrier.arrive $0xFFFF  }
0x293: {  	[sflag:s0] =	ssyncadd.tile.s32 @!p0 $0x1;
	_ =	shalt  }
.Lfunc_end2:
_tile_overlayer_lowered:
.L_overlay_start_2:
0x294: {  	(tag) =	ssettag $0x2  }
0x295: {  	s0 =	rddreg [dreg:$0x0];
	s2 =	stileid.u32  }
0x296: {  	s1 =	rddreg [dreg:$0x1];
	p0 =	sne.s32 s2, $0x0  }
0x297: {  	s3 =	rddreg [dreg:$0x2];
	[bflag:$0x3] =	sbarrier.arrive $0xFFFF;
	s2 =	simm.s32 @!p0 $0x1C04  }
0x298: {  	[timem:s3], [sflag:s2] =	dma.local @!p0 [hbm:s0], s1  }
0x299: {  	s0 =	simm.s32 @!p0 $0x4  }
0x29a: {  	_ =	swait.ge @!p0 [sflag:s0], s1  }
0x29b: {  	s1 =	ssub.s32 @!p0 $0x0, s1;
	[sflag:s0] =	ssyncset.done @!p0 $0x0  }
0x29c: {  	[sflag:s0] =	ssyncadd.s32 @!p0 s1  }
0x29d: {  	[bflag:$0x3] =	sbarrier.arrive $0xFFFF  }
0x29e: {  	_ =	shalt  }

</sc_bundles>
